<compile_context>
chip_gen: v7x
topology: tpu7x:2x2x1
jax: 0.10.2.dev20260603
libtpu: 0.0.44.dev20260713+nightly
codegen_flags: <defaults>
</compile_context>

<pallas_src>
import functools

import jax
import jax.numpy as jnp
from jax import lax
from jax.experimental import pallas as pl
from jax.experimental.pallas import tpu as pltpu
from jax.experimental.pallas import tpu_sc as plsc

B, L, D = 4096, 200, 64
NC, NS = 2, 16
NW = NC * NS
BB = B // NW
DH, DL, BL = D // 8, 8, 128
LH, LL = L // 8, 8


def _encoder_sc(x4, wt, pt4):
    mesh = plsc.VectorSubcoreMesh(core_axis_name="c", subcore_axis_name="s")

    @functools.partial(
        pl.kernel,
        mesh=mesh,
        out_type=jax.ShapeDtypeStruct((L, DH, NW, DL, BL), jnp.float32),
        scratch_types=[
            pltpu.VMEM((LH, LL, BB), jnp.int32),
            pltpu.VMEM((BB, D), jnp.float32),
            pltpu.VMEM((BB, D), jnp.float32),
            pltpu.VMEM((BB, D), jnp.float32),
            pltpu.VMEM((BB, D), jnp.float32),
            pltpu.VMEM((BB, D), jnp.float32),
            pltpu.VMEM((BB, D), jnp.float32),
            pltpu.VMEM((DH, DL, BL + 1), jnp.float32),
            pltpu.VMEM((DH, DL, BL + 1), jnp.float32),
            pltpu.VMEM((DH, 2, DL, 128), jnp.float32),
            pltpu.VMEM((L, D), jnp.float32),
            pltpu.SemaphoreType.DMA,
            pltpu.SemaphoreType.DMA,
            pltpu.SemaphoreType.DMA,
            pltpu.SemaphoreType.DMA,
            pltpu.SemaphoreType.DMA,
            pltpu.SemaphoreType.DMA,
            pltpu.SemaphoreType.DMA,
            pltpu.SemaphoreType.DMA,
        ],
        compiler_params=pltpu.CompilerParams(
            use_tc_tiling_on_sc=False, needs_layout_passes=False),
    )
    def k(x_hbm, wt_hbm, pt_hbm, out_hbm,
          xblk, rows0, rows1, rows2, rows3, rows4, rows5,
          stg0, stg1, pos_v, pos_lin,
          g0, g1, g2, g3, g4, g5, s0, s1):
        wid = lax.axis_index("s") * NC + lax.axis_index("c")
        rows = (rows0, rows1, rows2, rows3, rows4, rows5)
        stg = (stg0, stg1)
        gs = (g0, g1, g2, g3, g4, g5)
        ss = (s0, s1)

        pltpu.sync_copy(x_hbm.at[:, wid], xblk)

        iota16 = lax.broadcasted_iota(jnp.int32, (16,), 0)
        NCG = D // 16
        c_d = [iota16 + c * 16 for c in range(NCG)]
        c_dh = [d // 8 for d in c_d]
        c_dl = [d % 8 for d in c_d]

        def stage_pos():
            pltpu.sync_copy(pt_hbm.at[:, pl.ds(0, 2)], pos_v)

            @plsc.parallel_loop(0, L)
            def _(l):
                lh4 = jnp.full((16,), l // 128, jnp.int32)
                ll4 = jnp.full((16,), l % 128, jnp.int32)
                for c in range(NCG):
                    v = plsc.load_gather(pos_v, [c_dh[c], lh4, c_dl[c], ll4])
                    pos_lin[l, pl.ds(c * 16, 16)] = v

        def fire_gather(l, b):
            lh, ll = l // 8, l % 8
            pltpu.async_copy(wt_hbm.at[xblk.at[lh, ll, pl.ds(0, BB // 2)]],
                             rows[b].at[pl.ds(0, BB // 2)], gs[b])
            pltpu.async_copy(wt_hbm.at[xblk.at[lh, ll, pl.ds(BB // 2, BB // 2)]],
                             rows[b].at[pl.ds(BB // 2, BB // 2)], gs[b])

        def wait_gather(b):
            pltpu.make_async_copy(wt_hbm.at[pl.ds(0, BB)], rows[b], gs[b]).wait()

        def tadd(l, rb, sb):
            pvecs = [pos_lin[l, pl.ds(c * 16, 16)] for c in range(NCG)]

            @plsc.parallel_loop(0, BB)
            def _(r):
                rvec = jnp.full((16,), r, jnp.int32)
                for c in range(NCG):
                    v = rows[rb][r, pl.ds(c * 16, 16)]
                    plsc.store_scatter(
                        stg[sb], [c_dh[c], c_dl[c], rvec], v + pvecs[c])

        def fire_scatter(l, b):
            pltpu.async_copy(stg[b].at[:, :, pl.ds(0, BL)],
                             out_hbm.at[l, :, wid], ss[b])

        def wait_scatter(b):
            pltpu.make_async_copy(stg[b].at[:, :, pl.ds(0, BL)],
                                  out_hbm.at[0, :, 0], ss[b]).wait()

        def step(l, rb, sb):
            wait_gather(rb)

            @pl.when(l >= 2)
            def _():
                wait_scatter(sb)

            tadd(l, rb, sb)

            @pl.when(l + 6 < L)
            def _():
                fire_gather(l + 6, rb)

            fire_scatter(l, sb)

        for b in range(6):
            fire_gather(b, b)
        stage_pos()

        def sext(kk, carry):
            l = 6 * kk
            for j in range(6):
                step(l + j, j, j % 2)
            return carry

        lax.fori_loop(0, (L - 2) // 6, sext, 0)
        step(L - 2, 0, 0)
        step(L - 1, 1, 1)
        wait_scatter(0)
        wait_scatter(1)

    return k(x4, wt, pt4)


def kernel(x, word_table, pos_table):
    x4 = jnp.transpose(
        x.astype(jnp.int32).T.reshape(LH, LL, NW, BL), (0, 2, 1, 3))
    pt4 = jnp.transpose(pos_table.T.reshape(DH, DL, 4, 128), (0, 2, 1, 3))
    out5 = _encoder_sc(x4, word_table, pt4)
    return jnp.transpose(out5, (2, 4, 0, 1, 3)).reshape(B, L, D)

# --- scband reference (transcript-rebuilt; emitter-appended) ---
"""Pipeline reference for scband-encoder-51110110823152 (READ-ONLY COPY).

The authoritative reference and input builder live on the scoring server;
editing this copy changes nothing except your own understanding.
"""

import jax, jax.numpy as jnp
import numpy as np


def setup_inputs(seed: int = 0) -> dict:
    key = jax.random.key(seed)
    k1, k2, k3 = jax.random.split(key, 3)
    x = jax.random.randint(k1, (4096, 200), 0, 100000)
    # learned parameters per init_kwargs
    word_table = jax.random.normal(k2, (100000, 64), dtype=jnp.float32) * 0.02
    pos_table = jax.random.normal(k3, (512, 64), dtype=jnp.float32) * 0.02
    return {"x": x, "word_table": word_table, "pos_table": pos_table}


def reference(x, word_table, pos_table):
    # Encoder front-end: word embedding gather + positional embedding gather, summed.
    # (dropout is identity in eval mode)
    B, L = x.shape
    positions = jnp.arange(L, dtype=jnp.int32)
    word_emb = jnp.take(word_table, x, axis=0)           # [B, L, D] gather
    pos_emb = jnp.take(pos_table, positions, axis=0)     # [L, D] gather
    out = word_emb + pos_emb[None, :, :]
    return out

if __name__ == "__main__":
    import jax
    _d = setup_inputs()
    print(jax.jit(kernel)(*tuple(_d.values())))

</pallas_src>

<mosaic_0001>
#map = affine_map<(d0, d1) -> (0, 0, 0, 0)>
#map1 = affine_map<(d0, d1) -> (0, 0)>
#map2 = affine_map<(d0, d1) -> (0, 0, 0, 0, 0)>
module attributes {stable_mosaic.version = 14 : i64} {
  func.func @k(%arg0: i32, %arg1: i32, %arg2: memref<25x32x8x128xi32, #tpu.memory_space<hbm>>, %arg3: memref<100000x64xf32, #tpu.memory_space<hbm>>, %arg4: memref<8x4x8x128xf32, #tpu.memory_space<hbm>>, %arg5: memref<200x8x32x8x128xf32, #tpu.memory_space<hbm>>, %arg6: memref<25x8x128xi32, #tpu.memory_space<vmem>>, %arg7: memref<128x64xf32, #tpu.memory_space<vmem>>, %arg8: memref<128x64xf32, #tpu.memory_space<vmem>>, %arg9: memref<128x64xf32, #tpu.memory_space<vmem>>, %arg10: memref<128x64xf32, #tpu.memory_space<vmem>>, %arg11: memref<128x64xf32, #tpu.memory_space<vmem>>, %arg12: memref<128x64xf32, #tpu.memory_space<vmem>>, %arg13: memref<8x8x129xf32, #tpu.memory_space<vmem>>, %arg14: memref<8x8x129xf32, #tpu.memory_space<vmem>>, %arg15: memref<8x2x8x128xf32, #tpu.memory_space<vmem>>, %arg16: memref<200x64xf32, #tpu.memory_space<vmem>>, %arg17: memref<!tpu.dma_semaphore, #tpu.memory_space<semaphore_mem>>, %arg18: memref<!tpu.dma_semaphore, #tpu.memory_space<semaphore_mem>>, %arg19: memref<!tpu.dma_semaphore, #tpu.memory_space<semaphore_mem>>, %arg20: memref<!tpu.dma_semaphore, #tpu.memory_space<semaphore_mem>>, %arg21: memref<!tpu.dma_semaphore, #tpu.memory_space<semaphore_mem>>, %arg22: memref<!tpu.dma_semaphore, #tpu.memory_space<semaphore_mem>>, %arg23: memref<!tpu.dma_semaphore, #tpu.memory_space<semaphore_mem>>, %arg24: memref<!tpu.dma_semaphore, #tpu.memory_space<semaphore_mem>>) attributes {dimension_semantics = [#tpu.dimension_semantics<core_parallel>, #tpu.dimension_semantics<subcore_parallel>], iteration_bounds = array<i64: 2, 16>, scalar_prefetch = 0 : i64, scratch_operands = 19 : i64, tpu.core_type = #tpu.core_type<sc_vector_subcore>, window_params = [{transform_indices = #map}, {transform_indices = #map1}, {transform_indices = #map}, {transform_indices = #map2}]} {
    %mul3A = arith.constant 2 : i32
    %mul3A_0 = arith.muli %arg1, %mul3A : i32
    %add3A = arith.addi %mul3A_0, %arg0 : i32
    "tpu.region"() ({
      %run_scoped3A = tpu.sem_alloc : memref<!tpu.dma_semaphore, #tpu.memory_space<semaphore_mem>>
      %dma_start3A_519 = arith.constant 0 : i32
      %dma_start3A_520 = arith.constant 0 : i32
      %dma_start3A_521 = arith.constant 0 : i32
      %dma_start3A_522 = tpu.memref_slice %arg2[%dma_start3A_519, %add3A, %dma_start3A_520, %dma_start3A_521] : memref<25x32x8x128xi32, #tpu.memory_space<hbm>> -> memref<25x1x8x128xi32, #tpu.memory_space<hbm>>
      %dma_start3A_523 = tpu.memref_squeeze %dma_start3A_522 : memref<25x1x8x128xi32, #tpu.memory_space<hbm>> -> memref<25x8x128xi32, #tpu.memory_space<hbm>>
      %dma_start3A_524 = arith.constant 0 : i32
      %dma_start3A_525 = arith.constant 0 : i32
      %dma_start3A_526 = arith.constant 0 : i32
      %dma_start3A_527 = tpu.memref_slice %arg2[%dma_start3A_524, %add3A, %dma_start3A_525, %dma_start3A_526] : memref<25x32x8x128xi32, #tpu.memory_space<hbm>> -> memref<25x1x8x128xi32, #tpu.memory_space<hbm>>
      %dma_start3A_528 = tpu.memref_squeeze %dma_start3A_527 : memref<25x1x8x128xi32, #tpu.memory_space<hbm>> -> memref<25x8x128xi32, #tpu.memory_space<hbm>>
      tpu.enqueue_dma source(%dma_start3A_528 : memref<25x8x128xi32, #tpu.memory_space<hbm>>) target(%arg6 : memref<25x8x128xi32, #tpu.memory_space<vmem>>) target_semaphore(%run_scoped3A : memref<!tpu.dma_semaphore, #tpu.memory_space<semaphore_mem>>)
      %dma_wait3A_529 = arith.constant 0 : i32
      %dma_wait3A_530 = arith.constant 0 : i32
      %dma_wait3A_531 = arith.constant 0 : i32
      %dma_wait3A_532 = tpu.memref_slice %arg2[%dma_wait3A_529, %add3A, %dma_wait3A_530, %dma_wait3A_531] : memref<25x32x8x128xi32, #tpu.memory_space<hbm>> -> memref<25x1x8x128xi32, #tpu.memory_space<hbm>>
      %dma_wait3A_533 = tpu.memref_squeeze %dma_wait3A_532 : memref<25x1x8x128xi32, #tpu.memory_space<hbm>> -> memref<25x8x128xi32, #tpu.memory_space<hbm>>
      %dma_wait3A_534 = arith.constant 0 : i32
      %dma_wait3A_535 = arith.constant 0 : i32
      %dma_wait3A_536 = arith.constant 0 : i32
      %dma_wait3A_537 = tpu.memref_slice %arg2[%dma_wait3A_534, %add3A, %dma_wait3A_535, %dma_wait3A_536] : memref<25x32x8x128xi32, #tpu.memory_space<hbm>> -> memref<25x1x8x128xi32, #tpu.memory_space<hbm>>
      %dma_wait3A_538 = tpu.memref_squeeze %dma_wait3A_537 : memref<25x1x8x128xi32, #tpu.memory_space<hbm>> -> memref<25x8x128xi32, #tpu.memory_space<hbm>>
      tpu.wait_dma2 semaphore(%run_scoped3A : memref<!tpu.dma_semaphore, #tpu.memory_space<semaphore_mem>>) src(%dma_wait3A_538 : memref<25x8x128xi32, #tpu.memory_space<hbm>>) dst(%arg6 : memref<25x8x128xi32, #tpu.memory_space<vmem>>)
      tpu.yield
    }) : () -> ()
    %iota3A = tpu.iota {dimensions = array<i32: 0>} : vector<16xi32>
    %add3A_1 = arith.constant 0 : i32
    %add3A_2 = vector.broadcast %add3A_1 : i32 to vector<16xi32>
    %add3A_3 = arith.addi %iota3A, %add3A_2 : vector<16xi32>
    %add3A_4 = arith.constant 16 : i32
    %add3A_5 = vector.broadcast %add3A_4 : i32 to vector<16xi32>
    %add3A_6 = arith.addi %iota3A, %add3A_5 : vector<16xi32>
    %add3A_7 = arith.constant 32 : i32
    %add3A_8 = vector.broadcast %add3A_7 : i32 to vector<16xi32>
    %add3A_9 = arith.addi %iota3A, %add3A_8 : vector<16xi32>
    %add3A_10 = arith.constant 48 : i32
    %add3A_11 = vector.broadcast %add3A_10 : i32 to vector<16xi32>
    %add3A_12 = arith.addi %iota3A, %add3A_11 : vector<16xi32>
    %jit3A = arith.constant 8 : i32
    %div3A = vector.broadcast %jit3A : i32 to vector<16xi32>
    %div3A_13 = arith.divsi %add3A_3, %div3A : vector<16xi32>
    %sign3A = arith.constant 0 : i32
    %sign3A_14 = vector.broadcast %sign3A : i32 to vector<16xi32>
    %sign3A_15 = arith.cmpi sgt, %add3A_3, %sign3A_14 : vector<16xi32>
    %sign3A_16 = arith.extui %sign3A_15 : vector<16xi1> to vector<16xi32>
    %sign3A_17 = arith.constant 0 : i32
    %sign3A_18 = vector.broadcast %sign3A_17 : i32 to vector<16xi32>
    %sign3A_19 = arith.cmpi slt, %add3A_3, %sign3A_18 : vector<16xi32>
    %sign3A_20 = arith.extui %sign3A_19 : vector<16xi1> to vector<16xi32>
    %sign3A_21 = arith.subi %sign3A_16, %sign3A_20 : vector<16xi32>
    %sign3A_22 = arith.constant 0 : i32
    %sign3A_23 = arith.cmpi sgt, %jit3A, %sign3A_22 : i32
    %sign3A_24 = arith.extui %sign3A_23 : i1 to i32
    %sign3A_25 = arith.constant 0 : i32
    %sign3A_26 = arith.cmpi slt, %jit3A, %sign3A_25 : i32
    %sign3A_27 = arith.extui %sign3A_26 : i1 to i32
    %sign3A_28 = arith.subi %sign3A_24, %sign3A_27 : i32
    %ne3A = vector.broadcast %sign3A_28 : i32 to vector<16xi32>
    %ne3A_29 = arith.cmpi ne, %sign3A_21, %ne3A : vector<16xi32>
    %rem3A = vector.broadcast %jit3A : i32 to vector<16xi32>
    %rem3A_30 = arith.remsi %add3A_3, %rem3A : vector<16xi32>
    %ne3A_31 = arith.constant 0 : i32
    %ne3A_32 = vector.broadcast %ne3A_31 : i32 to vector<16xi32>
    %ne3A_33 = arith.cmpi ne, %rem3A_30, %ne3A_32 : vector<16xi32>
    %and3A = arith.andi %ne3A_29, %ne3A_33 : vector<16xi1>
    %sub3A = arith.constant 1 : i32
    %sub3A_34 = vector.broadcast %sub3A : i32 to vector<16xi32>
    %sub3A_35 = arith.subi %div3A_13, %sub3A_34 : vector<16xi32>
    %select_n3A = arith.select %and3A, %sub3A_35, %div3A_13 : vector<16xi1>, vector<16xi32>
    %jit3A_36 = arith.constant 8 : i32
    %div3A_37 = vector.broadcast %jit3A_36 : i32 to vector<16xi32>
    %div3A_38 = arith.divsi %add3A_6, %div3A_37 : vector<16xi32>
    %sign3A_39 = arith.constant 0 : i32
    %sign3A_40 = vector.broadcast %sign3A_39 : i32 to vector<16xi32>
    %sign3A_41 = arith.cmpi sgt, %add3A_6, %sign3A_40 : vector<16xi32>
    %sign3A_42 = arith.extui %sign3A_41 : vector<16xi1> to vector<16xi32>
    %sign3A_43 = arith.constant 0 : i32
    %sign3A_44 = vector.broadcast %sign3A_43 : i32 to vector<16xi32>
    %sign3A_45 = arith.cmpi slt, %add3A_6, %sign3A_44 : vector<16xi32>
    %sign3A_46 = arith.extui %sign3A_45 : vector<16xi1> to vector<16xi32>
    %sign3A_47 = arith.subi %sign3A_42, %sign3A_46 : vector<16xi32>
    %sign3A_48 = arith.constant 0 : i32
    %sign3A_49 = arith.cmpi sgt, %jit3A_36, %sign3A_48 : i32
    %sign3A_50 = arith.extui %sign3A_49 : i1 to i32
    %sign3A_51 = arith.constant 0 : i32
    %sign3A_52 = arith.cmpi slt, %jit3A_36, %sign3A_51 : i32
    %sign3A_53 = arith.extui %sign3A_52 : i1 to i32
    %sign3A_54 = arith.subi %sign3A_50, %sign3A_53 : i32
    %ne3A_55 = vector.broadcast %sign3A_54 : i32 to vector<16xi32>
    %ne3A_56 = arith.cmpi ne, %sign3A_47, %ne3A_55 : vector<16xi32>
    %rem3A_57 = vector.broadcast %jit3A_36 : i32 to vector<16xi32>
    %rem3A_58 = arith.remsi %add3A_6, %rem3A_57 : vector<16xi32>
    %ne3A_59 = arith.constant 0 : i32
    %ne3A_60 = vector.broadcast %ne3A_59 : i32 to vector<16xi32>
    %ne3A_61 = arith.cmpi ne, %rem3A_58, %ne3A_60 : vector<16xi32>
    %and3A_62 = arith.andi %ne3A_56, %ne3A_61 : vector<16xi1>
    %sub3A_63 = arith.constant 1 : i32
    %sub3A_64 = vector.broadcast %sub3A_63 : i32 to vector<16xi32>
    %sub3A_65 = arith.subi %div3A_38, %sub3A_64 : vector<16xi32>
    %select_n3A_66 = arith.select %and3A_62, %sub3A_65, %div3A_38 : vector<16xi1>, vector<16xi32>
    %jit3A_67 = arith.constant 8 : i32
    %div3A_68 = vector.broadcast %jit3A_67 : i32 to vector<16xi32>
    %div3A_69 = arith.divsi %add3A_9, %div3A_68 : vector<16xi32>
    %sign3A_70 = arith.constant 0 : i32
    %sign3A_71 = vector.broadcast %sign3A_70 : i32 to vector<16xi32>
    %sign3A_72 = arith.cmpi sgt, %add3A_9, %sign3A_71 : vector<16xi32>
    %sign3A_73 = arith.extui %sign3A_72 : vector<16xi1> to vector<16xi32>
    %sign3A_74 = arith.constant 0 : i32
    %sign3A_75 = vector.broadcast %sign3A_74 : i32 to vector<16xi32>
    %sign3A_76 = arith.cmpi slt, %add3A_9, %sign3A_75 : vector<16xi32>
    %sign3A_77 = arith.extui %sign3A_76 : vector<16xi1> to vector<16xi32>
    %sign3A_78 = arith.subi %sign3A_73, %sign3A_77 : vector<16xi32>
    %sign3A_79 = arith.constant 0 : i32
    %sign3A_80 = arith.cmpi sgt, %jit3A_67, %sign3A_79 : i32
    %sign3A_81 = arith.extui %sign3A_80 : i1 to i32
    %sign3A_82 = arith.constant 0 : i32
    %sign3A_83 = arith.cmpi slt, %jit3A_67, %sign3A_82 : i32
    %sign3A_84 = arith.extui %sign3A_83 : i1 to i32
    %sign3A_85 = arith.subi %sign3A_81, %sign3A_84 : i32
    %ne3A_86 = vector.broadcast %sign3A_85 : i32 to vector<16xi32>
    %ne3A_87 = arith.cmpi ne, %sign3A_78, %ne3A_86 : vector<16xi32>
    %rem3A_88 = vector.broadcast %jit3A_67 : i32 to vector<16xi32>
    %rem3A_89 = arith.remsi %add3A_9, %rem3A_88 : vector<16xi32>
    %ne3A_90 = arith.constant 0 : i32
    %ne3A_91 = vector.broadcast %ne3A_90 : i32 to vector<16xi32>
    %ne3A_92 = arith.cmpi ne, %rem3A_89, %ne3A_91 : vector<16xi32>
    %and3A_93 = arith.andi %ne3A_87, %ne3A_92 : vector<16xi1>
    %sub3A_94 = arith.constant 1 : i32
    %sub3A_95 = vector.broadcast %sub3A_94 : i32 to vector<16xi32>
    %sub3A_96 = arith.subi %div3A_69, %sub3A_95 : vector<16xi32>
    %select_n3A_97 = arith.select %and3A_93, %sub3A_96, %div3A_69 : vector<16xi1>, vector<16xi32>
    %jit3A_98 = arith.constant 8 : i32
    %div3A_99 = vector.broadcast %jit3A_98 : i32 to vector<16xi32>
    %div3A_100 = arith.divsi %add3A_12, %div3A_99 : vector<16xi32>
    %sign3A_101 = arith.constant 0 : i32
    %sign3A_102 = vector.broadcast %sign3A_101 : i32 to vector<16xi32>
    %sign3A_103 = arith.cmpi sgt, %add3A_12, %sign3A_102 : vector<16xi32>
    %sign3A_104 = arith.extui %sign3A_103 : vector<16xi1> to vector<16xi32>
    %sign3A_105 = arith.constant 0 : i32
    %sign3A_106 = vector.broadcast %sign3A_105 : i32 to vector<16xi32>
    %sign3A_107 = arith.cmpi slt, %add3A_12, %sign3A_106 : vector<16xi32>
    %sign3A_108 = arith.extui %sign3A_107 : vector<16xi1> to vector<16xi32>
    %sign3A_109 = arith.subi %sign3A_104, %sign3A_108 : vector<16xi32>
    %sign3A_110 = arith.constant 0 : i32
    %sign3A_111 = arith.cmpi sgt, %jit3A_98, %sign3A_110 : i32
    %sign3A_112 = arith.extui %sign3A_111 : i1 to i32
    %sign3A_113 = arith.constant 0 : i32
    %sign3A_114 = arith.cmpi slt, %jit3A_98, %sign3A_113 : i32
    %sign3A_115 = arith.extui %sign3A_114 : i1 to i32
    %sign3A_116 = arith.subi %sign3A_112, %sign3A_115 : i32
    %ne3A_117 = vector.broadcast %sign3A_116 : i32 to vector<16xi32>
    %ne3A_118 = arith.cmpi ne, %sign3A_109, %ne3A_117 : vector<16xi32>
    %rem3A_119 = vector.broadcast %jit3A_98 : i32 to vector<16xi32>
    %rem3A_120 = arith.remsi %add3A_12, %rem3A_119 : vector<16xi32>
    %ne3A_121 = arith.constant 0 : i32
    %ne3A_122 = vector.broadcast %ne3A_121 : i32 to vector<16xi32>
    %ne3A_123 = arith.cmpi ne, %rem3A_120, %ne3A_122 : vector<16xi32>
    %and3A_124 = arith.andi %ne3A_118, %ne3A_123 : vector<16xi1>
    %sub3A_125 = arith.constant 1 : i32
    %sub3A_126 = vector.broadcast %sub3A_125 : i32 to vector<16xi32>
    %sub3A_127 = arith.subi %div3A_100, %sub3A_126 : vector<16xi32>
    %select_n3A_128 = arith.select %and3A_124, %sub3A_127, %div3A_100 : vector<16xi1>, vector<16xi32>
    %jit3A_129 = arith.constant 8 : i32
    %eq3A = arith.constant 0 : i32
    %eq3A_130 = arith.cmpi eq, %jit3A_129, %eq3A : i32
    %jit3A_131 = arith.constant 1 : i32
    %select_n3A_132 = arith.select %eq3A_130, %jit3A_131, %jit3A_129 : i32
    %rem3A_133 = vector.broadcast %select_n3A_132 : i32 to vector<16xi32>
    %rem3A_134 = arith.remsi %add3A_3, %rem3A_133 : vector<16xi32>
    %ne3A_135 = arith.constant 0 : i32
    %ne3A_136 = vector.broadcast %ne3A_135 : i32 to vector<16xi32>
    %ne3A_137 = arith.cmpi ne, %rem3A_134, %ne3A_136 : vector<16xi32>
    %lt3A = arith.constant 0 : i32
    %lt3A_138 = vector.broadcast %lt3A : i32 to vector<16xi32>
    %lt3A_139 = arith.cmpi slt, %rem3A_134, %lt3A_138 : vector<16xi32>
    %lt3A_140 = arith.constant 0 : i32
    %lt3A_141 = arith.cmpi slt, %select_n3A_132, %lt3A_140 : i32
    %ne3A_142 = vector.broadcast %lt3A_141 : i1 to vector<16xi1>
    %ne3A_143 = vector.broadcast %ne3A_142 : vector<16xi1> to vector<16xi1>
    %ne3A_144 = arith.xori %lt3A_139, %ne3A_143 : vector<16xi1>
    %and3A_145 = arith.andi %ne3A_144, %ne3A_137 : vector<16xi1>
    %add3A_146 = vector.broadcast %select_n3A_132 : i32 to vector<16xi32>
    %add3A_147 = arith.addi %rem3A_134, %add3A_146 : vector<16xi32>
    %select_n3A_148 = arith.select %and3A_145, %add3A_147, %rem3A_134 : vector<16xi1>, vector<16xi32>
    %jit3A_149 = arith.constant 8 : i32
    %eq3A_150 = arith.constant 0 : i32
    %eq3A_151 = arith.cmpi eq, %jit3A_149, %eq3A_150 : i32
    %jit3A_152 = arith.constant 1 : i32
    %select_n3A_153 = arith.select %eq3A_151, %jit3A_152, %jit3A_149 : i32
    %rem3A_154 = vector.broadcast %select_n3A_153 : i32 to vector<16xi32>
    %rem3A_155 = arith.remsi %add3A_6, %rem3A_154 : vector<16xi32>
    %ne3A_156 = arith.constant 0 : i32
    %ne3A_157 = vector.broadcast %ne3A_156 : i32 to vector<16xi32>
    %ne3A_158 = arith.cmpi ne, %rem3A_155, %ne3A_157 : vector<16xi32>
    %lt3A_159 = arith.constant 0 : i32
    %lt3A_160 = vector.broadcast %lt3A_159 : i32 to vector<16xi32>
    %lt3A_161 = arith.cmpi slt, %rem3A_155, %lt3A_160 : vector<16xi32>
    %lt3A_162 = arith.constant 0 : i32
    %lt3A_163 = arith.cmpi slt, %select_n3A_153, %lt3A_162 : i32
    %ne3A_164 = vector.broadcast %lt3A_163 : i1 to vector<16xi1>
    %ne3A_165 = vector.broadcast %ne3A_164 : vector<16xi1> to vector<16xi1>
    %ne3A_166 = arith.xori %lt3A_161, %ne3A_165 : vector<16xi1>
    %and3A_167 = arith.andi %ne3A_166, %ne3A_158 : vector<16xi1>
    %add3A_168 = vector.broadcast %select_n3A_153 : i32 to vector<16xi32>
    %add3A_169 = arith.addi %rem3A_155, %add3A_168 : vector<16xi32>
    %select_n3A_170 = arith.select %and3A_167, %add3A_169, %rem3A_155 : vector<16xi1>, vector<16xi32>
    %jit3A_171 = arith.constant 8 : i32
    %eq3A_172 = arith.constant 0 : i32
    %eq3A_173 = arith.cmpi eq, %jit3A_171, %eq3A_172 : i32
    %jit3A_174 = arith.constant 1 : i32
    %select_n3A_175 = arith.select %eq3A_173, %jit3A_174, %jit3A_171 : i32
    %rem3A_176 = vector.broadcast %select_n3A_175 : i32 to vector<16xi32>
    %rem3A_177 = arith.remsi %add3A_9, %rem3A_176 : vector<16xi32>
    %ne3A_178 = arith.constant 0 : i32
    %ne3A_179 = vector.broadcast %ne3A_178 : i32 to vector<16xi32>
    %ne3A_180 = arith.cmpi ne, %rem3A_177, %ne3A_179 : vector<16xi32>
    %lt3A_181 = arith.constant 0 : i32
    %lt3A_182 = vector.broadcast %lt3A_181 : i32 to vector<16xi32>
    %lt3A_183 = arith.cmpi slt, %rem3A_177, %lt3A_182 : vector<16xi32>
    %lt3A_184 = arith.constant 0 : i32
    %lt3A_185 = arith.cmpi slt, %select_n3A_175, %lt3A_184 : i32
    %ne3A_186 = vector.broadcast %lt3A_185 : i1 to vector<16xi1>
    %ne3A_187 = vector.broadcast %ne3A_186 : vector<16xi1> to vector<16xi1>
    %ne3A_188 = arith.xori %lt3A_183, %ne3A_187 : vector<16xi1>
    %and3A_189 = arith.andi %ne3A_188, %ne3A_180 : vector<16xi1>
    %add3A_190 = vector.broadcast %select_n3A_175 : i32 to vector<16xi32>
    %add3A_191 = arith.addi %rem3A_177, %add3A_190 : vector<16xi32>
    %select_n3A_192 = arith.select %and3A_189, %add3A_191, %rem3A_177 : vector<16xi1>, vector<16xi32>
    %jit3A_193 = arith.constant 8 : i32
    %eq3A_194 = arith.constant 0 : i32
    %eq3A_195 = arith.cmpi eq, %jit3A_193, %eq3A_194 : i32
    %jit3A_196 = arith.constant 1 : i32
    %select_n3A_197 = arith.select %eq3A_195, %jit3A_196, %jit3A_193 : i32
    %rem3A_198 = vector.broadcast %select_n3A_197 : i32 to vector<16xi32>
    %rem3A_199 = arith.remsi %add3A_12, %rem3A_198 : vector<16xi32>
    %ne3A_200 = arith.constant 0 : i32
    %ne3A_201 = vector.broadcast %ne3A_200 : i32 to vector<16xi32>
    %ne3A_202 = arith.cmpi ne, %rem3A_199, %ne3A_201 : vector<16xi32>
    %lt3A_203 = arith.constant 0 : i32
    %lt3A_204 = vector.broadcast %lt3A_203 : i32 to vector<16xi32>
    %lt3A_205 = arith.cmpi slt, %rem3A_199, %lt3A_204 : vector<16xi32>
    %lt3A_206 = arith.constant 0 : i32
    %lt3A_207 = arith.cmpi slt, %select_n3A_197, %lt3A_206 : i32
    %ne3A_208 = vector.broadcast %lt3A_207 : i1 to vector<16xi1>
    %ne3A_209 = vector.broadcast %ne3A_208 : vector<16xi1> to vector<16xi1>
    %ne3A_210 = arith.xori %lt3A_205, %ne3A_209 : vector<16xi1>
    %and3A_211 = arith.andi %ne3A_210, %ne3A_202 : vector<16xi1>
    %add3A_212 = vector.broadcast %select_n3A_197 : i32 to vector<16xi32>
    %add3A_213 = arith.addi %rem3A_199, %add3A_212 : vector<16xi32>
    %select_n3A_214 = arith.select %and3A_211, %add3A_213, %rem3A_199 : vector<16xi1>, vector<16xi32>
    %dma_start3A = arith.constant 0 : i32
    %dma_start3A_215 = arith.constant 0 : i32
    %dma_start3A_216 = arith.constant 0 : i32
    %dma_start3A_217 = arith.constant 0 : i32
    %dma_start3A_218 = tpu.memref_slice %arg7[%dma_start3A_216, %dma_start3A_217] : memref<128x64xf32, #tpu.memory_space<vmem>> -> memref<64x64xf32, #tpu.memory_space<vmem>>
    %dma_start3A_219 = arith.constant 0 : i32
    %dma_start3A_220 = tpu.memref_slice %arg6[%dma_start3A, %dma_start3A_215, %dma_start3A_219] : memref<25x8x128xi32, #tpu.memory_space<vmem>> -> memref<1x1x64xi32, #tpu.memory_space<vmem>>
    %dma_start3A_221 = tpu.memref_squeeze %dma_start3A_220 : memref<1x1x64xi32, #tpu.memory_space<vmem>> -> memref<64xi32, #tpu.memory_space<vmem>>
    %dma_start3A_222 = arith.constant 0 : i32
    %dma_start3A_223 = arith.constant 0 : i32
    %dma_start3A_224 = tpu.memref_slice %arg3[%dma_start3A_222, %dma_start3A_223] : memref<100000x64xf32, #tpu.memory_space<hbm>> -> memref<100000x64xf32, #tpu.memory_space<hbm>>
    tpu.enqueue_indirect_dma source(%dma_start3A_224 : memref<100000x64xf32, #tpu.memory_space<hbm>>) target(%dma_start3A_218 : memref<64x64xf32, #tpu.memory_space<vmem>>) offsets(%dma_start3A_221 : memref<64xi32, #tpu.memory_space<vmem>>) semaphore(%arg17 : memref<!tpu.dma_semaphore, #tpu.memory_space<semaphore_mem>>)
    %dma_start3A_225 = arith.constant 0 : i32
    %dma_start3A_226 = arith.constant 0 : i32
    %dma_start3A_227 = arith.constant 64 : i32
    %dma_start3A_228 = arith.constant 0 : i32
    %dma_start3A_229 = tpu.memref_slice %arg7[%dma_start3A_227, %dma_start3A_228] : memref<128x64xf32, #tpu.memory_space<vmem>> -> memref<64x64xf32, #tpu.memory_space<vmem>>
    %dma_start3A_230 = arith.constant 64 : i32
    %dma_start3A_231 = tpu.memref_slice %arg6[%dma_start3A_225, %dma_start3A_226, %dma_start3A_230] : memref<25x8x128xi32, #tpu.memory_space<vmem>> -> memref<1x1x64xi32, #tpu.memory_space<vmem>>
    %dma_start3A_232 = tpu.memref_squeeze %dma_start3A_231 : memref<1x1x64xi32, #tpu.memory_space<vmem>> -> memref<64xi32, #tpu.memory_space<vmem>>
    %dma_start3A_233 = arith.constant 0 : i32
    %dma_start3A_234 = arith.constant 0 : i32
    %dma_start3A_235 = tpu.memref_slice %arg3[%dma_start3A_233, %dma_start3A_234] : memref<100000x64xf32, #tpu.memory_space<hbm>> -> memref<100000x64xf32, #tpu.memory_space<hbm>>
    tpu.enqueue_indirect_dma source(%dma_start3A_235 : memref<100000x64xf32, #tpu.memory_space<hbm>>) target(%dma_start3A_229 : memref<64x64xf32, #tpu.memory_space<vmem>>) offsets(%dma_start3A_232 : memref<64xi32, #tpu.memory_space<vmem>>) semaphore(%arg17 : memref<!tpu.dma_semaphore, #tpu.memory_space<semaphore_mem>>)
    %dma_start3A_236 = arith.constant 0 : i32
    %dma_start3A_237 = arith.constant 1 : i32
    %dma_start3A_238 = arith.constant 0 : i32
    %dma_start3A_239 = arith.constant 0 : i32
    %dma_start3A_240 = tpu.memref_slice %arg8[%dma_start3A_238, %dma_start3A_239] : memref<128x64xf32, #tpu.memory_space<vmem>> -> memref<64x64xf32, #tpu.memory_space<vmem>>
    %dma_start3A_241 = arith.constant 0 : i32
    %dma_start3A_242 = tpu.memref_slice %arg6[%dma_start3A_236, %dma_start3A_237, %dma_start3A_241] : memref<25x8x128xi32, #tpu.memory_space<vmem>> -> memref<1x1x64xi32, #tpu.memory_space<vmem>>
    %dma_start3A_243 = tpu.memref_squeeze %dma_start3A_242 : memref<1x1x64xi32, #tpu.memory_space<vmem>> -> memref<64xi32, #tpu.memory_space<vmem>>
    %dma_start3A_244 = arith.constant 0 : i32
    %dma_start3A_245 = arith.constant 0 : i32
    %dma_start3A_246 = tpu.memref_slice %arg3[%dma_start3A_244, %dma_start3A_245] : memref<100000x64xf32, #tpu.memory_space<hbm>> -> memref<100000x64xf32, #tpu.memory_space<hbm>>
    tpu.enqueue_indirect_dma source(%dma_start3A_246 : memref<100000x64xf32, #tpu.memory_space<hbm>>) target(%dma_start3A_240 : memref<64x64xf32, #tpu.memory_space<vmem>>) offsets(%dma_start3A_243 : memref<64xi32, #tpu.memory_space<vmem>>) semaphore(%arg18 : memref<!tpu.dma_semaphore, #tpu.memory_space<semaphore_mem>>)
    %dma_start3A_247 = arith.constant 0 : i32
    %dma_start3A_248 = arith.constant 1 : i32
    %dma_start3A_249 = arith.constant 64 : i32
    %dma_start3A_250 = arith.constant 0 : i32
    %dma_start3A_251 = tpu.memref_slice %arg8[%dma_start3A_249, %dma_start3A_250] : memref<128x64xf32, #tpu.memory_space<vmem>> -> memref<64x64xf32, #tpu.memory_space<vmem>>
    %dma_start3A_252 = arith.constant 64 : i32
    %dma_start3A_253 = tpu.memref_slice %arg6[%dma_start3A_247, %dma_start3A_248, %dma_start3A_252] : memref<25x8x128xi32, #tpu.memory_space<vmem>> -> memref<1x1x64xi32, #tpu.memory_space<vmem>>
    %dma_start3A_254 = tpu.memref_squeeze %dma_start3A_253 : memref<1x1x64xi32, #tpu.memory_space<vmem>> -> memref<64xi32, #tpu.memory_space<vmem>>
    %dma_start3A_255 = arith.constant 0 : i32
    %dma_start3A_256 = arith.constant 0 : i32
    %dma_start3A_257 = tpu.memref_slice %arg3[%dma_start3A_255, %dma_start3A_256] : memref<100000x64xf32, #tpu.memory_space<hbm>> -> memref<100000x64xf32, #tpu.memory_space<hbm>>
    tpu.enqueue_indirect_dma source(%dma_start3A_257 : memref<100000x64xf32, #tpu.memory_space<hbm>>) target(%dma_start3A_251 : memref<64x64xf32, #tpu.memory_space<vmem>>) offsets(%dma_start3A_254 : memref<64xi32, #tpu.memory_space<vmem>>) semaphore(%arg18 : memref<!tpu.dma_semaphore, #tpu.memory_space<semaphore_mem>>)
    %dma_start3A_258 = arith.constant 0 : i32
    %dma_start3A_259 = arith.constant 2 : i32
    %dma_start3A_260 = arith.constant 0 : i32
    %dma_start3A_261 = arith.constant 0 : i32
    %dma_start3A_262 = tpu.memref_slice %arg9[%dma_start3A_260, %dma_start3A_261] : memref<128x64xf32, #tpu.memory_space<vmem>> -> memref<64x64xf32, #tpu.memory_space<vmem>>
    %dma_start3A_263 = arith.constant 0 : i32
    %dma_start3A_264 = tpu.memref_slice %arg6[%dma_start3A_258, %dma_start3A_259, %dma_start3A_263] : memref<25x8x128xi32, #tpu.memory_space<vmem>> -> memref<1x1x64xi32, #tpu.memory_space<vmem>>
    %dma_start3A_265 = tpu.memref_squeeze %dma_start3A_264 : memref<1x1x64xi32, #tpu.memory_space<vmem>> -> memref<64xi32, #tpu.memory_space<vmem>>
    %dma_start3A_266 = arith.constant 0 : i32
    %dma_start3A_267 = arith.constant 0 : i32
    %dma_start3A_268 = tpu.memref_slice %arg3[%dma_start3A_266, %dma_start3A_267] : memref<100000x64xf32, #tpu.memory_space<hbm>> -> memref<100000x64xf32, #tpu.memory_space<hbm>>
    tpu.enqueue_indirect_dma source(%dma_start3A_268 : memref<100000x64xf32, #tpu.memory_space<hbm>>) target(%dma_start3A_262 : memref<64x64xf32, #tpu.memory_space<vmem>>) offsets(%dma_start3A_265 : memref<64xi32, #tpu.memory_space<vmem>>) semaphore(%arg19 : memref<!tpu.dma_semaphore, #tpu.memory_space<semaphore_mem>>)
    %dma_start3A_269 = arith.constant 0 : i32
    %dma_start3A_270 = arith.constant 2 : i32
    %dma_start3A_271 = arith.constant 64 : i32
    %dma_start3A_272 = arith.constant 0 : i32
    %dma_start3A_273 = tpu.memref_slice %arg9[%dma_start3A_271, %dma_start3A_272] : memref<128x64xf32, #tpu.memory_space<vmem>> -> memref<64x64xf32, #tpu.memory_space<vmem>>
    %dma_start3A_274 = arith.constant 64 : i32
    %dma_start3A_275 = tpu.memref_slice %arg6[%dma_start3A_269, %dma_start3A_270, %dma_start3A_274] : memref<25x8x128xi32, #tpu.memory_space<vmem>> -> memref<1x1x64xi32, #tpu.memory_space<vmem>>
    %dma_start3A_276 = tpu.memref_squeeze %dma_start3A_275 : memref<1x1x64xi32, #tpu.memory_space<vmem>> -> memref<64xi32, #tpu.memory_space<vmem>>
    %dma_start3A_277 = arith.constant 0 : i32
    %dma_start3A_278 = arith.constant 0 : i32
    %dma_start3A_279 = tpu.memref_slice %arg3[%dma_start3A_277, %dma_start3A_278] : memref<100000x64xf32, #tpu.memory_space<hbm>> -> memref<100000x64xf32, #tpu.memory_space<hbm>>
    tpu.enqueue_indirect_dma source(%dma_start3A_279 : memref<100000x64xf32, #tpu.memory_space<hbm>>) target(%dma_start3A_273 : memref<64x64xf32, #tpu.memory_space<vmem>>) offsets(%dma_start3A_276 : memref<64xi32, #tpu.memory_space<vmem>>) semaphore(%arg19 : memref<!tpu.dma_semaphore, #tpu.memory_space<semaphore_mem>>)
    %dma_start3A_280 = arith.constant 0 : i32
    %dma_start3A_281 = arith.constant 3 : i32
    %dma_start3A_282 = arith.constant 0 : i32
    %dma_start3A_283 = arith.constant 0 : i32
    %dma_start3A_284 = tpu.memref_slice %arg10[%dma_start3A_282, %dma_start3A_283] : memref<128x64xf32, #tpu.memory_space<vmem>> -> memref<64x64xf32, #tpu.memory_space<vmem>>
    %dma_start3A_285 = arith.constant 0 : i32
    %dma_start3A_286 = tpu.memref_slice %arg6[%dma_start3A_280, %dma_start3A_281, %dma_start3A_285] : memref<25x8x128xi32, #tpu.memory_space<vmem>> -> memref<1x1x64xi32, #tpu.memory_space<vmem>>
    %dma_start3A_287 = tpu.memref_squeeze %dma_start3A_286 : memref<1x1x64xi32, #tpu.memory_space<vmem>> -> memref<64xi32, #tpu.memory_space<vmem>>
    %dma_start3A_288 = arith.constant 0 : i32
    %dma_start3A_289 = arith.constant 0 : i32
    %dma_start3A_290 = tpu.memref_slice %arg3[%dma_start3A_288, %dma_start3A_289] : memref<100000x64xf32, #tpu.memory_space<hbm>> -> memref<100000x64xf32, #tpu.memory_space<hbm>>
    tpu.enqueue_indirect_dma source(%dma_start3A_290 : memref<100000x64xf32, #tpu.memory_space<hbm>>) target(%dma_start3A_284 : memref<64x64xf32, #tpu.memory_space<vmem>>) offsets(%dma_start3A_287 : memref<64xi32, #tpu.memory_space<vmem>>) semaphore(%arg20 : memref<!tpu.dma_semaphore, #tpu.memory_space<semaphore_mem>>)
    %dma_start3A_291 = arith.constant 0 : i32
    %dma_start3A_292 = arith.constant 3 : i32
    %dma_start3A_293 = arith.constant 64 : i32
    %dma_start3A_294 = arith.constant 0 : i32
    %dma_start3A_295 = tpu.memref_slice %arg10[%dma_start3A_293, %dma_start3A_294] : memref<128x64xf32, #tpu.memory_space<vmem>> -> memref<64x64xf32, #tpu.memory_space<vmem>>
    %dma_start3A_296 = arith.constant 64 : i32
    %dma_start3A_297 = tpu.memref_slice %arg6[%dma_start3A_291, %dma_start3A_292, %dma_start3A_296] : memref<25x8x128xi32, #tpu.memory_space<vmem>> -> memref<1x1x64xi32, #tpu.memory_space<vmem>>
    %dma_start3A_298 = tpu.memref_squeeze %dma_start3A_297 : memref<1x1x64xi32, #tpu.memory_space<vmem>> -> memref<64xi32, #tpu.memory_space<vmem>>
    %dma_start3A_299 = arith.constant 0 : i32
    %dma_start3A_300 = arith.constant 0 : i32
    %dma_start3A_301 = tpu.memref_slice %arg3[%dma_start3A_299, %dma_start3A_300] : memref<100000x64xf32, #tpu.memory_space<hbm>> -> memref<100000x64xf32, #tpu.memory_space<hbm>>
    tpu.enqueue_indirect_dma source(%dma_start3A_301 : memref<100000x64xf32, #tpu.memory_space<hbm>>) target(%dma_start3A_295 : memref<64x64xf32, #tpu.memory_space<vmem>>) offsets(%dma_start3A_298 : memref<64xi32, #tpu.memory_space<vmem>>) semaphore(%arg20 : memref<!tpu.dma_semaphore, #tpu.memory_space<semaphore_mem>>)
    %dma_start3A_302 = arith.constant 0 : i32
    %dma_start3A_303 = arith.constant 4 : i32
    %dma_start3A_304 = arith.constant 0 : i32
    %dma_start3A_305 = arith.constant 0 : i32
    %dma_start3A_306 = tpu.memref_slice %arg11[%dma_start3A_304, %dma_start3A_305] : memref<128x64xf32, #tpu.memory_space<vmem>> -> memref<64x64xf32, #tpu.memory_space<vmem>>
    %dma_start3A_307 = arith.constant 0 : i32
    %dma_start3A_308 = tpu.memref_slice %arg6[%dma_start3A_302, %dma_start3A_303, %dma_start3A_307] : memref<25x8x128xi32, #tpu.memory_space<vmem>> -> memref<1x1x64xi32, #tpu.memory_space<vmem>>
    %dma_start3A_309 = tpu.memref_squeeze %dma_start3A_308 : memref<1x1x64xi32, #tpu.memory_space<vmem>> -> memref<64xi32, #tpu.memory_space<vmem>>
    %dma_start3A_310 = arith.constant 0 : i32
    %dma_start3A_311 = arith.constant 0 : i32
    %dma_start3A_312 = tpu.memref_slice %arg3[%dma_start3A_310, %dma_start3A_311] : memref<100000x64xf32, #tpu.memory_space<hbm>> -> memref<100000x64xf32, #tpu.memory_space<hbm>>
    tpu.enqueue_indirect_dma source(%dma_start3A_312 : memref<100000x64xf32, #tpu.memory_space<hbm>>) target(%dma_start3A_306 : memref<64x64xf32, #tpu.memory_space<vmem>>) offsets(%dma_start3A_309 : memref<64xi32, #tpu.memory_space<vmem>>) semaphore(%arg21 : memref<!tpu.dma_semaphore, #tpu.memory_space<semaphore_mem>>)
    %dma_start3A_313 = arith.constant 0 : i32
    %dma_start3A_314 = arith.constant 4 : i32
    %dma_start3A_315 = arith.constant 64 : i32
    %dma_start3A_316 = arith.constant 0 : i32
    %dma_start3A_317 = tpu.memref_slice %arg11[%dma_start3A_315, %dma_start3A_316] : memref<128x64xf32, #tpu.memory_space<vmem>> -> memref<64x64xf32, #tpu.memory_space<vmem>>
    %dma_start3A_318 = arith.constant 64 : i32
    %dma_start3A_319 = tpu.memref_slice %arg6[%dma_start3A_313, %dma_start3A_314, %dma_start3A_318] : memref<25x8x128xi32, #tpu.memory_space<vmem>> -> memref<1x1x64xi32, #tpu.memory_space<vmem>>
    %dma_start3A_320 = tpu.memref_squeeze %dma_start3A_319 : memref<1x1x64xi32, #tpu.memory_space<vmem>> -> memref<64xi32, #tpu.memory_space<vmem>>
    %dma_start3A_321 = arith.constant 0 : i32
    %dma_start3A_322 = arith.constant 0 : i32
    %dma_start3A_323 = tpu.memref_slice %arg3[%dma_start3A_321, %dma_start3A_322] : memref<100000x64xf32, #tpu.memory_space<hbm>> -> memref<100000x64xf32, #tpu.memory_space<hbm>>
    tpu.enqueue_indirect_dma source(%dma_start3A_323 : memref<100000x64xf32, #tpu.memory_space<hbm>>) target(%dma_start3A_317 : memref<64x64xf32, #tpu.memory_space<vmem>>) offsets(%dma_start3A_320 : memref<64xi32, #tpu.memory_space<vmem>>) semaphore(%arg21 : memref<!tpu.dma_semaphore, #tpu.memory_space<semaphore_mem>>)
    %dma_start3A_324 = arith.constant 0 : i32
    %dma_start3A_325 = arith.constant 5 : i32
    %dma_start3A_326 = arith.constant 0 : i32
    %dma_start3A_327 = arith.constant 0 : i32
    %dma_start3A_328 = tpu.memref_slice %arg12[%dma_start3A_326, %dma_start3A_327] : memref<128x64xf32, #tpu.memory_space<vmem>> -> memref<64x64xf32, #tpu.memory_space<vmem>>
    %dma_start3A_329 = arith.constant 0 : i32
    %dma_start3A_330 = tpu.memref_slice %arg6[%dma_start3A_324, %dma_start3A_325, %dma_start3A_329] : memref<25x8x128xi32, #tpu.memory_space<vmem>> -> memref<1x1x64xi32, #tpu.memory_space<vmem>>
    %dma_start3A_331 = tpu.memref_squeeze %dma_start3A_330 : memref<1x1x64xi32, #tpu.memory_space<vmem>> -> memref<64xi32, #tpu.memory_space<vmem>>
    %dma_start3A_332 = arith.constant 0 : i32
    %dma_start3A_333 = arith.constant 0 : i32
    %dma_start3A_334 = tpu.memref_slice %arg3[%dma_start3A_332, %dma_start3A_333] : memref<100000x64xf32, #tpu.memory_space<hbm>> -> memref<100000x64xf32, #tpu.memory_space<hbm>>
    tpu.enqueue_indirect_dma source(%dma_start3A_334 : memref<100000x64xf32, #tpu.memory_space<hbm>>) target(%dma_start3A_328 : memref<64x64xf32, #tpu.memory_space<vmem>>) offsets(%dma_start3A_331 : memref<64xi32, #tpu.memory_space<vmem>>) semaphore(%arg22 : memref<!tpu.dma_semaphore, #tpu.memory_space<semaphore_mem>>)
    %dma_start3A_335 = arith.constant 0 : i32
    %dma_start3A_336 = arith.constant 5 : i32
    %dma_start3A_337 = arith.constant 64 : i32
    %dma_start3A_338 = arith.constant 0 : i32
    %dma_start3A_339 = tpu.memref_slice %arg12[%dma_start3A_337, %dma_start3A_338] : memref<128x64xf32, #tpu.memory_space<vmem>> -> memref<64x64xf32, #tpu.memory_space<vmem>>
    %dma_start3A_340 = arith.constant 64 : i32
    %dma_start3A_341 = tpu.memref_slice %arg6[%dma_start3A_335, %dma_start3A_336, %dma_start3A_340] : memref<25x8x128xi32, #tpu.memory_space<vmem>> -> memref<1x1x64xi32, #tpu.memory_space<vmem>>
    %dma_start3A_342 = tpu.memref_squeeze %dma_start3A_341 : memref<1x1x64xi32, #tpu.memory_space<vmem>> -> memref<64xi32, #tpu.memory_space<vmem>>
    %dma_start3A_343 = arith.constant 0 : i32
    %dma_start3A_344 = arith.constant 0 : i32
    %dma_start3A_345 = tpu.memref_slice %arg3[%dma_start3A_343, %dma_start3A_344] : memref<100000x64xf32, #tpu.memory_space<hbm>> -> memref<100000x64xf32, #tpu.memory_space<hbm>>
    tpu.enqueue_indirect_dma source(%dma_start3A_345 : memref<100000x64xf32, #tpu.memory_space<hbm>>) target(%dma_start3A_339 : memref<64x64xf32, #tpu.memory_space<vmem>>) offsets(%dma_start3A_342 : memref<64xi32, #tpu.memory_space<vmem>>) semaphore(%arg22 : memref<!tpu.dma_semaphore, #tpu.memory_space<semaphore_mem>>)
    "tpu.region"() ({
      %run_scoped3A = tpu.sem_alloc : memref<!tpu.dma_semaphore, #tpu.memory_space<semaphore_mem>>
      %dma_start3A_519 = arith.constant 0 : i32
      %dma_start3A_520 = arith.constant 0 : i32
      %dma_start3A_521 = arith.constant 0 : i32
      %dma_start3A_522 = arith.constant 0 : i32
      %dma_start3A_523 = tpu.memref_slice %arg4[%dma_start3A_519, %dma_start3A_520, %dma_start3A_521, %dma_start3A_522] : memref<8x4x8x128xf32, #tpu.memory_space<hbm>> -> memref<8x2x8x128xf32, #tpu.memory_space<hbm>>
      %dma_start3A_524 = arith.constant 0 : i32
      %dma_start3A_525 = arith.constant 0 : i32
      %dma_start3A_526 = arith.constant 0 : i32
      %dma_start3A_527 = arith.constant 0 : i32
      %dma_start3A_528 = tpu.memref_slice %arg4[%dma_start3A_524, %dma_start3A_525, %dma_start3A_526, %dma_start3A_527] : memref<8x4x8x128xf32, #tpu.memory_space<hbm>> -> memref<8x2x8x128xf32, #tpu.memory_space<hbm>>
      tpu.enqueue_dma source(%dma_start3A_528 : memref<8x2x8x128xf32, #tpu.memory_space<hbm>>) target(%arg15 : memref<8x2x8x128xf32, #tpu.memory_space<vmem>>) target_semaphore(%run_scoped3A : memref<!tpu.dma_semaphore, #tpu.memory_space<semaphore_mem>>)
      %dma_wait3A_529 = arith.constant 0 : i32
      %dma_wait3A_530 = arith.constant 0 : i32
      %dma_wait3A_531 = arith.constant 0 : i32
      %dma_wait3A_532 = arith.constant 0 : i32
      %dma_wait3A_533 = tpu.memref_slice %arg4[%dma_wait3A_529, %dma_wait3A_530, %dma_wait3A_531, %dma_wait3A_532] : memref<8x4x8x128xf32, #tpu.memory_space<hbm>> -> memref<8x2x8x128xf32, #tpu.memory_space<hbm>>
      %dma_wait3A_534 = arith.constant 0 : i32
      %dma_wait3A_535 = arith.constant 0 : i32
      %dma_wait3A_536 = arith.constant 0 : i32
      %dma_wait3A_537 = arith.constant 0 : i32
      %dma_wait3A_538 = tpu.memref_slice %arg4[%dma_wait3A_534, %dma_wait3A_535, %dma_wait3A_536, %dma_wait3A_537] : memref<8x4x8x128xf32, #tpu.memory_space<hbm>> -> memref<8x2x8x128xf32, #tpu.memory_space<hbm>>
      tpu.wait_dma2 semaphore(%run_scoped3A : memref<!tpu.dma_semaphore, #tpu.memory_space<semaphore_mem>>) src(%dma_wait3A_538 : memref<8x2x8x128xf32, #tpu.memory_space<hbm>>) dst(%arg15 : memref<8x2x8x128xf32, #tpu.memory_space<vmem>>)
      tpu.yield
    }) : () -> ()
    %parallel_loop3A = arith.constant 0 : i32
    %parallel_loop3A_346 = arith.constant 200 : i32
    %parallel_loop3A_347 = arith.constant 1 : i32
    scf.for %parallel_loop3A_519 = %parallel_loop3A to %parallel_loop3A_346 step %parallel_loop3A_347  : i32 {
      %parallel_loop3A_520 = arith.constant 128 : i32
      %parallel_loop3A_521 = arith.divsi %parallel_loop3A_519, %parallel_loop3A_520 : i32
      %parallel_loop3A_522 = arith.constant 0 : i32
      %parallel_loop3A_523 = arith.cmpi sgt, %parallel_loop3A_519, %parallel_loop3A_522 : i32
      %parallel_loop3A_524 = arith.extui %parallel_loop3A_523 : i1 to i32
      %parallel_loop3A_525 = arith.constant 0 : i32
      %parallel_loop3A_526 = arith.cmpi slt, %parallel_loop3A_519, %parallel_loop3A_525 : i32
      %parallel_loop3A_527 = arith.extui %parallel_loop3A_526 : i1 to i32
      %parallel_loop3A_528 = arith.subi %parallel_loop3A_524, %parallel_loop3A_527 : i32
      %parallel_loop3A_529 = arith.constant 0 : i32
      %parallel_loop3A_530 = arith.cmpi sgt, %parallel_loop3A_520, %parallel_loop3A_529 : i32
      %parallel_loop3A_531 = arith.extui %parallel_loop3A_530 : i1 to i32
      %parallel_loop3A_532 = arith.constant 0 : i32
      %parallel_loop3A_533 = arith.cmpi slt, %parallel_loop3A_520, %parallel_loop3A_532 : i32
      %parallel_loop3A_534 = arith.extui %parallel_loop3A_533 : i1 to i32
      %parallel_loop3A_535 = arith.subi %parallel_loop3A_531, %parallel_loop3A_534 : i32
      %parallel_loop3A_536 = arith.cmpi ne, %parallel_loop3A_528, %parallel_loop3A_535 : i32
      %parallel_loop3A_537 = arith.remsi %parallel_loop3A_519, %parallel_loop3A_520 : i32
      %parallel_loop3A_538 = arith.constant 0 : i32
      %parallel_loop3A_539 = arith.cmpi ne, %parallel_loop3A_537, %parallel_loop3A_538 : i32
      %parallel_loop3A_540 = arith.andi %parallel_loop3A_536, %parallel_loop3A_539 : i1
      %parallel_loop3A_541 = arith.constant 1 : i32
      %parallel_loop3A_542 = arith.subi %parallel_loop3A_521, %parallel_loop3A_541 : i32
      %parallel_loop3A_543 = arith.select %parallel_loop3A_540, %parallel_loop3A_542, %parallel_loop3A_521 : i32
      %parallel_loop3A_544 = vector.broadcast %parallel_loop3A_543 : i32 to vector<16xi32>
      %parallel_loop3A_545 = arith.constant 128 : i32
      %parallel_loop3A_546 = arith.constant 0 : i32
      %parallel_loop3A_547 = arith.cmpi eq, %parallel_loop3A_545, %parallel_loop3A_546 : i32
      %parallel_loop3A_548 = arith.constant 1 : i32
      %parallel_loop3A_549 = arith.select %parallel_loop3A_547, %parallel_loop3A_548, %parallel_loop3A_545 : i32
      %parallel_loop3A_550 = arith.remsi %parallel_loop3A_519, %parallel_loop3A_549 : i32
      %parallel_loop3A_551 = arith.constant 0 : i32
      %parallel_loop3A_552 = arith.cmpi ne, %parallel_loop3A_550, %parallel_loop3A_551 : i32
      %parallel_loop3A_553 = arith.constant 0 : i32
      %parallel_loop3A_554 = arith.cmpi slt, %parallel_loop3A_550, %parallel_loop3A_553 : i32
      %parallel_loop3A_555 = arith.constant 0 : i32
      %parallel_loop3A_556 = arith.cmpi slt, %parallel_loop3A_549, %parallel_loop3A_555 : i32
      %parallel_loop3A_557 = arith.xori %parallel_loop3A_554, %parallel_loop3A_556 : i1
      %parallel_loop3A_558 = arith.andi %parallel_loop3A_557, %parallel_loop3A_552 : i1
      %parallel_loop3A_559 = arith.addi %parallel_loop3A_550, %parallel_loop3A_549 : i32
      %parallel_loop3A_560 = arith.select %parallel_loop3A_558, %parallel_loop3A_559, %parallel_loop3A_550 : i32
      %parallel_loop3A_561 = vector.broadcast %parallel_loop3A_560 : i32 to vector<16xi32>
      %parallel_loop3A_562 = tpu.vector_load_idx %arg15[%select_n3A, %parallel_loop3A_544, %select_n3A_148, %parallel_loop3A_561] : memref<8x2x8x128xf32, #tpu.memory_space<vmem>>[vector<16xi32>, vector<16xi32>, vector<16xi32>, vector<16xi32>], vector<16xf32>,
      %parallel_loop3A_563 = arith.index_cast %parallel_loop3A_519 : i32 to index
      %parallel_loop3A_564 = arith.constant 0 : index
      %parallel_loop3A_565 = tpu.vector_load %arg16[%parallel_loop3A_563, %parallel_loop3A_564] {strides = array<i32>} : memref<200x64xf32, #tpu.memory_space<vmem>>, vector<16xf32>,
      tpu.vector_store %arg16[%parallel_loop3A_563, %parallel_loop3A_564], %parallel_loop3A_562 {strides = array<i32>} : memref<200x64xf32, #tpu.memory_space<vmem>>, vector<16xf32>,
      %parallel_loop3A_566 = tpu.vector_load_idx %arg15[%select_n3A_66, %parallel_loop3A_544, %select_n3A_170, %parallel_loop3A_561] : memref<8x2x8x128xf32, #tpu.memory_space<vmem>>[vector<16xi32>, vector<16xi32>, vector<16xi32>, vector<16xi32>], vector<16xf32>,
      %parallel_loop3A_567 = arith.index_cast %parallel_loop3A_519 : i32 to index
      %parallel_loop3A_568 = arith.constant 16 : index
      %parallel_loop3A_569 = tpu.vector_load %arg16[%parallel_loop3A_567, %parallel_loop3A_568] {strides = array<i32>} : memref<200x64xf32, #tpu.memory_space<vmem>>, vector<16xf32>,
      tpu.vector_store %arg16[%parallel_loop3A_567, %parallel_loop3A_568], %parallel_loop3A_566 {strides = array<i32>} : memref<200x64xf32, #tpu.memory_space<vmem>>, vector<16xf32>,
      %parallel_loop3A_570 = tpu.vector_load_idx %arg15[%select_n3A_97, %parallel_loop3A_544, %select_n3A_192, %parallel_loop3A_561] : memref<8x2x8x128xf32, #tpu.memory_space<vmem>>[vector<16xi32>, vector<16xi32>, vector<16xi32>, vector<16xi32>], vector<16xf32>,
      %parallel_loop3A_571 = arith.index_cast %parallel_loop3A_519 : i32 to index
      %parallel_loop3A_572 = arith.constant 32 : index
      %parallel_loop3A_573 = tpu.vector_load %arg16[%parallel_loop3A_571, %parallel_loop3A_572] {strides = array<i32>} : memref<200x64xf32, #tpu.memory_space<vmem>>, vector<16xf32>,
      tpu.vector_store %arg16[%parallel_loop3A_571, %parallel_loop3A_572], %parallel_loop3A_570 {strides = array<i32>} : memref<200x64xf32, #tpu.memory_space<vmem>>, vector<16xf32>,
      %parallel_loop3A_574 = tpu.vector_load_idx %arg15[%select_n3A_128, %parallel_loop3A_544, %select_n3A_214, %parallel_loop3A_561] : memref<8x2x8x128xf32, #tpu.memory_space<vmem>>[vector<16xi32>, vector<16xi32>, vector<16xi32>, vector<16xi32>], vector<16xf32>,
      %parallel_loop3A_575 = arith.index_cast %parallel_loop3A_519 : i32 to index
      %parallel_loop3A_576 = arith.constant 48 : index
      %parallel_loop3A_577 = tpu.vector_load %arg16[%parallel_loop3A_575, %parallel_loop3A_576] {strides = array<i32>} : memref<200x64xf32, #tpu.memory_space<vmem>>, vector<16xf32>,
      tpu.vector_store %arg16[%parallel_loop3A_575, %parallel_loop3A_576], %parallel_loop3A_574 {strides = array<i32>} : memref<200x64xf32, #tpu.memory_space<vmem>>, vector<16xf32>,
    } {sc.loop_unroll_factor = 1 : i64, sc.parallel_access}
    %scan3A = arith.constant 0 : i32
    %scan3A_348 = arith.constant 0 : i32
    %scan3A_349 = arith.constant 33 : i32
    %scan3A_350 = arith.addi %scan3A_348, %scan3A_349 : i32
    %scan3A_351 = arith.constant 1 : i32
    scf.for %scan3A_519 = %scan3A_348 to %scan3A_350 step %scan3A_351  : i32 {
      %mul3A_520 = arith.constant 6 : i32
      %mul3A_521 = arith.muli %mul3A_520, %scan3A_519 : i32
      %add3A_522 = arith.constant 0 : i32
      %add3A_523 = arith.addi %mul3A_521, %add3A_522 : i32
      %dma_wait3A_524 = arith.constant 0 : i32
      %dma_wait3A_525 = arith.constant 0 : i32
      %dma_wait3A_526 = tpu.memref_slice %arg3[%dma_wait3A_524, %dma_wait3A_525] : memref<100000x64xf32, #tpu.memory_space<hbm>> -> memref<128x64xf32, #tpu.memory_space<hbm>>
      %dma_wait3A_527 = arith.constant 0 : i32
      %dma_wait3A_528 = arith.constant 0 : i32
      %dma_wait3A_529 = tpu.memref_slice %arg3[%dma_wait3A_527, %dma_wait3A_528] : memref<100000x64xf32, #tpu.memory_space<hbm>> -> memref<128x64xf32, #tpu.memory_space<hbm>>
      tpu.wait_dma2 semaphore(%arg17 : memref<!tpu.dma_semaphore, #tpu.memory_space<semaphore_mem>>) src(%dma_wait3A_529 : memref<128x64xf32, #tpu.memory_space<hbm>>) dst(%arg7 : memref<128x64xf32, #tpu.memory_space<vmem>>)
      %ge3A = arith.constant 2 : i32
      %ge3A_530 = arith.cmpi sge, %add3A_523, %ge3A : i32
      %convert_element_type3A = arith.extui %ge3A_530 : i1 to i32
      %cond3A = arith.constant 0 : i32
      %cond3A_531 = arith.cmpi ne, %convert_element_type3A, %cond3A : i32
      scf.if %cond3A_531 {
        %dma_wait3A_837 = arith.constant 0 : i32
        %dma_wait3A_838 = arith.constant 0 : i32
        %dma_wait3A_839 = arith.constant 0 : i32
        %dma_wait3A_840 = arith.constant 0 : i32
        %dma_wait3A_841 = arith.constant 0 : i32
        %dma_wait3A_842 = tpu.memref_slice %arg13[%dma_wait3A_839, %dma_wait3A_840, %dma_wait3A_841] : memref<8x8x129xf32, #tpu.memory_space<vmem>> -> memref<8x8x128xf32, #tpu.memory_space<vmem>>
        %dma_wait3A_843 = arith.constant 0 : i32
        %dma_wait3A_844 = arith.constant 0 : i32
        %dma_wait3A_845 = arith.constant 0 : i32
        %dma_wait3A_846 = tpu.memref_slice %arg5[%dma_wait3A_837, %dma_wait3A_843, %dma_wait3A_838, %dma_wait3A_844, %dma_wait3A_845] : memref<200x8x32x8x128xf32, #tpu.memory_space<hbm>> -> memref<1x8x1x8x128xf32, #tpu.memory_space<hbm>>
        %dma_wait3A_847 = tpu.memref_squeeze %dma_wait3A_846 : memref<1x8x1x8x128xf32, #tpu.memory_space<hbm>> -> memref<8x8x128xf32, #tpu.memory_space<hbm>>
        %dma_wait3A_848 = arith.constant 0 : i32
        %dma_wait3A_849 = arith.constant 0 : i32
        %dma_wait3A_850 = arith.constant 0 : i32
        %dma_wait3A_851 = tpu.memref_slice %arg5[%dma_wait3A_837, %dma_wait3A_848, %dma_wait3A_838, %dma_wait3A_849, %dma_wait3A_850] : memref<200x8x32x8x128xf32, #tpu.memory_space<hbm>> -> memref<1x8x1x8x128xf32, #tpu.memory_space<hbm>>
        %dma_wait3A_852 = tpu.memref_squeeze %dma_wait3A_851 : memref<1x8x1x8x128xf32, #tpu.memory_space<hbm>> -> memref<8x8x128xf32, #tpu.memory_space<hbm>>
        %dma_wait3A_853 = arith.constant 0 : i32
        %dma_wait3A_854 = arith.constant 0 : i32
        %dma_wait3A_855 = arith.constant 0 : i32
        %dma_wait3A_856 = tpu.memref_slice %arg13[%dma_wait3A_853, %dma_wait3A_854, %dma_wait3A_855] : memref<8x8x129xf32, #tpu.memory_space<vmem>> -> memref<8x8x128xf32, #tpu.memory_space<vmem>>
        tpu.wait_dma2 semaphore(%arg23 : memref<!tpu.dma_semaphore, #tpu.memory_space<semaphore_mem>>) src(%dma_wait3A_856 : memref<8x8x128xf32, #tpu.memory_space<vmem>>) dst(%dma_wait3A_852 : memref<8x8x128xf32, #tpu.memory_space<hbm>>)
      } else {
      }
      %get3A_532 = arith.index_cast %add3A_523 : i32 to index
      %get3A_533 = arith.constant 0 : index
      %get3A_534 = tpu.vector_load %arg16[%get3A_532, %get3A_533] {strides = array<i32>} : memref<200x64xf32, #tpu.memory_space<vmem>>, vector<16xf32>,
      %get3A_535 = arith.index_cast %add3A_523 : i32 to index
      %get3A_536 = arith.constant 16 : index
      %get3A_537 = tpu.vector_load %arg16[%get3A_535, %get3A_536] {strides = array<i32>} : memref<200x64xf32, #tpu.memory_space<vmem>>, vector<16xf32>,
      %get3A_538 = arith.index_cast %add3A_523 : i32 to index
      %get3A_539 = arith.constant 32 : index
      %get3A_540 = tpu.vector_load %arg16[%get3A_538, %get3A_539] {strides = array<i32>} : memref<200x64xf32, #tpu.memory_space<vmem>>, vector<16xf32>,
      %get3A_541 = arith.index_cast %add3A_523 : i32 to index
      %get3A_542 = arith.constant 48 : index
      %get3A_543 = tpu.vector_load %arg16[%get3A_541, %get3A_542] {strides = array<i32>} : memref<200x64xf32, #tpu.memory_space<vmem>>, vector<16xf32>,
      %parallel_loop3A_544 = arith.constant 0 : i32
      %parallel_loop3A_545 = arith.constant 128 : i32
      %parallel_loop3A_546 = arith.constant 1 : i32
      scf.for %parallel_loop3A_837 = %parallel_loop3A_544 to %parallel_loop3A_545 step %parallel_loop3A_546  : i32 {
        %parallel_loop3A_838 = vector.broadcast %parallel_loop3A_837 : i32 to vector<16xi32>
        %parallel_loop3A_839 = arith.index_cast %parallel_loop3A_837 : i32 to index
        %parallel_loop3A_840 = arith.constant 0 : index
        %parallel_loop3A_841 = tpu.vector_load %arg7[%parallel_loop3A_839, %parallel_loop3A_840] {strides = array<i32>} : memref<128x64xf32, #tpu.memory_space<vmem>>, vector<16xf32>,
        %parallel_loop3A_842 = arith.addf %parallel_loop3A_841, %get3A_534 : vector<16xf32>
        tpu.vector_store_idx %arg13[%select_n3A, %select_n3A_148, %parallel_loop3A_838], %parallel_loop3A_842 : memref<8x8x129xf32, #tpu.memory_space<vmem>>[vector<16xi32>, vector<16xi32>, vector<16xi32>], vector<16xf32>,
        %parallel_loop3A_843 = arith.index_cast %parallel_loop3A_837 : i32 to index
        %parallel_loop3A_844 = arith.constant 16 : index
        %parallel_loop3A_845 = tpu.vector_load %arg7[%parallel_loop3A_843, %parallel_loop3A_844] {strides = array<i32>} : memref<128x64xf32, #tpu.memory_space<vmem>>, vector<16xf32>,
        %parallel_loop3A_846 = arith.addf %parallel_loop3A_845, %get3A_537 : vector<16xf32>
        tpu.vector_store_idx %arg13[%select_n3A_66, %select_n3A_170, %parallel_loop3A_838], %parallel_loop3A_846 : memref<8x8x129xf32, #tpu.memory_space<vmem>>[vector<16xi32>, vector<16xi32>, vector<16xi32>], vector<16xf32>,
        %parallel_loop3A_847 = arith.index_cast %parallel_loop3A_837 : i32 to index
        %parallel_loop3A_848 = arith.constant 32 : index
        %parallel_loop3A_849 = tpu.vector_load %arg7[%parallel_loop3A_847, %parallel_loop3A_848] {strides = array<i32>} : memref<128x64xf32, #tpu.memory_space<vmem>>, vector<16xf32>,
        %parallel_loop3A_850 = arith.addf %parallel_loop3A_849, %get3A_540 : vector<16xf32>
        tpu.vector_store_idx %arg13[%select_n3A_97, %select_n3A_192, %parallel_loop3A_838], %parallel_loop3A_850 : memref<8x8x129xf32, #tpu.memory_space<vmem>>[vector<16xi32>, vector<16xi32>, vector<16xi32>], vector<16xf32>,
        %parallel_loop3A_851 = arith.index_cast %parallel_loop3A_837 : i32 to index
        %parallel_loop3A_852 = arith.constant 48 : index
        %parallel_loop3A_853 = tpu.vector_load %arg7[%parallel_loop3A_851, %parallel_loop3A_852] {strides = array<i32>} : memref<128x64xf32, #tpu.memory_space<vmem>>, vector<16xf32>,
        %parallel_loop3A_854 = arith.addf %parallel_loop3A_853, %get3A_543 : vector<16xf32>
        tpu.vector_store_idx %arg13[%select_n3A_128, %select_n3A_214, %parallel_loop3A_838], %parallel_loop3A_854 : memref<8x8x129xf32, #tpu.memory_space<vmem>>[vector<16xi32>, vector<16xi32>, vector<16xi32>], vector<16xf32>,
      } {sc.loop_unroll_factor = 1 : i64, sc.parallel_access}
      %add3A_547 = arith.constant 6 : i32
      %add3A_548 = arith.addi %add3A_523, %add3A_547 : i32
      %lt3A_549 = arith.constant 200 : i32
      %lt3A_550 = arith.cmpi slt, %add3A_548, %lt3A_549 : i32
      %convert_element_type3A_551 = arith.extui %lt3A_550 : i1 to i32
      %cond3A_552 = arith.constant 0 : i32
      %cond3A_553 = arith.cmpi ne, %convert_element_type3A_551, %cond3A_552 : i32
      scf.if %cond3A_553 {
        %add3A_837 = arith.constant 6 : i32
        %add3A_838 = arith.addi %add3A_523, %add3A_837 : i32
        %jit3A_839 = arith.constant 8 : i32
        %div3A_840 = arith.divsi %add3A_838, %jit3A_839 : i32
        %sign3A_841 = arith.constant 0 : i32
        %sign3A_842 = arith.cmpi sgt, %add3A_838, %sign3A_841 : i32
        %sign3A_843 = arith.extui %sign3A_842 : i1 to i32
        %sign3A_844 = arith.constant 0 : i32
        %sign3A_845 = arith.cmpi slt, %add3A_838, %sign3A_844 : i32
        %sign3A_846 = arith.extui %sign3A_845 : i1 to i32
        %sign3A_847 = arith.subi %sign3A_843, %sign3A_846 : i32
        %sign3A_848 = arith.constant 0 : i32
        %sign3A_849 = arith.cmpi sgt, %jit3A_839, %sign3A_848 : i32
        %sign3A_850 = arith.extui %sign3A_849 : i1 to i32
        %sign3A_851 = arith.constant 0 : i32
        %sign3A_852 = arith.cmpi slt, %jit3A_839, %sign3A_851 : i32
        %sign3A_853 = arith.extui %sign3A_852 : i1 to i32
        %sign3A_854 = arith.subi %sign3A_850, %sign3A_853 : i32
        %ne3A_855 = arith.cmpi ne, %sign3A_847, %sign3A_854 : i32
        %rem3A_856 = arith.remsi %add3A_838, %jit3A_839 : i32
        %ne3A_857 = arith.constant 0 : i32
        %ne3A_858 = arith.cmpi ne, %rem3A_856, %ne3A_857 : i32
        %and3A_859 = arith.andi %ne3A_855, %ne3A_858 : i1
        %sub3A_860 = arith.constant 1 : i32
        %sub3A_861 = arith.subi %div3A_840, %sub3A_860 : i32
        %select_n3A_862 = arith.select %and3A_859, %sub3A_861, %div3A_840 : i32
        %jit3A_863 = arith.constant 8 : i32
        %eq3A_864 = arith.constant 0 : i32
        %eq3A_865 = arith.cmpi eq, %jit3A_863, %eq3A_864 : i32
        %jit3A_866 = arith.constant 1 : i32
        %select_n3A_867 = arith.select %eq3A_865, %jit3A_866, %jit3A_863 : i32
        %rem3A_868 = arith.remsi %add3A_838, %select_n3A_867 : i32
        %ne3A_869 = arith.constant 0 : i32
        %ne3A_870 = arith.cmpi ne, %rem3A_868, %ne3A_869 : i32
        %lt3A_871 = arith.constant 0 : i32
        %lt3A_872 = arith.cmpi slt, %rem3A_868, %lt3A_871 : i32
        %lt3A_873 = arith.constant 0 : i32
        %lt3A_874 = arith.cmpi slt, %select_n3A_867, %lt3A_873 : i32
        %ne3A_875 = arith.xori %lt3A_872, %lt3A_874 : i1
        %and3A_876 = arith.andi %ne3A_875, %ne3A_870 : i1
        %add3A_877 = arith.addi %rem3A_868, %select_n3A_867 : i32
        %select_n3A_878 = arith.select %and3A_876, %add3A_877, %rem3A_868 : i32
        %dma_start3A_879 = arith.constant 0 : i32
        %dma_start3A_880 = arith.constant 0 : i32
        %dma_start3A_881 = tpu.memref_slice %arg7[%dma_start3A_879, %dma_start3A_880] : memref<128x64xf32, #tpu.memory_space<vmem>> -> memref<64x64xf32, #tpu.memory_space<vmem>>
        %dma_start3A_882 = arith.constant 0 : i32
        %dma_start3A_883 = tpu.memref_slice %arg6[%select_n3A_862, %select_n3A_878, %dma_start3A_882] : memref<25x8x128xi32, #tpu.memory_space<vmem>> -> memref<1x1x64xi32, #tpu.memory_space<vmem>>
        %dma_start3A_884 = tpu.memref_squeeze %dma_start3A_883 : memref<1x1x64xi32, #tpu.memory_space<vmem>> -> memref<64xi32, #tpu.memory_space<vmem>>
        %dma_start3A_885 = arith.constant 0 : i32
        %dma_start3A_886 = arith.constant 0 : i32
        %dma_start3A_887 = tpu.memref_slice %arg3[%dma_start3A_885, %dma_start3A_886] : memref<100000x64xf32, #tpu.memory_space<hbm>> -> memref<100000x64xf32, #tpu.memory_space<hbm>>
        tpu.enqueue_indirect_dma source(%dma_start3A_887 : memref<100000x64xf32, #tpu.memory_space<hbm>>) target(%dma_start3A_881 : memref<64x64xf32, #tpu.memory_space<vmem>>) offsets(%dma_start3A_884 : memref<64xi32, #tpu.memory_space<vmem>>) semaphore(%arg17 : memref<!tpu.dma_semaphore, #tpu.memory_space<semaphore_mem>>)
        %dma_start3A_888 = arith.constant 64 : i32
        %dma_start3A_889 = arith.constant 0 : i32
        %dma_start3A_890 = tpu.memref_slice %arg7[%dma_start3A_888, %dma_start3A_889] : memref<128x64xf32, #tpu.memory_space<vmem>> -> memref<64x64xf32, #tpu.memory_space<vmem>>
        %dma_start3A_891 = arith.constant 64 : i32
        %dma_start3A_892 = tpu.memref_slice %arg6[%select_n3A_862, %select_n3A_878, %dma_start3A_891] : memref<25x8x128xi32, #tpu.memory_space<vmem>> -> memref<1x1x64xi32, #tpu.memory_space<vmem>>
        %dma_start3A_893 = tpu.memref_squeeze %dma_start3A_892 : memref<1x1x64xi32, #tpu.memory_space<vmem>> -> memref<64xi32, #tpu.memory_space<vmem>>
        %dma_start3A_894 = arith.constant 0 : i32
        %dma_start3A_895 = arith.constant 0 : i32
        %dma_start3A_896 = tpu.memref_slice %arg3[%dma_start3A_894, %dma_start3A_895] : memref<100000x64xf32, #tpu.memory_space<hbm>> -> memref<100000x64xf32, #tpu.memory_space<hbm>>
        tpu.enqueue_indirect_dma source(%dma_start3A_896 : memref<100000x64xf32, #tpu.memory_space<hbm>>) target(%dma_start3A_890 : memref<64x64xf32, #tpu.memory_space<vmem>>) offsets(%dma_start3A_893 : memref<64xi32, #tpu.memory_space<vmem>>) semaphore(%arg17 : memref<!tpu.dma_semaphore, #tpu.memory_space<semaphore_mem>>)
      } else {
      }
      %dma_start3A_554 = arith.constant 0 : i32
      %dma_start3A_555 = arith.constant 0 : i32
      %dma_start3A_556 = arith.constant 0 : i32
      %dma_start3A_557 = tpu.memref_slice %arg13[%dma_start3A_554, %dma_start3A_555, %dma_start3A_556] : memref<8x8x129xf32, #tpu.memory_space<vmem>> -> memref<8x8x128xf32, #tpu.memory_space<vmem>>
      %dma_start3A_558 = arith.constant 0 : i32
      %dma_start3A_559 = arith.constant 0 : i32
      %dma_start3A_560 = arith.constant 0 : i32
      %dma_start3A_561 = tpu.memref_slice %arg5[%add3A_523, %dma_start3A_558, %add3A, %dma_start3A_559, %dma_start3A_560] : memref<200x8x32x8x128xf32, #tpu.memory_space<hbm>> -> memref<1x8x1x8x128xf32, #tpu.memory_space<hbm>>
      %dma_start3A_562 = tpu.memref_squeeze %dma_start3A_561 : memref<1x8x1x8x128xf32, #tpu.memory_space<hbm>> -> memref<8x8x128xf32, #tpu.memory_space<hbm>>
      %dma_start3A_563 = arith.constant 0 : i32
      %dma_start3A_564 = arith.constant 0 : i32
      %dma_start3A_565 = arith.constant 0 : i32
      %dma_start3A_566 = tpu.memref_slice %arg5[%add3A_523, %dma_start3A_563, %add3A, %dma_start3A_564, %dma_start3A_565] : memref<200x8x32x8x128xf32, #tpu.memory_space<hbm>> -> memref<1x8x1x8x128xf32, #tpu.memory_space<hbm>>
      %dma_start3A_567 = tpu.memref_squeeze %dma_start3A_566 : memref<1x8x1x8x128xf32, #tpu.memory_space<hbm>> -> memref<8x8x128xf32, #tpu.memory_space<hbm>>
      %dma_start3A_568 = arith.constant 0 : i32
      %dma_start3A_569 = arith.constant 0 : i32
      %dma_start3A_570 = arith.constant 0 : i32
      %dma_start3A_571 = tpu.memref_slice %arg13[%dma_start3A_568, %dma_start3A_569, %dma_start3A_570] : memref<8x8x129xf32, #tpu.memory_space<vmem>> -> memref<8x8x128xf32, #tpu.memory_space<vmem>>
      tpu.enqueue_dma source(%dma_start3A_571 : memref<8x8x128xf32, #tpu.memory_space<vmem>>) target(%dma_start3A_567 : memref<8x8x128xf32, #tpu.memory_space<hbm>>) target_semaphore(%arg23 : memref<!tpu.dma_semaphore, #tpu.memory_space<semaphore_mem>>)
      %add3A_572 = arith.constant 1 : i32
      %add3A_573 = arith.addi %mul3A_521, %add3A_572 : i32
      %dma_wait3A_574 = arith.constant 0 : i32
      %dma_wait3A_575 = arith.constant 0 : i32
      %dma_wait3A_576 = tpu.memref_slice %arg3[%dma_wait3A_574, %dma_wait3A_575] : memref<100000x64xf32, #tpu.memory_space<hbm>> -> memref<128x64xf32, #tpu.memory_space<hbm>>
      %dma_wait3A_577 = arith.constant 0 : i32
      %dma_wait3A_578 = arith.constant 0 : i32
      %dma_wait3A_579 = tpu.memref_slice %arg3[%dma_wait3A_577, %dma_wait3A_578] : memref<100000x64xf32, #tpu.memory_space<hbm>> -> memref<128x64xf32, #tpu.memory_space<hbm>>
      tpu.wait_dma2 semaphore(%arg18 : memref<!tpu.dma_semaphore, #tpu.memory_space<semaphore_mem>>) src(%dma_wait3A_579 : memref<128x64xf32, #tpu.memory_space<hbm>>) dst(%arg8 : memref<128x64xf32, #tpu.memory_space<vmem>>)
      %ge3A_580 = arith.constant 2 : i32
      %ge3A_581 = arith.cmpi sge, %add3A_573, %ge3A_580 : i32
      %convert_element_type3A_582 = arith.extui %ge3A_581 : i1 to i32
      %cond3A_583 = arith.constant 0 : i32
      %cond3A_584 = arith.cmpi ne, %convert_element_type3A_582, %cond3A_583 : i32
      scf.if %cond3A_584 {
        %dma_wait3A_837 = arith.constant 0 : i32
        %dma_wait3A_838 = arith.constant 0 : i32
        %dma_wait3A_839 = arith.constant 0 : i32
        %dma_wait3A_840 = arith.constant 0 : i32
        %dma_wait3A_841 = arith.constant 0 : i32
        %dma_wait3A_842 = tpu.memref_slice %arg14[%dma_wait3A_839, %dma_wait3A_840, %dma_wait3A_841] : memref<8x8x129xf32, #tpu.memory_space<vmem>> -> memref<8x8x128xf32, #tpu.memory_space<vmem>>
        %dma_wait3A_843 = arith.constant 0 : i32
        %dma_wait3A_844 = arith.constant 0 : i32
        %dma_wait3A_845 = arith.constant 0 : i32
        %dma_wait3A_846 = tpu.memref_slice %arg5[%dma_wait3A_837, %dma_wait3A_843, %dma_wait3A_838, %dma_wait3A_844, %dma_wait3A_845] : memref<200x8x32x8x128xf32, #tpu.memory_space<hbm>> -> memref<1x8x1x8x128xf32, #tpu.memory_space<hbm>>
        %dma_wait3A_847 = tpu.memref_squeeze %dma_wait3A_846 : memref<1x8x1x8x128xf32, #tpu.memory_space<hbm>> -> memref<8x8x128xf32, #tpu.memory_space<hbm>>
        %dma_wait3A_848 = arith.constant 0 : i32
        %dma_wait3A_849 = arith.constant 0 : i32
        %dma_wait3A_850 = arith.constant 0 : i32
        %dma_wait3A_851 = tpu.memref_slice %arg5[%dma_wait3A_837, %dma_wait3A_848, %dma_wait3A_838, %dma_wait3A_849, %dma_wait3A_850] : memref<200x8x32x8x128xf32, #tpu.memory_space<hbm>> -> memref<1x8x1x8x128xf32, #tpu.memory_space<hbm>>
        %dma_wait3A_852 = tpu.memref_squeeze %dma_wait3A_851 : memref<1x8x1x8x128xf32, #tpu.memory_space<hbm>> -> memref<8x8x128xf32, #tpu.memory_space<hbm>>
        %dma_wait3A_853 = arith.constant 0 : i32
        %dma_wait3A_854 = arith.constant 0 : i32
        %dma_wait3A_855 = arith.constant 0 : i32
        %dma_wait3A_856 = tpu.memref_slice %arg14[%dma_wait3A_853, %dma_wait3A_854, %dma_wait3A_855] : memref<8x8x129xf32, #tpu.memory_space<vmem>> -> memref<8x8x128xf32, #tpu.memory_space<vmem>>
        tpu.wait_dma2 semaphore(%arg24 : memref<!tpu.dma_semaphore, #tpu.memory_space<semaphore_mem>>) src(%dma_wait3A_856 : memref<8x8x128xf32, #tpu.memory_space<vmem>>) dst(%dma_wait3A_852 : memref<8x8x128xf32, #tpu.memory_space<hbm>>)
      } else {
      }
      %get3A_585 = arith.index_cast %add3A_573 : i32 to index
      %get3A_586 = arith.constant 0 : index
      %get3A_587 = tpu.vector_load %arg16[%get3A_585, %get3A_586] {strides = array<i32>} : memref<200x64xf32, #tpu.memory_space<vmem>>, vector<16xf32>,
      %get3A_588 = arith.index_cast %add3A_573 : i32 to index
      %get3A_589 = arith.constant 16 : index
      %get3A_590 = tpu.vector_load %arg16[%get3A_588, %get3A_589] {strides = array<i32>} : memref<200x64xf32, #tpu.memory_space<vmem>>, vector<16xf32>,
      %get3A_591 = arith.index_cast %add3A_573 : i32 to index
      %get3A_592 = arith.constant 32 : index
      %get3A_593 = tpu.vector_load %arg16[%get3A_591, %get3A_592] {strides = array<i32>} : memref<200x64xf32, #tpu.memory_space<vmem>>, vector<16xf32>,
      %get3A_594 = arith.index_cast %add3A_573 : i32 to index
      %get3A_595 = arith.constant 48 : index
      %get3A_596 = tpu.vector_load %arg16[%get3A_594, %get3A_595] {strides = array<i32>} : memref<200x64xf32, #tpu.memory_space<vmem>>, vector<16xf32>,
      %parallel_loop3A_597 = arith.constant 0 : i32
      %parallel_loop3A_598 = arith.constant 128 : i32
      %parallel_loop3A_599 = arith.constant 1 : i32
      scf.for %parallel_loop3A_837 = %parallel_loop3A_597 to %parallel_loop3A_598 step %parallel_loop3A_599  : i32 {
        %parallel_loop3A_838 = vector.broadcast %parallel_loop3A_837 : i32 to vector<16xi32>
        %parallel_loop3A_839 = arith.index_cast %parallel_loop3A_837 : i32 to index
        %parallel_loop3A_840 = arith.constant 0 : index
        %parallel_loop3A_841 = tpu.vector_load %arg8[%parallel_loop3A_839, %parallel_loop3A_840] {strides = array<i32>} : memref<128x64xf32, #tpu.memory_space<vmem>>, vector<16xf32>,
        %parallel_loop3A_842 = arith.addf %parallel_loop3A_841, %get3A_587 : vector<16xf32>
        tpu.vector_store_idx %arg14[%select_n3A, %select_n3A_148, %parallel_loop3A_838], %parallel_loop3A_842 : memref<8x8x129xf32, #tpu.memory_space<vmem>>[vector<16xi32>, vector<16xi32>, vector<16xi32>], vector<16xf32>,
        %parallel_loop3A_843 = arith.index_cast %parallel_loop3A_837 : i32 to index
        %parallel_loop3A_844 = arith.constant 16 : index
        %parallel_loop3A_845 = tpu.vector_load %arg8[%parallel_loop3A_843, %parallel_loop3A_844] {strides = array<i32>} : memref<128x64xf32, #tpu.memory_space<vmem>>, vector<16xf32>,
        %parallel_loop3A_846 = arith.addf %parallel_loop3A_845, %get3A_590 : vector<16xf32>
        tpu.vector_store_idx %arg14[%select_n3A_66, %select_n3A_170, %parallel_loop3A_838], %parallel_loop3A_846 : memref<8x8x129xf32, #tpu.memory_space<vmem>>[vector<16xi32>, vector<16xi32>, vector<16xi32>], vector<16xf32>,
        %parallel_loop3A_847 = arith.index_cast %parallel_loop3A_837 : i32 to index
        %parallel_loop3A_848 = arith.constant 32 : index
        %parallel_loop3A_849 = tpu.vector_load %arg8[%parallel_loop3A_847, %parallel_loop3A_848] {strides = array<i32>} : memref<128x64xf32, #tpu.memory_space<vmem>>, vector<16xf32>,
        %parallel_loop3A_850 = arith.addf %parallel_loop3A_849, %get3A_593 : vector<16xf32>
        tpu.vector_store_idx %arg14[%select_n3A_97, %select_n3A_192, %parallel_loop3A_838], %parallel_loop3A_850 : memref<8x8x129xf32, #tpu.memory_space<vmem>>[vector<16xi32>, vector<16xi32>, vector<16xi32>], vector<16xf32>,
        %parallel_loop3A_851 = arith.index_cast %parallel_loop3A_837 : i32 to index
        %parallel_loop3A_852 = arith.constant 48 : index
        %parallel_loop3A_853 = tpu.vector_load %arg8[%parallel_loop3A_851, %parallel_loop3A_852] {strides = array<i32>} : memref<128x64xf32, #tpu.memory_space<vmem>>, vector<16xf32>,
        %parallel_loop3A_854 = arith.addf %parallel_loop3A_853, %get3A_596 : vector<16xf32>
        tpu.vector_store_idx %arg14[%select_n3A_128, %select_n3A_214, %parallel_loop3A_838], %parallel_loop3A_854 : memref<8x8x129xf32, #tpu.memory_space<vmem>>[vector<16xi32>, vector<16xi32>, vector<16xi32>], vector<16xf32>,
      } {sc.loop_unroll_factor = 1 : i64, sc.parallel_access}
      %add3A_600 = arith.constant 6 : i32
      %add3A_601 = arith.addi %add3A_573, %add3A_600 : i32
      %lt3A_602 = arith.constant 200 : i32
      %lt3A_603 = arith.cmpi slt, %add3A_601, %lt3A_602 : i32
      %convert_element_type3A_604 = arith.extui %lt3A_603 : i1 to i32
      %cond3A_605 = arith.constant 0 : i32
      %cond3A_606 = arith.cmpi ne, %convert_element_type3A_604, %cond3A_605 : i32
      scf.if %cond3A_606 {
        %add3A_837 = arith.constant 6 : i32
        %add3A_838 = arith.addi %add3A_573, %add3A_837 : i32
        %jit3A_839 = arith.constant 8 : i32
        %div3A_840 = arith.divsi %add3A_838, %jit3A_839 : i32
        %sign3A_841 = arith.constant 0 : i32
        %sign3A_842 = arith.cmpi sgt, %add3A_838, %sign3A_841 : i32
        %sign3A_843 = arith.extui %sign3A_842 : i1 to i32
        %sign3A_844 = arith.constant 0 : i32
        %sign3A_845 = arith.cmpi slt, %add3A_838, %sign3A_844 : i32
        %sign3A_846 = arith.extui %sign3A_845 : i1 to i32
        %sign3A_847 = arith.subi %sign3A_843, %sign3A_846 : i32
        %sign3A_848 = arith.constant 0 : i32
        %sign3A_849 = arith.cmpi sgt, %jit3A_839, %sign3A_848 : i32
        %sign3A_850 = arith.extui %sign3A_849 : i1 to i32
        %sign3A_851 = arith.constant 0 : i32
        %sign3A_852 = arith.cmpi slt, %jit3A_839, %sign3A_851 : i32
        %sign3A_853 = arith.extui %sign3A_852 : i1 to i32
        %sign3A_854 = arith.subi %sign3A_850, %sign3A_853 : i32
        %ne3A_855 = arith.cmpi ne, %sign3A_847, %sign3A_854 : i32
        %rem3A_856 = arith.remsi %add3A_838, %jit3A_839 : i32
        %ne3A_857 = arith.constant 0 : i32
        %ne3A_858 = arith.cmpi ne, %rem3A_856, %ne3A_857 : i32
        %and3A_859 = arith.andi %ne3A_855, %ne3A_858 : i1
        %sub3A_860 = arith.constant 1 : i32
        %sub3A_861 = arith.subi %div3A_840, %sub3A_860 : i32
        %select_n3A_862 = arith.select %and3A_859, %sub3A_861, %div3A_840 : i32
        %jit3A_863 = arith.constant 8 : i32
        %eq3A_864 = arith.constant 0 : i32
        %eq3A_865 = arith.cmpi eq, %jit3A_863, %eq3A_864 : i32
        %jit3A_866 = arith.constant 1 : i32
        %select_n3A_867 = arith.select %eq3A_865, %jit3A_866, %jit3A_863 : i32
        %rem3A_868 = arith.remsi %add3A_838, %select_n3A_867 : i32
        %ne3A_869 = arith.constant 0 : i32
        %ne3A_870 = arith.cmpi ne, %rem3A_868, %ne3A_869 : i32
        %lt3A_871 = arith.constant 0 : i32
        %lt3A_872 = arith.cmpi slt, %rem3A_868, %lt3A_871 : i32
        %lt3A_873 = arith.constant 0 : i32
        %lt3A_874 = arith.cmpi slt, %select_n3A_867, %lt3A_873 : i32
        %ne3A_875 = arith.xori %lt3A_872, %lt3A_874 : i1
        %and3A_876 = arith.andi %ne3A_875, %ne3A_870 : i1
        %add3A_877 = arith.addi %rem3A_868, %select_n3A_867 : i32
        %select_n3A_878 = arith.select %and3A_876, %add3A_877, %rem3A_868 : i32
        %dma_start3A_879 = arith.constant 0 : i32
        %dma_start3A_880 = arith.constant 0 : i32
        %dma_start3A_881 = tpu.memref_slice %arg8[%dma_start3A_879, %dma_start3A_880] : memref<128x64xf32, #tpu.memory_space<vmem>> -> memref<64x64xf32, #tpu.memory_space<vmem>>
        %dma_start3A_882 = arith.constant 0 : i32
        %dma_start3A_883 = tpu.memref_slice %arg6[%select_n3A_862, %select_n3A_878, %dma_start3A_882] : memref<25x8x128xi32, #tpu.memory_space<vmem>> -> memref<1x1x64xi32, #tpu.memory_space<vmem>>
        %dma_start3A_884 = tpu.memref_squeeze %dma_start3A_883 : memref<1x1x64xi32, #tpu.memory_space<vmem>> -> memref<64xi32, #tpu.memory_space<vmem>>
        %dma_start3A_885 = arith.constant 0 : i32
        %dma_start3A_886 = arith.constant 0 : i32
        %dma_start3A_887 = tpu.memref_slice %arg3[%dma_start3A_885, %dma_start3A_886] : memref<100000x64xf32, #tpu.memory_space<hbm>> -> memref<100000x64xf32, #tpu.memory_space<hbm>>
        tpu.enqueue_indirect_dma source(%dma_start3A_887 : memref<100000x64xf32, #tpu.memory_space<hbm>>) target(%dma_start3A_881 : memref<64x64xf32, #tpu.memory_space<vmem>>) offsets(%dma_start3A_884 : memref<64xi32, #tpu.memory_space<vmem>>) semaphore(%arg18 : memref<!tpu.dma_semaphore, #tpu.memory_space<semaphore_mem>>)
        %dma_start3A_888 = arith.constant 64 : i32
        %dma_start3A_889 = arith.constant 0 : i32
        %dma_start3A_890 = tpu.memref_slice %arg8[%dma_start3A_888, %dma_start3A_889] : memref<128x64xf32, #tpu.memory_space<vmem>> -> memref<64x64xf32, #tpu.memory_space<vmem>>
        %dma_start3A_891 = arith.constant 64 : i32
        %dma_start3A_892 = tpu.memref_slice %arg6[%select_n3A_862, %select_n3A_878, %dma_start3A_891] : memref<25x8x128xi32, #tpu.memory_space<vmem>> -> memref<1x1x64xi32, #tpu.memory_space<vmem>>
        %dma_start3A_893 = tpu.memref_squeeze %dma_start3A_892 : memref<1x1x64xi32, #tpu.memory_space<vmem>> -> memref<64xi32, #tpu.memory_space<vmem>>
        %dma_start3A_894 = arith.constant 0 : i32
        %dma_start3A_895 = arith.constant 0 : i32
        %dma_start3A_896 = tpu.memref_slice %arg3[%dma_start3A_894, %dma_start3A_895] : memref<100000x64xf32, #tpu.memory_space<hbm>> -> memref<100000x64xf32, #tpu.memory_space<hbm>>
        tpu.enqueue_indirect_dma source(%dma_start3A_896 : memref<100000x64xf32, #tpu.memory_space<hbm>>) target(%dma_start3A_890 : memref<64x64xf32, #tpu.memory_space<vmem>>) offsets(%dma_start3A_893 : memref<64xi32, #tpu.memory_space<vmem>>) semaphore(%arg18 : memref<!tpu.dma_semaphore, #tpu.memory_space<semaphore_mem>>)
      } else {
      }
      %dma_start3A_607 = arith.constant 0 : i32
      %dma_start3A_608 = arith.constant 0 : i32
      %dma_start3A_609 = arith.constant 0 : i32
      %dma_start3A_610 = tpu.memref_slice %arg14[%dma_start3A_607, %dma_start3A_608, %dma_start3A_609] : memref<8x8x129xf32, #tpu.memory_space<vmem>> -> memref<8x8x128xf32, #tpu.memory_space<vmem>>
      %dma_start3A_611 = arith.constant 0 : i32
      %dma_start3A_612 = arith.constant 0 : i32
      %dma_start3A_613 = arith.constant 0 : i32
      %dma_start3A_614 = tpu.memref_slice %arg5[%add3A_573, %dma_start3A_611, %add3A, %dma_start3A_612, %dma_start3A_613] : memref<200x8x32x8x128xf32, #tpu.memory_space<hbm>> -> memref<1x8x1x8x128xf32, #tpu.memory_space<hbm>>
      %dma_start3A_615 = tpu.memref_squeeze %dma_start3A_614 : memref<1x8x1x8x128xf32, #tpu.memory_space<hbm>> -> memref<8x8x128xf32, #tpu.memory_space<hbm>>
      %dma_start3A_616 = arith.constant 0 : i32
      %dma_start3A_617 = arith.constant 0 : i32
      %dma_start3A_618 = arith.constant 0 : i32
      %dma_start3A_619 = tpu.memref_slice %arg5[%add3A_573, %dma_start3A_616, %add3A, %dma_start3A_617, %dma_start3A_618] : memref<200x8x32x8x128xf32, #tpu.memory_space<hbm>> -> memref<1x8x1x8x128xf32, #tpu.memory_space<hbm>>
      %dma_start3A_620 = tpu.memref_squeeze %dma_start3A_619 : memref<1x8x1x8x128xf32, #tpu.memory_space<hbm>> -> memref<8x8x128xf32, #tpu.memory_space<hbm>>
      %dma_start3A_621 = arith.constant 0 : i32
      %dma_start3A_622 = arith.constant 0 : i32
      %dma_start3A_623 = arith.constant 0 : i32
      %dma_start3A_624 = tpu.memref_slice %arg14[%dma_start3A_621, %dma_start3A_622, %dma_start3A_623] : memref<8x8x129xf32, #tpu.memory_space<vmem>> -> memref<8x8x128xf32, #tpu.memory_space<vmem>>
      tpu.enqueue_dma source(%dma_start3A_624 : memref<8x8x128xf32, #tpu.memory_space<vmem>>) target(%dma_start3A_620 : memref<8x8x128xf32, #tpu.memory_space<hbm>>) target_semaphore(%arg24 : memref<!tpu.dma_semaphore, #tpu.memory_space<semaphore_mem>>)
      %add3A_625 = arith.constant 2 : i32
      %add3A_626 = arith.addi %mul3A_521, %add3A_625 : i32
      %dma_wait3A_627 = arith.constant 0 : i32
      %dma_wait3A_628 = arith.constant 0 : i32
      %dma_wait3A_629 = tpu.memref_slice %arg3[%dma_wait3A_627, %dma_wait3A_628] : memref<100000x64xf32, #tpu.memory_space<hbm>> -> memref<128x64xf32, #tpu.memory_space<hbm>>
      %dma_wait3A_630 = arith.constant 0 : i32
      %dma_wait3A_631 = arith.constant 0 : i32
      %dma_wait3A_632 = tpu.memref_slice %arg3[%dma_wait3A_630, %dma_wait3A_631] : memref<100000x64xf32, #tpu.memory_space<hbm>> -> memref<128x64xf32, #tpu.memory_space<hbm>>
      tpu.wait_dma2 semaphore(%arg19 : memref<!tpu.dma_semaphore, #tpu.memory_space<semaphore_mem>>) src(%dma_wait3A_632 : memref<128x64xf32, #tpu.memory_space<hbm>>) dst(%arg9 : memref<128x64xf32, #tpu.memory_space<vmem>>)
      %ge3A_633 = arith.constant 2 : i32
      %ge3A_634 = arith.cmpi sge, %add3A_626, %ge3A_633 : i32
      %convert_element_type3A_635 = arith.extui %ge3A_634 : i1 to i32
      %cond3A_636 = arith.constant 0 : i32
      %cond3A_637 = arith.cmpi ne, %convert_element_type3A_635, %cond3A_636 : i32
      scf.if %cond3A_637 {
        %dma_wait3A_837 = arith.constant 0 : i32
        %dma_wait3A_838 = arith.constant 0 : i32
        %dma_wait3A_839 = arith.constant 0 : i32
        %dma_wait3A_840 = arith.constant 0 : i32
        %dma_wait3A_841 = arith.constant 0 : i32
        %dma_wait3A_842 = tpu.memref_slice %arg13[%dma_wait3A_839, %dma_wait3A_840, %dma_wait3A_841] : memref<8x8x129xf32, #tpu.memory_space<vmem>> -> memref<8x8x128xf32, #tpu.memory_space<vmem>>
        %dma_wait3A_843 = arith.constant 0 : i32
        %dma_wait3A_844 = arith.constant 0 : i32
        %dma_wait3A_845 = arith.constant 0 : i32
        %dma_wait3A_846 = tpu.memref_slice %arg5[%dma_wait3A_837, %dma_wait3A_843, %dma_wait3A_838, %dma_wait3A_844, %dma_wait3A_845] : memref<200x8x32x8x128xf32, #tpu.memory_space<hbm>> -> memref<1x8x1x8x128xf32, #tpu.memory_space<hbm>>
        %dma_wait3A_847 = tpu.memref_squeeze %dma_wait3A_846 : memref<1x8x1x8x128xf32, #tpu.memory_space<hbm>> -> memref<8x8x128xf32, #tpu.memory_space<hbm>>
        %dma_wait3A_848 = arith.constant 0 : i32
        %dma_wait3A_849 = arith.constant 0 : i32
        %dma_wait3A_850 = arith.constant 0 : i32
        %dma_wait3A_851 = tpu.memref_slice %arg5[%dma_wait3A_837, %dma_wait3A_848, %dma_wait3A_838, %dma_wait3A_849, %dma_wait3A_850] : memref<200x8x32x8x128xf32, #tpu.memory_space<hbm>> -> memref<1x8x1x8x128xf32, #tpu.memory_space<hbm>>
        %dma_wait3A_852 = tpu.memref_squeeze %dma_wait3A_851 : memref<1x8x1x8x128xf32, #tpu.memory_space<hbm>> -> memref<8x8x128xf32, #tpu.memory_space<hbm>>
        %dma_wait3A_853 = arith.constant 0 : i32
        %dma_wait3A_854 = arith.constant 0 : i32
        %dma_wait3A_855 = arith.constant 0 : i32
        %dma_wait3A_856 = tpu.memref_slice %arg13[%dma_wait3A_853, %dma_wait3A_854, %dma_wait3A_855] : memref<8x8x129xf32, #tpu.memory_space<vmem>> -> memref<8x8x128xf32, #tpu.memory_space<vmem>>
        tpu.wait_dma2 semaphore(%arg23 : memref<!tpu.dma_semaphore, #tpu.memory_space<semaphore_mem>>) src(%dma_wait3A_856 : memref<8x8x128xf32, #tpu.memory_space<vmem>>) dst(%dma_wait3A_852 : memref<8x8x128xf32, #tpu.memory_space<hbm>>)
      } else {
      }
      %get3A_638 = arith.index_cast %add3A_626 : i32 to index
      %get3A_639 = arith.constant 0 : index
      %get3A_640 = tpu.vector_load %arg16[%get3A_638, %get3A_639] {strides = array<i32>} : memref<200x64xf32, #tpu.memory_space<vmem>>, vector<16xf32>,
      %get3A_641 = arith.index_cast %add3A_626 : i32 to index
      %get3A_642 = arith.constant 16 : index
      %get3A_643 = tpu.vector_load %arg16[%get3A_641, %get3A_642] {strides = array<i32>} : memref<200x64xf32, #tpu.memory_space<vmem>>, vector<16xf32>,
      %get3A_644 = arith.index_cast %add3A_626 : i32 to index
      %get3A_645 = arith.constant 32 : index
      %get3A_646 = tpu.vector_load %arg16[%get3A_644, %get3A_645] {strides = array<i32>} : memref<200x64xf32, #tpu.memory_space<vmem>>, vector<16xf32>,
      %get3A_647 = arith.index_cast %add3A_626 : i32 to index
      %get3A_648 = arith.constant 48 : index
      %get3A_649 = tpu.vector_load %arg16[%get3A_647, %get3A_648] {strides = array<i32>} : memref<200x64xf32, #tpu.memory_space<vmem>>, vector<16xf32>,
      %parallel_loop3A_650 = arith.constant 0 : i32
      %parallel_loop3A_651 = arith.constant 128 : i32
      %parallel_loop3A_652 = arith.constant 1 : i32
      scf.for %parallel_loop3A_837 = %parallel_loop3A_650 to %parallel_loop3A_651 step %parallel_loop3A_652  : i32 {
        %parallel_loop3A_838 = vector.broadcast %parallel_loop3A_837 : i32 to vector<16xi32>
        %parallel_loop3A_839 = arith.index_cast %parallel_loop3A_837 : i32 to index
        %parallel_loop3A_840 = arith.constant 0 : index
        %parallel_loop3A_841 = tpu.vector_load %arg9[%parallel_loop3A_839, %parallel_loop3A_840] {strides = array<i32>} : memref<128x64xf32, #tpu.memory_space<vmem>>, vector<16xf32>,
        %parallel_loop3A_842 = arith.addf %parallel_loop3A_841, %get3A_640 : vector<16xf32>
        tpu.vector_store_idx %arg13[%select_n3A, %select_n3A_148, %parallel_loop3A_838], %parallel_loop3A_842 : memref<8x8x129xf32, #tpu.memory_space<vmem>>[vector<16xi32>, vector<16xi32>, vector<16xi32>], vector<16xf32>,
        %parallel_loop3A_843 = arith.index_cast %parallel_loop3A_837 : i32 to index
        %parallel_loop3A_844 = arith.constant 16 : index
        %parallel_loop3A_845 = tpu.vector_load %arg9[%parallel_loop3A_843, %parallel_loop3A_844] {strides = array<i32>} : memref<128x64xf32, #tpu.memory_space<vmem>>, vector<16xf32>,
        %parallel_loop3A_846 = arith.addf %parallel_loop3A_845, %get3A_643 : vector<16xf32>
        tpu.vector_store_idx %arg13[%select_n3A_66, %select_n3A_170, %parallel_loop3A_838], %parallel_loop3A_846 : memref<8x8x129xf32, #tpu.memory_space<vmem>>[vector<16xi32>, vector<16xi32>, vector<16xi32>], vector<16xf32>,
        %parallel_loop3A_847 = arith.index_cast %parallel_loop3A_837 : i32 to index
        %parallel_loop3A_848 = arith.constant 32 : index
        %parallel_loop3A_849 = tpu.vector_load %arg9[%parallel_loop3A_847, %parallel_loop3A_848] {strides = array<i32>} : memref<128x64xf32, #tpu.memory_space<vmem>>, vector<16xf32>,
        %parallel_loop3A_850 = arith.addf %parallel_loop3A_849, %get3A_646 : vector<16xf32>
        tpu.vector_store_idx %arg13[%select_n3A_97, %select_n3A_192, %parallel_loop3A_838], %parallel_loop3A_850 : memref<8x8x129xf32, #tpu.memory_space<vmem>>[vector<16xi32>, vector<16xi32>, vector<16xi32>], vector<16xf32>,
        %parallel_loop3A_851 = arith.index_cast %parallel_loop3A_837 : i32 to index
        %parallel_loop3A_852 = arith.constant 48 : index
        %parallel_loop3A_853 = tpu.vector_load %arg9[%parallel_loop3A_851, %parallel_loop3A_852] {strides = array<i32>} : memref<128x64xf32, #tpu.memory_space<vmem>>, vector<16xf32>,
        %parallel_loop3A_854 = arith.addf %parallel_loop3A_853, %get3A_649 : vector<16xf32>
        tpu.vector_store_idx %arg13[%select_n3A_128, %select_n3A_214, %parallel_loop3A_838], %parallel_loop3A_854 : memref<8x8x129xf32, #tpu.memory_space<vmem>>[vector<16xi32>, vector<16xi32>, vector<16xi32>], vector<16xf32>,
      } {sc.loop_unroll_factor = 1 : i64, sc.parallel_access}
      %add3A_653 = arith.constant 6 : i32
      %add3A_654 = arith.addi %add3A_626, %add3A_653 : i32
      %lt3A_655 = arith.constant 200 : i32
      %lt3A_656 = arith.cmpi slt, %add3A_654, %lt3A_655 : i32
      %convert_element_type3A_657 = arith.extui %lt3A_656 : i1 to i32
      %cond3A_658 = arith.constant 0 : i32
      %cond3A_659 = arith.cmpi ne, %convert_element_type3A_657, %cond3A_658 : i32
      scf.if %cond3A_659 {
        %add3A_837 = arith.constant 6 : i32
        %add3A_838 = arith.addi %add3A_626, %add3A_837 : i32
        %jit3A_839 = arith.constant 8 : i32
        %div3A_840 = arith.divsi %add3A_838, %jit3A_839 : i32
        %sign3A_841 = arith.constant 0 : i32
        %sign3A_842 = arith.cmpi sgt, %add3A_838, %sign3A_841 : i32
        %sign3A_843 = arith.extui %sign3A_842 : i1 to i32
        %sign3A_844 = arith.constant 0 : i32
        %sign3A_845 = arith.cmpi slt, %add3A_838, %sign3A_844 : i32
        %sign3A_846 = arith.extui %sign3A_845 : i1 to i32
        %sign3A_847 = arith.subi %sign3A_843, %sign3A_846 : i32
        %sign3A_848 = arith.constant 0 : i32
        %sign3A_849 = arith.cmpi sgt, %jit3A_839, %sign3A_848 : i32
        %sign3A_850 = arith.extui %sign3A_849 : i1 to i32
        %sign3A_851 = arith.constant 0 : i32
        %sign3A_852 = arith.cmpi slt, %jit3A_839, %sign3A_851 : i32
        %sign3A_853 = arith.extui %sign3A_852 : i1 to i32
        %sign3A_854 = arith.subi %sign3A_850, %sign3A_853 : i32
        %ne3A_855 = arith.cmpi ne, %sign3A_847, %sign3A_854 : i32
        %rem3A_856 = arith.remsi %add3A_838, %jit3A_839 : i32
        %ne3A_857 = arith.constant 0 : i32
        %ne3A_858 = arith.cmpi ne, %rem3A_856, %ne3A_857 : i32
        %and3A_859 = arith.andi %ne3A_855, %ne3A_858 : i1
        %sub3A_860 = arith.constant 1 : i32
        %sub3A_861 = arith.subi %div3A_840, %sub3A_860 : i32
        %select_n3A_862 = arith.select %and3A_859, %sub3A_861, %div3A_840 : i32
        %jit3A_863 = arith.constant 8 : i32
        %eq3A_864 = arith.constant 0 : i32
        %eq3A_865 = arith.cmpi eq, %jit3A_863, %eq3A_864 : i32
        %jit3A_866 = arith.constant 1 : i32
        %select_n3A_867 = arith.select %eq3A_865, %jit3A_866, %jit3A_863 : i32
        %rem3A_868 = arith.remsi %add3A_838, %select_n3A_867 : i32
        %ne3A_869 = arith.constant 0 : i32
        %ne3A_870 = arith.cmpi ne, %rem3A_868, %ne3A_869 : i32
        %lt3A_871 = arith.constant 0 : i32
        %lt3A_872 = arith.cmpi slt, %rem3A_868, %lt3A_871 : i32
        %lt3A_873 = arith.constant 0 : i32
        %lt3A_874 = arith.cmpi slt, %select_n3A_867, %lt3A_873 : i32
        %ne3A_875 = arith.xori %lt3A_872, %lt3A_874 : i1
        %and3A_876 = arith.andi %ne3A_875, %ne3A_870 : i1
        %add3A_877 = arith.addi %rem3A_868, %select_n3A_867 : i32
        %select_n3A_878 = arith.select %and3A_876, %add3A_877, %rem3A_868 : i32
        %dma_start3A_879 = arith.constant 0 : i32
        %dma_start3A_880 = arith.constant 0 : i32
        %dma_start3A_881 = tpu.memref_slice %arg9[%dma_start3A_879, %dma_start3A_880] : memref<128x64xf32, #tpu.memory_space<vmem>> -> memref<64x64xf32, #tpu.memory_space<vmem>>
        %dma_start3A_882 = arith.constant 0 : i32
        %dma_start3A_883 = tpu.memref_slice %arg6[%select_n3A_862, %select_n3A_878, %dma_start3A_882] : memref<25x8x128xi32, #tpu.memory_space<vmem>> -> memref<1x1x64xi32, #tpu.memory_space<vmem>>
        %dma_start3A_884 = tpu.memref_squeeze %dma_start3A_883 : memref<1x1x64xi32, #tpu.memory_space<vmem>> -> memref<64xi32, #tpu.memory_space<vmem>>
        %dma_start3A_885 = arith.constant 0 : i32
        %dma_start3A_886 = arith.constant 0 : i32
        %dma_start3A_887 = tpu.memref_slice %arg3[%dma_start3A_885, %dma_start3A_886] : memref<100000x64xf32, #tpu.memory_space<hbm>> -> memref<100000x64xf32, #tpu.memory_space<hbm>>
        tpu.enqueue_indirect_dma source(%dma_start3A_887 : memref<100000x64xf32, #tpu.memory_space<hbm>>) target(%dma_start3A_881 : memref<64x64xf32, #tpu.memory_space<vmem>>) offsets(%dma_start3A_884 : memref<64xi32, #tpu.memory_space<vmem>>) semaphore(%arg19 : memref<!tpu.dma_semaphore, #tpu.memory_space<semaphore_mem>>)
        %dma_start3A_888 = arith.constant 64 : i32
        %dma_start3A_889 = arith.constant 0 : i32
        %dma_start3A_890 = tpu.memref_slice %arg9[%dma_start3A_888, %dma_start3A_889] : memref<128x64xf32, #tpu.memory_space<vmem>> -> memref<64x64xf32, #tpu.memory_space<vmem>>
        %dma_start3A_891 = arith.constant 64 : i32
        %dma_start3A_892 = tpu.memref_slice %arg6[%select_n3A_862, %select_n3A_878, %dma_start3A_891] : memref<25x8x128xi32, #tpu.memory_space<vmem>> -> memref<1x1x64xi32, #tpu.memory_space<vmem>>
        %dma_start3A_893 = tpu.memref_squeeze %dma_start3A_892 : memref<1x1x64xi32, #tpu.memory_space<vmem>> -> memref<64xi32, #tpu.memory_space<vmem>>
        %dma_start3A_894 = arith.constant 0 : i32
        %dma_start3A_895 = arith.constant 0 : i32
        %dma_start3A_896 = tpu.memref_slice %arg3[%dma_start3A_894, %dma_start3A_895] : memref<100000x64xf32, #tpu.memory_space<hbm>> -> memref<100000x64xf32, #tpu.memory_space<hbm>>
        tpu.enqueue_indirect_dma source(%dma_start3A_896 : memref<100000x64xf32, #tpu.memory_space<hbm>>) target(%dma_start3A_890 : memref<64x64xf32, #tpu.memory_space<vmem>>) offsets(%dma_start3A_893 : memref<64xi32, #tpu.memory_space<vmem>>) semaphore(%arg19 : memref<!tpu.dma_semaphore, #tpu.memory_space<semaphore_mem>>)
      } else {
      }
      %dma_start3A_660 = arith.constant 0 : i32
      %dma_start3A_661 = arith.constant 0 : i32
      %dma_start3A_662 = arith.constant 0 : i32
      %dma_start3A_663 = tpu.memref_slice %arg13[%dma_start3A_660, %dma_start3A_661, %dma_start3A_662] : memref<8x8x129xf32, #tpu.memory_space<vmem>> -> memref<8x8x128xf32, #tpu.memory_space<vmem>>
      %dma_start3A_664 = arith.constant 0 : i32
      %dma_start3A_665 = arith.constant 0 : i32
      %dma_start3A_666 = arith.constant 0 : i32
      %dma_start3A_667 = tpu.memref_slice %arg5[%add3A_626, %dma_start3A_664, %add3A, %dma_start3A_665, %dma_start3A_666] : memref<200x8x32x8x128xf32, #tpu.memory_space<hbm>> -> memref<1x8x1x8x128xf32, #tpu.memory_space<hbm>>
      %dma_start3A_668 = tpu.memref_squeeze %dma_start3A_667 : memref<1x8x1x8x128xf32, #tpu.memory_space<hbm>> -> memref<8x8x128xf32, #tpu.memory_space<hbm>>
      %dma_start3A_669 = arith.constant 0 : i32
      %dma_start3A_670 = arith.constant 0 : i32
      %dma_start3A_671 = arith.constant 0 : i32
      %dma_start3A_672 = tpu.memref_slice %arg5[%add3A_626, %dma_start3A_669, %add3A, %dma_start3A_670, %dma_start3A_671] : memref<200x8x32x8x128xf32, #tpu.memory_space<hbm>> -> memref<1x8x1x8x128xf32, #tpu.memory_space<hbm>>
      %dma_start3A_673 = tpu.memref_squeeze %dma_start3A_672 : memref<1x8x1x8x128xf32, #tpu.memory_space<hbm>> -> memref<8x8x128xf32, #tpu.memory_space<hbm>>
      %dma_start3A_674 = arith.constant 0 : i32
      %dma_start3A_675 = arith.constant 0 : i32
      %dma_start3A_676 = arith.constant 0 : i32
      %dma_start3A_677 = tpu.memref_slice %arg13[%dma_start3A_674, %dma_start3A_675, %dma_start3A_676] : memref<8x8x129xf32, #tpu.memory_space<vmem>> -> memref<8x8x128xf32, #tpu.memory_space<vmem>>
      tpu.enqueue_dma source(%dma_start3A_677 : memref<8x8x128xf32, #tpu.memory_space<vmem>>) target(%dma_start3A_673 : memref<8x8x128xf32, #tpu.memory_space<hbm>>) target_semaphore(%arg23 : memref<!tpu.dma_semaphore, #tpu.memory_space<semaphore_mem>>)
      %add3A_678 = arith.constant 3 : i32
      %add3A_679 = arith.addi %mul3A_521, %add3A_678 : i32
      %dma_wait3A_680 = arith.constant 0 : i32
      %dma_wait3A_681 = arith.constant 0 : i32
      %dma_wait3A_682 = tpu.memref_slice %arg3[%dma_wait3A_680, %dma_wait3A_681] : memref<100000x64xf32, #tpu.memory_space<hbm>> -> memref<128x64xf32, #tpu.memory_space<hbm>>
      %dma_wait3A_683 = arith.constant 0 : i32
      %dma_wait3A_684 = arith.constant 0 : i32
      %dma_wait3A_685 = tpu.memref_slice %arg3[%dma_wait3A_683, %dma_wait3A_684] : memref<100000x64xf32, #tpu.memory_space<hbm>> -> memref<128x64xf32, #tpu.memory_space<hbm>>
      tpu.wait_dma2 semaphore(%arg20 : memref<!tpu.dma_semaphore, #tpu.memory_space<semaphore_mem>>) src(%dma_wait3A_685 : memref<128x64xf32, #tpu.memory_space<hbm>>) dst(%arg10 : memref<128x64xf32, #tpu.memory_space<vmem>>)
      %ge3A_686 = arith.constant 2 : i32
      %ge3A_687 = arith.cmpi sge, %add3A_679, %ge3A_686 : i32
      %convert_element_type3A_688 = arith.extui %ge3A_687 : i1 to i32
      %cond3A_689 = arith.constant 0 : i32
      %cond3A_690 = arith.cmpi ne, %convert_element_type3A_688, %cond3A_689 : i32
      scf.if %cond3A_690 {
        %dma_wait3A_837 = arith.constant 0 : i32
        %dma_wait3A_838 = arith.constant 0 : i32
        %dma_wait3A_839 = arith.constant 0 : i32
        %dma_wait3A_840 = arith.constant 0 : i32
        %dma_wait3A_841 = arith.constant 0 : i32
        %dma_wait3A_842 = tpu.memref_slice %arg14[%dma_wait3A_839, %dma_wait3A_840, %dma_wait3A_841] : memref<8x8x129xf32, #tpu.memory_space<vmem>> -> memref<8x8x128xf32, #tpu.memory_space<vmem>>
        %dma_wait3A_843 = arith.constant 0 : i32
        %dma_wait3A_844 = arith.constant 0 : i32
        %dma_wait3A_845 = arith.constant 0 : i32
        %dma_wait3A_846 = tpu.memref_slice %arg5[%dma_wait3A_837, %dma_wait3A_843, %dma_wait3A_838, %dma_wait3A_844, %dma_wait3A_845] : memref<200x8x32x8x128xf32, #tpu.memory_space<hbm>> -> memref<1x8x1x8x128xf32, #tpu.memory_space<hbm>>
        %dma_wait3A_847 = tpu.memref_squeeze %dma_wait3A_846 : memref<1x8x1x8x128xf32, #tpu.memory_space<hbm>> -> memref<8x8x128xf32, #tpu.memory_space<hbm>>
        %dma_wait3A_848 = arith.constant 0 : i32
        %dma_wait3A_849 = arith.constant 0 : i32
        %dma_wait3A_850 = arith.constant 0 : i32
        %dma_wait3A_851 = tpu.memref_slice %arg5[%dma_wait3A_837, %dma_wait3A_848, %dma_wait3A_838, %dma_wait3A_849, %dma_wait3A_850] : memref<200x8x32x8x128xf32, #tpu.memory_space<hbm>> -> memref<1x8x1x8x128xf32, #tpu.memory_space<hbm>>
        %dma_wait3A_852 = tpu.memref_squeeze %dma_wait3A_851 : memref<1x8x1x8x128xf32, #tpu.memory_space<hbm>> -> memref<8x8x128xf32, #tpu.memory_space<hbm>>
        %dma_wait3A_853 = arith.constant 0 : i32
        %dma_wait3A_854 = arith.constant 0 : i32
        %dma_wait3A_855 = arith.constant 0 : i32
        %dma_wait3A_856 = tpu.memref_slice %arg14[%dma_wait3A_853, %dma_wait3A_854, %dma_wait3A_855] : memref<8x8x129xf32, #tpu.memory_space<vmem>> -> memref<8x8x128xf32, #tpu.memory_space<vmem>>
        tpu.wait_dma2 semaphore(%arg24 : memref<!tpu.dma_semaphore, #tpu.memory_space<semaphore_mem>>) src(%dma_wait3A_856 : memref<8x8x128xf32, #tpu.memory_space<vmem>>) dst(%dma_wait3A_852 : memref<8x8x128xf32, #tpu.memory_space<hbm>>)
      } else {
      }
      %get3A_691 = arith.index_cast %add3A_679 : i32 to index
      %get3A_692 = arith.constant 0 : index
      %get3A_693 = tpu.vector_load %arg16[%get3A_691, %get3A_692] {strides = array<i32>} : memref<200x64xf32, #tpu.memory_space<vmem>>, vector<16xf32>,
      %get3A_694 = arith.index_cast %add3A_679 : i32 to index
      %get3A_695 = arith.constant 16 : index
      %get3A_696 = tpu.vector_load %arg16[%get3A_694, %get3A_695] {strides = array<i32>} : memref<200x64xf32, #tpu.memory_space<vmem>>, vector<16xf32>,
      %get3A_697 = arith.index_cast %add3A_679 : i32 to index
      %get3A_698 = arith.constant 32 : index
      %get3A_699 = tpu.vector_load %arg16[%get3A_697, %get3A_698] {strides = array<i32>} : memref<200x64xf32, #tpu.memory_space<vmem>>, vector<16xf32>,
      %get3A_700 = arith.index_cast %add3A_679 : i32 to index
      %get3A_701 = arith.constant 48 : index
      %get3A_702 = tpu.vector_load %arg16[%get3A_700, %get3A_701] {strides = array<i32>} : memref<200x64xf32, #tpu.memory_space<vmem>>, vector<16xf32>,
      %parallel_loop3A_703 = arith.constant 0 : i32
      %parallel_loop3A_704 = arith.constant 128 : i32
      %parallel_loop3A_705 = arith.constant 1 : i32
      scf.for %parallel_loop3A_837 = %parallel_loop3A_703 to %parallel_loop3A_704 step %parallel_loop3A_705  : i32 {
        %parallel_loop3A_838 = vector.broadcast %parallel_loop3A_837 : i32 to vector<16xi32>
        %parallel_loop3A_839 = arith.index_cast %parallel_loop3A_837 : i32 to index
        %parallel_loop3A_840 = arith.constant 0 : index
        %parallel_loop3A_841 = tpu.vector_load %arg10[%parallel_loop3A_839, %parallel_loop3A_840] {strides = array<i32>} : memref<128x64xf32, #tpu.memory_space<vmem>>, vector<16xf32>,
        %parallel_loop3A_842 = arith.addf %parallel_loop3A_841, %get3A_693 : vector<16xf32>
        tpu.vector_store_idx %arg14[%select_n3A, %select_n3A_148, %parallel_loop3A_838], %parallel_loop3A_842 : memref<8x8x129xf32, #tpu.memory_space<vmem>>[vector<16xi32>, vector<16xi32>, vector<16xi32>], vector<16xf32>,
        %parallel_loop3A_843 = arith.index_cast %parallel_loop3A_837 : i32 to index
        %parallel_loop3A_844 = arith.constant 16 : index
        %parallel_loop3A_845 = tpu.vector_load %arg10[%parallel_loop3A_843, %parallel_loop3A_844] {strides = array<i32>} : memref<128x64xf32, #tpu.memory_space<vmem>>, vector<16xf32>,
        %parallel_loop3A_846 = arith.addf %parallel_loop3A_845, %get3A_696 : vector<16xf32>
        tpu.vector_store_idx %arg14[%select_n3A_66, %select_n3A_170, %parallel_loop3A_838], %parallel_loop3A_846 : memref<8x8x129xf32, #tpu.memory_space<vmem>>[vector<16xi32>, vector<16xi32>, vector<16xi32>], vector<16xf32>,
        %parallel_loop3A_847 = arith.index_cast %parallel_loop3A_837 : i32 to index
        %parallel_loop3A_848 = arith.constant 32 : index
        %parallel_loop3A_849 = tpu.vector_load %arg10[%parallel_loop3A_847, %parallel_loop3A_848] {strides = array<i32>} : memref<128x64xf32, #tpu.memory_space<vmem>>, vector<16xf32>,
        %parallel_loop3A_850 = arith.addf %parallel_loop3A_849, %get3A_699 : vector<16xf32>
        tpu.vector_store_idx %arg14[%select_n3A_97, %select_n3A_192, %parallel_loop3A_838], %parallel_loop3A_850 : memref<8x8x129xf32, #tpu.memory_space<vmem>>[vector<16xi32>, vector<16xi32>, vector<16xi32>], vector<16xf32>,
        %parallel_loop3A_851 = arith.index_cast %parallel_loop3A_837 : i32 to index
        %parallel_loop3A_852 = arith.constant 48 : index
        %parallel_loop3A_853 = tpu.vector_load %arg10[%parallel_loop3A_851, %parallel_loop3A_852] {strides = array<i32>} : memref<128x64xf32, #tpu.memory_space<vmem>>, vector<16xf32>,
        %parallel_loop3A_854 = arith.addf %parallel_loop3A_853, %get3A_702 : vector<16xf32>
        tpu.vector_store_idx %arg14[%select_n3A_128, %select_n3A_214, %parallel_loop3A_838], %parallel_loop3A_854 : memref<8x8x129xf32, #tpu.memory_space<vmem>>[vector<16xi32>, vector<16xi32>, vector<16xi32>], vector<16xf32>,
      } {sc.loop_unroll_factor = 1 : i64, sc.parallel_access}
      %add3A_706 = arith.constant 6 : i32
      %add3A_707 = arith.addi %add3A_679, %add3A_706 : i32
      %lt3A_708 = arith.constant 200 : i32
      %lt3A_709 = arith.cmpi slt, %add3A_707, %lt3A_708 : i32
      %convert_element_type3A_710 = arith.extui %lt3A_709 : i1 to i32
      %cond3A_711 = arith.constant 0 : i32
      %cond3A_712 = arith.cmpi ne, %convert_element_type3A_710, %cond3A_711 : i32
      scf.if %cond3A_712 {
        %add3A_837 = arith.constant 6 : i32
        %add3A_838 = arith.addi %add3A_679, %add3A_837 : i32
        %jit3A_839 = arith.constant 8 : i32
        %div3A_840 = arith.divsi %add3A_838, %jit3A_839 : i32
        %sign3A_841 = arith.constant 0 : i32
        %sign3A_842 = arith.cmpi sgt, %add3A_838, %sign3A_841 : i32
        %sign3A_843 = arith.extui %sign3A_842 : i1 to i32
        %sign3A_844 = arith.constant 0 : i32
        %sign3A_845 = arith.cmpi slt, %add3A_838, %sign3A_844 : i32
        %sign3A_846 = arith.extui %sign3A_845 : i1 to i32
        %sign3A_847 = arith.subi %sign3A_843, %sign3A_846 : i32
        %sign3A_848 = arith.constant 0 : i32
        %sign3A_849 = arith.cmpi sgt, %jit3A_839, %sign3A_848 : i32
        %sign3A_850 = arith.extui %sign3A_849 : i1 to i32
        %sign3A_851 = arith.constant 0 : i32
        %sign3A_852 = arith.cmpi slt, %jit3A_839, %sign3A_851 : i32
        %sign3A_853 = arith.extui %sign3A_852 : i1 to i32
        %sign3A_854 = arith.subi %sign3A_850, %sign3A_853 : i32
        %ne3A_855 = arith.cmpi ne, %sign3A_847, %sign3A_854 : i32
        %rem3A_856 = arith.remsi %add3A_838, %jit3A_839 : i32
        %ne3A_857 = arith.constant 0 : i32
        %ne3A_858 = arith.cmpi ne, %rem3A_856, %ne3A_857 : i32
        %and3A_859 = arith.andi %ne3A_855, %ne3A_858 : i1
        %sub3A_860 = arith.constant 1 : i32
        %sub3A_861 = arith.subi %div3A_840, %sub3A_860 : i32
        %select_n3A_862 = arith.select %and3A_859, %sub3A_861, %div3A_840 : i32
        %jit3A_863 = arith.constant 8 : i32
        %eq3A_864 = arith.constant 0 : i32
        %eq3A_865 = arith.cmpi eq, %jit3A_863, %eq3A_864 : i32
        %jit3A_866 = arith.constant 1 : i32
        %select_n3A_867 = arith.select %eq3A_865, %jit3A_866, %jit3A_863 : i32
        %rem3A_868 = arith.remsi %add3A_838, %select_n3A_867 : i32
        %ne3A_869 = arith.constant 0 : i32
        %ne3A_870 = arith.cmpi ne, %rem3A_868, %ne3A_869 : i32
        %lt3A_871 = arith.constant 0 : i32
        %lt3A_872 = arith.cmpi slt, %rem3A_868, %lt3A_871 : i32
        %lt3A_873 = arith.constant 0 : i32
        %lt3A_874 = arith.cmpi slt, %select_n3A_867, %lt3A_873 : i32
        %ne3A_875 = arith.xori %lt3A_872, %lt3A_874 : i1
        %and3A_876 = arith.andi %ne3A_875, %ne3A_870 : i1
        %add3A_877 = arith.addi %rem3A_868, %select_n3A_867 : i32
        %select_n3A_878 = arith.select %and3A_876, %add3A_877, %rem3A_868 : i32
        %dma_start3A_879 = arith.constant 0 : i32
        %dma_start3A_880 = arith.constant 0 : i32
        %dma_start3A_881 = tpu.memref_slice %arg10[%dma_start3A_879, %dma_start3A_880] : memref<128x64xf32, #tpu.memory_space<vmem>> -> memref<64x64xf32, #tpu.memory_space<vmem>>
        %dma_start3A_882 = arith.constant 0 : i32
        %dma_start3A_883 = tpu.memref_slice %arg6[%select_n3A_862, %select_n3A_878, %dma_start3A_882] : memref<25x8x128xi32, #tpu.memory_space<vmem>> -> memref<1x1x64xi32, #tpu.memory_space<vmem>>
        %dma_start3A_884 = tpu.memref_squeeze %dma_start3A_883 : memref<1x1x64xi32, #tpu.memory_space<vmem>> -> memref<64xi32, #tpu.memory_space<vmem>>
        %dma_start3A_885 = arith.constant 0 : i32
        %dma_start3A_886 = arith.constant 0 : i32
        %dma_start3A_887 = tpu.memref_slice %arg3[%dma_start3A_885, %dma_start3A_886] : memref<100000x64xf32, #tpu.memory_space<hbm>> -> memref<100000x64xf32, #tpu.memory_space<hbm>>
        tpu.enqueue_indirect_dma source(%dma_start3A_887 : memref<100000x64xf32, #tpu.memory_space<hbm>>) target(%dma_start3A_881 : memref<64x64xf32, #tpu.memory_space<vmem>>) offsets(%dma_start3A_884 : memref<64xi32, #tpu.memory_space<vmem>>) semaphore(%arg20 : memref<!tpu.dma_semaphore, #tpu.memory_space<semaphore_mem>>)
        %dma_start3A_888 = arith.constant 64 : i32
        %dma_start3A_889 = arith.constant 0 : i32
        %dma_start3A_890 = tpu.memref_slice %arg10[%dma_start3A_888, %dma_start3A_889] : memref<128x64xf32, #tpu.memory_space<vmem>> -> memref<64x64xf32, #tpu.memory_space<vmem>>
        %dma_start3A_891 = arith.constant 64 : i32
        %dma_start3A_892 = tpu.memref_slice %arg6[%select_n3A_862, %select_n3A_878, %dma_start3A_891] : memref<25x8x128xi32, #tpu.memory_space<vmem>> -> memref<1x1x64xi32, #tpu.memory_space<vmem>>
        %dma_start3A_893 = tpu.memref_squeeze %dma_start3A_892 : memref<1x1x64xi32, #tpu.memory_space<vmem>> -> memref<64xi32, #tpu.memory_space<vmem>>
        %dma_start3A_894 = arith.constant 0 : i32
        %dma_start3A_895 = arith.constant 0 : i32
        %dma_start3A_896 = tpu.memref_slice %arg3[%dma_start3A_894, %dma_start3A_895] : memref<100000x64xf32, #tpu.memory_space<hbm>> -> memref<100000x64xf32, #tpu.memory_space<hbm>>
        tpu.enqueue_indirect_dma source(%dma_start3A_896 : memref<100000x64xf32, #tpu.memory_space<hbm>>) target(%dma_start3A_890 : memref<64x64xf32, #tpu.memory_space<vmem>>) offsets(%dma_start3A_893 : memref<64xi32, #tpu.memory_space<vmem>>) semaphore(%arg20 : memref<!tpu.dma_semaphore, #tpu.memory_space<semaphore_mem>>)
      } else {
      }
      %dma_start3A_713 = arith.constant 0 : i32
      %dma_start3A_714 = arith.constant 0 : i32
      %dma_start3A_715 = arith.constant 0 : i32
      %dma_start3A_716 = tpu.memref_slice %arg14[%dma_start3A_713, %dma_start3A_714, %dma_start3A_715] : memref<8x8x129xf32, #tpu.memory_space<vmem>> -> memref<8x8x128xf32, #tpu.memory_space<vmem>>
      %dma_start3A_717 = arith.constant 0 : i32
      %dma_start3A_718 = arith.constant 0 : i32
      %dma_start3A_719 = arith.constant 0 : i32
      %dma_start3A_720 = tpu.memref_slice %arg5[%add3A_679, %dma_start3A_717, %add3A, %dma_start3A_718, %dma_start3A_719] : memref<200x8x32x8x128xf32, #tpu.memory_space<hbm>> -> memref<1x8x1x8x128xf32, #tpu.memory_space<hbm>>
      %dma_start3A_721 = tpu.memref_squeeze %dma_start3A_720 : memref<1x8x1x8x128xf32, #tpu.memory_space<hbm>> -> memref<8x8x128xf32, #tpu.memory_space<hbm>>
      %dma_start3A_722 = arith.constant 0 : i32
      %dma_start3A_723 = arith.constant 0 : i32
      %dma_start3A_724 = arith.constant 0 : i32
      %dma_start3A_725 = tpu.memref_slice %arg5[%add3A_679, %dma_start3A_722, %add3A, %dma_start3A_723, %dma_start3A_724] : memref<200x8x32x8x128xf32, #tpu.memory_space<hbm>> -> memref<1x8x1x8x128xf32, #tpu.memory_space<hbm>>
      %dma_start3A_726 = tpu.memref_squeeze %dma_start3A_725 : memref<1x8x1x8x128xf32, #tpu.memory_space<hbm>> -> memref<8x8x128xf32, #tpu.memory_space<hbm>>
      %dma_start3A_727 = arith.constant 0 : i32
      %dma_start3A_728 = arith.constant 0 : i32
      %dma_start3A_729 = arith.constant 0 : i32
      %dma_start3A_730 = tpu.memref_slice %arg14[%dma_start3A_727, %dma_start3A_728, %dma_start3A_729] : memref<8x8x129xf32, #tpu.memory_space<vmem>> -> memref<8x8x128xf32, #tpu.memory_space<vmem>>
      tpu.enqueue_dma source(%dma_start3A_730 : memref<8x8x128xf32, #tpu.memory_space<vmem>>) target(%dma_start3A_726 : memref<8x8x128xf32, #tpu.memory_space<hbm>>) target_semaphore(%arg24 : memref<!tpu.dma_semaphore, #tpu.memory_space<semaphore_mem>>)
      %add3A_731 = arith.constant 4 : i32
      %add3A_732 = arith.addi %mul3A_521, %add3A_731 : i32
      %dma_wait3A_733 = arith.constant 0 : i32
      %dma_wait3A_734 = arith.constant 0 : i32
      %dma_wait3A_735 = tpu.memref_slice %arg3[%dma_wait3A_733, %dma_wait3A_734] : memref<100000x64xf32, #tpu.memory_space<hbm>> -> memref<128x64xf32, #tpu.memory_space<hbm>>
      %dma_wait3A_736 = arith.constant 0 : i32
      %dma_wait3A_737 = arith.constant 0 : i32
      %dma_wait3A_738 = tpu.memref_slice %arg3[%dma_wait3A_736, %dma_wait3A_737] : memref<100000x64xf32, #tpu.memory_space<hbm>> -> memref<128x64xf32, #tpu.memory_space<hbm>>
      tpu.wait_dma2 semaphore(%arg21 : memref<!tpu.dma_semaphore, #tpu.memory_space<semaphore_mem>>) src(%dma_wait3A_738 : memref<128x64xf32, #tpu.memory_space<hbm>>) dst(%arg11 : memref<128x64xf32, #tpu.memory_space<vmem>>)
      %ge3A_739 = arith.constant 2 : i32
      %ge3A_740 = arith.cmpi sge, %add3A_732, %ge3A_739 : i32
      %convert_element_type3A_741 = arith.extui %ge3A_740 : i1 to i32
      %cond3A_742 = arith.constant 0 : i32
      %cond3A_743 = arith.cmpi ne, %convert_element_type3A_741, %cond3A_742 : i32
      scf.if %cond3A_743 {
        %dma_wait3A_837 = arith.constant 0 : i32
        %dma_wait3A_838 = arith.constant 0 : i32
        %dma_wait3A_839 = arith.constant 0 : i32
        %dma_wait3A_840 = arith.constant 0 : i32
        %dma_wait3A_841 = arith.constant 0 : i32
        %dma_wait3A_842 = tpu.memref_slice %arg13[%dma_wait3A_839, %dma_wait3A_840, %dma_wait3A_841] : memref<8x8x129xf32, #tpu.memory_space<vmem>> -> memref<8x8x128xf32, #tpu.memory_space<vmem>>
        %dma_wait3A_843 = arith.constant 0 : i32
        %dma_wait3A_844 = arith.constant 0 : i32
        %dma_wait3A_845 = arith.constant 0 : i32
        %dma_wait3A_846 = tpu.memref_slice %arg5[%dma_wait3A_837, %dma_wait3A_843, %dma_wait3A_838, %dma_wait3A_844, %dma_wait3A_845] : memref<200x8x32x8x128xf32, #tpu.memory_space<hbm>> -> memref<1x8x1x8x128xf32, #tpu.memory_space<hbm>>
        %dma_wait3A_847 = tpu.memref_squeeze %dma_wait3A_846 : memref<1x8x1x8x128xf32, #tpu.memory_space<hbm>> -> memref<8x8x128xf32, #tpu.memory_space<hbm>>
        %dma_wait3A_848 = arith.constant 0 : i32
        %dma_wait3A_849 = arith.constant 0 : i32
        %dma_wait3A_850 = arith.constant 0 : i32
        %dma_wait3A_851 = tpu.memref_slice %arg5[%dma_wait3A_837, %dma_wait3A_848, %dma_wait3A_838, %dma_wait3A_849, %dma_wait3A_850] : memref<200x8x32x8x128xf32, #tpu.memory_space<hbm>> -> memref<1x8x1x8x128xf32, #tpu.memory_space<hbm>>
        %dma_wait3A_852 = tpu.memref_squeeze %dma_wait3A_851 : memref<1x8x1x8x128xf32, #tpu.memory_space<hbm>> -> memref<8x8x128xf32, #tpu.memory_space<hbm>>
        %dma_wait3A_853 = arith.constant 0 : i32
        %dma_wait3A_854 = arith.constant 0 : i32
        %dma_wait3A_855 = arith.constant 0 : i32
        %dma_wait3A_856 = tpu.memref_slice %arg13[%dma_wait3A_853, %dma_wait3A_854, %dma_wait3A_855] : memref<8x8x129xf32, #tpu.memory_space<vmem>> -> memref<8x8x128xf32, #tpu.memory_space<vmem>>
        tpu.wait_dma2 semaphore(%arg23 : memref<!tpu.dma_semaphore, #tpu.memory_space<semaphore_mem>>) src(%dma_wait3A_856 : memref<8x8x128xf32, #tpu.memory_space<vmem>>) dst(%dma_wait3A_852 : memref<8x8x128xf32, #tpu.memory_space<hbm>>)
      } else {
      }
      %get3A_744 = arith.index_cast %add3A_732 : i32 to index
      %get3A_745 = arith.constant 0 : index
      %get3A_746 = tpu.vector_load %arg16[%get3A_744, %get3A_745] {strides = array<i32>} : memref<200x64xf32, #tpu.memory_space<vmem>>, vector<16xf32>,
      %get3A_747 = arith.index_cast %add3A_732 : i32 to index
      %get3A_748 = arith.constant 16 : index
      %get3A_749 = tpu.vector_load %arg16[%get3A_747, %get3A_748] {strides = array<i32>} : memref<200x64xf32, #tpu.memory_space<vmem>>, vector<16xf32>,
      %get3A_750 = arith.index_cast %add3A_732 : i32 to index
      %get3A_751 = arith.constant 32 : index
      %get3A_752 = tpu.vector_load %arg16[%get3A_750, %get3A_751] {strides = array<i32>} : memref<200x64xf32, #tpu.memory_space<vmem>>, vector<16xf32>,
      %get3A_753 = arith.index_cast %add3A_732 : i32 to index
      %get3A_754 = arith.constant 48 : index
      %get3A_755 = tpu.vector_load %arg16[%get3A_753, %get3A_754] {strides = array<i32>} : memref<200x64xf32, #tpu.memory_space<vmem>>, vector<16xf32>,
      %parallel_loop3A_756 = arith.constant 0 : i32
      %parallel_loop3A_757 = arith.constant 128 : i32
      %parallel_loop3A_758 = arith.constant 1 : i32
      scf.for %parallel_loop3A_837 = %parallel_loop3A_756 to %parallel_loop3A_757 step %parallel_loop3A_758  : i32 {
        %parallel_loop3A_838 = vector.broadcast %parallel_loop3A_837 : i32 to vector<16xi32>
        %parallel_loop3A_839 = arith.index_cast %parallel_loop3A_837 : i32 to index
        %parallel_loop3A_840 = arith.constant 0 : index
        %parallel_loop3A_841 = tpu.vector_load %arg11[%parallel_loop3A_839, %parallel_loop3A_840] {strides = array<i32>} : memref<128x64xf32, #tpu.memory_space<vmem>>, vector<16xf32>,
        %parallel_loop3A_842 = arith.addf %parallel_loop3A_841, %get3A_746 : vector<16xf32>
        tpu.vector_store_idx %arg13[%select_n3A, %select_n3A_148, %parallel_loop3A_838], %parallel_loop3A_842 : memref<8x8x129xf32, #tpu.memory_space<vmem>>[vector<16xi32>, vector<16xi32>, vector<16xi32>], vector<16xf32>,
        %parallel_loop3A_843 = arith.index_cast %parallel_loop3A_837 : i32 to index
        %parallel_loop3A_844 = arith.constant 16 : index
        %parallel_loop3A_845 = tpu.vector_load %arg11[%parallel_loop3A_843, %parallel_loop3A_844] {strides = array<i32>} : memref<128x64xf32, #tpu.memory_space<vmem>>, vector<16xf32>,
        %parallel_loop3A_846 = arith.addf %parallel_loop3A_845, %get3A_749 : vector<16xf32>
        tpu.vector_store_idx %arg13[%select_n3A_66, %select_n3A_170, %parallel_loop3A_838], %parallel_loop3A_846 : memref<8x8x129xf32, #tpu.memory_space<vmem>>[vector<16xi32>, vector<16xi32>, vector<16xi32>], vector<16xf32>,
        %parallel_loop3A_847 = arith.index_cast %parallel_loop3A_837 : i32 to index
        %parallel_loop3A_848 = arith.constant 32 : index
        %parallel_loop3A_849 = tpu.vector_load %arg11[%parallel_loop3A_847, %parallel_loop3A_848] {strides = array<i32>} : memref<128x64xf32, #tpu.memory_space<vmem>>, vector<16xf32>,
        %parallel_loop3A_850 = arith.addf %parallel_loop3A_849, %get3A_752 : vector<16xf32>
        tpu.vector_store_idx %arg13[%select_n3A_97, %select_n3A_192, %parallel_loop3A_838], %parallel_loop3A_850 : memref<8x8x129xf32, #tpu.memory_space<vmem>>[vector<16xi32>, vector<16xi32>, vector<16xi32>], vector<16xf32>,
        %parallel_loop3A_851 = arith.index_cast %parallel_loop3A_837 : i32 to index
        %parallel_loop3A_852 = arith.constant 48 : index
        %parallel_loop3A_853 = tpu.vector_load %arg11[%parallel_loop3A_851, %parallel_loop3A_852] {strides = array<i32>} : memref<128x64xf32, #tpu.memory_space<vmem>>, vector<16xf32>,
        %parallel_loop3A_854 = arith.addf %parallel_loop3A_853, %get3A_755 : vector<16xf32>
        tpu.vector_store_idx %arg13[%select_n3A_128, %select_n3A_214, %parallel_loop3A_838], %parallel_loop3A_854 : memref<8x8x129xf32, #tpu.memory_space<vmem>>[vector<16xi32>, vector<16xi32>, vector<16xi32>], vector<16xf32>,
      } {sc.loop_unroll_factor = 1 : i64, sc.parallel_access}
      %add3A_759 = arith.constant 6 : i32
      %add3A_760 = arith.addi %add3A_732, %add3A_759 : i32
      %lt3A_761 = arith.constant 200 : i32
      %lt3A_762 = arith.cmpi slt, %add3A_760, %lt3A_761 : i32
      %convert_element_type3A_763 = arith.extui %lt3A_762 : i1 to i32
      %cond3A_764 = arith.constant 0 : i32
      %cond3A_765 = arith.cmpi ne, %convert_element_type3A_763, %cond3A_764 : i32
      scf.if %cond3A_765 {
        %add3A_837 = arith.constant 6 : i32
        %add3A_838 = arith.addi %add3A_732, %add3A_837 : i32
        %jit3A_839 = arith.constant 8 : i32
        %div3A_840 = arith.divsi %add3A_838, %jit3A_839 : i32
        %sign3A_841 = arith.constant 0 : i32
        %sign3A_842 = arith.cmpi sgt, %add3A_838, %sign3A_841 : i32
        %sign3A_843 = arith.extui %sign3A_842 : i1 to i32
        %sign3A_844 = arith.constant 0 : i32
        %sign3A_845 = arith.cmpi slt, %add3A_838, %sign3A_844 : i32
        %sign3A_846 = arith.extui %sign3A_845 : i1 to i32
        %sign3A_847 = arith.subi %sign3A_843, %sign3A_846 : i32
        %sign3A_848 = arith.constant 0 : i32
        %sign3A_849 = arith.cmpi sgt, %jit3A_839, %sign3A_848 : i32
        %sign3A_850 = arith.extui %sign3A_849 : i1 to i32
        %sign3A_851 = arith.constant 0 : i32
        %sign3A_852 = arith.cmpi slt, %jit3A_839, %sign3A_851 : i32
        %sign3A_853 = arith.extui %sign3A_852 : i1 to i32
        %sign3A_854 = arith.subi %sign3A_850, %sign3A_853 : i32
        %ne3A_855 = arith.cmpi ne, %sign3A_847, %sign3A_854 : i32
        %rem3A_856 = arith.remsi %add3A_838, %jit3A_839 : i32
        %ne3A_857 = arith.constant 0 : i32
        %ne3A_858 = arith.cmpi ne, %rem3A_856, %ne3A_857 : i32
        %and3A_859 = arith.andi %ne3A_855, %ne3A_858 : i1
        %sub3A_860 = arith.constant 1 : i32
        %sub3A_861 = arith.subi %div3A_840, %sub3A_860 : i32
        %select_n3A_862 = arith.select %and3A_859, %sub3A_861, %div3A_840 : i32
        %jit3A_863 = arith.constant 8 : i32
        %eq3A_864 = arith.constant 0 : i32
        %eq3A_865 = arith.cmpi eq, %jit3A_863, %eq3A_864 : i32
        %jit3A_866 = arith.constant 1 : i32
        %select_n3A_867 = arith.select %eq3A_865, %jit3A_866, %jit3A_863 : i32
        %rem3A_868 = arith.remsi %add3A_838, %select_n3A_867 : i32
        %ne3A_869 = arith.constant 0 : i32
        %ne3A_870 = arith.cmpi ne, %rem3A_868, %ne3A_869 : i32
        %lt3A_871 = arith.constant 0 : i32
        %lt3A_872 = arith.cmpi slt, %rem3A_868, %lt3A_871 : i32
        %lt3A_873 = arith.constant 0 : i32
        %lt3A_874 = arith.cmpi slt, %select_n3A_867, %lt3A_873 : i32
        %ne3A_875 = arith.xori %lt3A_872, %lt3A_874 : i1
        %and3A_876 = arith.andi %ne3A_875, %ne3A_870 : i1
        %add3A_877 = arith.addi %rem3A_868, %select_n3A_867 : i32
        %select_n3A_878 = arith.select %and3A_876, %add3A_877, %rem3A_868 : i32
        %dma_start3A_879 = arith.constant 0 : i32
        %dma_start3A_880 = arith.constant 0 : i32
        %dma_start3A_881 = tpu.memref_slice %arg11[%dma_start3A_879, %dma_start3A_880] : memref<128x64xf32, #tpu.memory_space<vmem>> -> memref<64x64xf32, #tpu.memory_space<vmem>>
        %dma_start3A_882 = arith.constant 0 : i32
        %dma_start3A_883 = tpu.memref_slice %arg6[%select_n3A_862, %select_n3A_878, %dma_start3A_882] : memref<25x8x128xi32, #tpu.memory_space<vmem>> -> memref<1x1x64xi32, #tpu.memory_space<vmem>>
        %dma_start3A_884 = tpu.memref_squeeze %dma_start3A_883 : memref<1x1x64xi32, #tpu.memory_space<vmem>> -> memref<64xi32, #tpu.memory_space<vmem>>
        %dma_start3A_885 = arith.constant 0 : i32
        %dma_start3A_886 = arith.constant 0 : i32
        %dma_start3A_887 = tpu.memref_slice %arg3[%dma_start3A_885, %dma_start3A_886] : memref<100000x64xf32, #tpu.memory_space<hbm>> -> memref<100000x64xf32, #tpu.memory_space<hbm>>
        tpu.enqueue_indirect_dma source(%dma_start3A_887 : memref<100000x64xf32, #tpu.memory_space<hbm>>) target(%dma_start3A_881 : memref<64x64xf32, #tpu.memory_space<vmem>>) offsets(%dma_start3A_884 : memref<64xi32, #tpu.memory_space<vmem>>) semaphore(%arg21 : memref<!tpu.dma_semaphore, #tpu.memory_space<semaphore_mem>>)
        %dma_start3A_888 = arith.constant 64 : i32
        %dma_start3A_889 = arith.constant 0 : i32
        %dma_start3A_890 = tpu.memref_slice %arg11[%dma_start3A_888, %dma_start3A_889] : memref<128x64xf32, #tpu.memory_space<vmem>> -> memref<64x64xf32, #tpu.memory_space<vmem>>
        %dma_start3A_891 = arith.constant 64 : i32
        %dma_start3A_892 = tpu.memref_slice %arg6[%select_n3A_862, %select_n3A_878, %dma_start3A_891] : memref<25x8x128xi32, #tpu.memory_space<vmem>> -> memref<1x1x64xi32, #tpu.memory_space<vmem>>
        %dma_start3A_893 = tpu.memref_squeeze %dma_start3A_892 : memref<1x1x64xi32, #tpu.memory_space<vmem>> -> memref<64xi32, #tpu.memory_space<vmem>>
        %dma_start3A_894 = arith.constant 0 : i32
        %dma_start3A_895 = arith.constant 0 : i32
        %dma_start3A_896 = tpu.memref_slice %arg3[%dma_start3A_894, %dma_start3A_895] : memref<100000x64xf32, #tpu.memory_space<hbm>> -> memref<100000x64xf32, #tpu.memory_space<hbm>>
        tpu.enqueue_indirect_dma source(%dma_start3A_896 : memref<100000x64xf32, #tpu.memory_space<hbm>>) target(%dma_start3A_890 : memref<64x64xf32, #tpu.memory_space<vmem>>) offsets(%dma_start3A_893 : memref<64xi32, #tpu.memory_space<vmem>>) semaphore(%arg21 : memref<!tpu.dma_semaphore, #tpu.memory_space<semaphore_mem>>)
      } else {
      }
      %dma_start3A_766 = arith.constant 0 : i32
      %dma_start3A_767 = arith.constant 0 : i32
      %dma_start3A_768 = arith.constant 0 : i32
      %dma_start3A_769 = tpu.memref_slice %arg13[%dma_start3A_766, %dma_start3A_767, %dma_start3A_768] : memref<8x8x129xf32, #tpu.memory_space<vmem>> -> memref<8x8x128xf32, #tpu.memory_space<vmem>>
      %dma_start3A_770 = arith.constant 0 : i32
      %dma_start3A_771 = arith.constant 0 : i32
      %dma_start3A_772 = arith.constant 0 : i32
      %dma_start3A_773 = tpu.memref_slice %arg5[%add3A_732, %dma_start3A_770, %add3A, %dma_start3A_771, %dma_start3A_772] : memref<200x8x32x8x128xf32, #tpu.memory_space<hbm>> -> memref<1x8x1x8x128xf32, #tpu.memory_space<hbm>>
      %dma_start3A_774 = tpu.memref_squeeze %dma_start3A_773 : memref<1x8x1x8x128xf32, #tpu.memory_space<hbm>> -> memref<8x8x128xf32, #tpu.memory_space<hbm>>
      %dma_start3A_775 = arith.constant 0 : i32
      %dma_start3A_776 = arith.constant 0 : i32
      %dma_start3A_777 = arith.constant 0 : i32
      %dma_start3A_778 = tpu.memref_slice %arg5[%add3A_732, %dma_start3A_775, %add3A, %dma_start3A_776, %dma_start3A_777] : memref<200x8x32x8x128xf32, #tpu.memory_space<hbm>> -> memref<1x8x1x8x128xf32, #tpu.memory_space<hbm>>
      %dma_start3A_779 = tpu.memref_squeeze %dma_start3A_778 : memref<1x8x1x8x128xf32, #tpu.memory_space<hbm>> -> memref<8x8x128xf32, #tpu.memory_space<hbm>>
      %dma_start3A_780 = arith.constant 0 : i32
      %dma_start3A_781 = arith.constant 0 : i32
      %dma_start3A_782 = arith.constant 0 : i32
      %dma_start3A_783 = tpu.memref_slice %arg13[%dma_start3A_780, %dma_start3A_781, %dma_start3A_782] : memref<8x8x129xf32, #tpu.memory_space<vmem>> -> memref<8x8x128xf32, #tpu.memory_space<vmem>>
      tpu.enqueue_dma source(%dma_start3A_783 : memref<8x8x128xf32, #tpu.memory_space<vmem>>) target(%dma_start3A_779 : memref<8x8x128xf32, #tpu.memory_space<hbm>>) target_semaphore(%arg23 : memref<!tpu.dma_semaphore, #tpu.memory_space<semaphore_mem>>)
      %add3A_784 = arith.constant 5 : i32
      %add3A_785 = arith.addi %mul3A_521, %add3A_784 : i32
      %dma_wait3A_786 = arith.constant 0 : i32
      %dma_wait3A_787 = arith.constant 0 : i32
      %dma_wait3A_788 = tpu.memref_slice %arg3[%dma_wait3A_786, %dma_wait3A_787] : memref<100000x64xf32, #tpu.memory_space<hbm>> -> memref<128x64xf32, #tpu.memory_space<hbm>>
      %dma_wait3A_789 = arith.constant 0 : i32
      %dma_wait3A_790 = arith.constant 0 : i32
      %dma_wait3A_791 = tpu.memref_slice %arg3[%dma_wait3A_789, %dma_wait3A_790] : memref<100000x64xf32, #tpu.memory_space<hbm>> -> memref<128x64xf32, #tpu.memory_space<hbm>>
      tpu.wait_dma2 semaphore(%arg22 : memref<!tpu.dma_semaphore, #tpu.memory_space<semaphore_mem>>) src(%dma_wait3A_791 : memref<128x64xf32, #tpu.memory_space<hbm>>) dst(%arg12 : memref<128x64xf32, #tpu.memory_space<vmem>>)
      %ge3A_792 = arith.constant 2 : i32
      %ge3A_793 = arith.cmpi sge, %add3A_785, %ge3A_792 : i32
      %convert_element_type3A_794 = arith.extui %ge3A_793 : i1 to i32
      %cond3A_795 = arith.constant 0 : i32
      %cond3A_796 = arith.cmpi ne, %convert_element_type3A_794, %cond3A_795 : i32
      scf.if %cond3A_796 {
        %dma_wait3A_837 = arith.constant 0 : i32
        %dma_wait3A_838 = arith.constant 0 : i32
        %dma_wait3A_839 = arith.constant 0 : i32
        %dma_wait3A_840 = arith.constant 0 : i32
        %dma_wait3A_841 = arith.constant 0 : i32
        %dma_wait3A_842 = tpu.memref_slice %arg14[%dma_wait3A_839, %dma_wait3A_840, %dma_wait3A_841] : memref<8x8x129xf32, #tpu.memory_space<vmem>> -> memref<8x8x128xf32, #tpu.memory_space<vmem>>
        %dma_wait3A_843 = arith.constant 0 : i32
        %dma_wait3A_844 = arith.constant 0 : i32
        %dma_wait3A_845 = arith.constant 0 : i32
        %dma_wait3A_846 = tpu.memref_slice %arg5[%dma_wait3A_837, %dma_wait3A_843, %dma_wait3A_838, %dma_wait3A_844, %dma_wait3A_845] : memref<200x8x32x8x128xf32, #tpu.memory_space<hbm>> -> memref<1x8x1x8x128xf32, #tpu.memory_space<hbm>>
        %dma_wait3A_847 = tpu.memref_squeeze %dma_wait3A_846 : memref<1x8x1x8x128xf32, #tpu.memory_space<hbm>> -> memref<8x8x128xf32, #tpu.memory_space<hbm>>
        %dma_wait3A_848 = arith.constant 0 : i32
        %dma_wait3A_849 = arith.constant 0 : i32
        %dma_wait3A_850 = arith.constant 0 : i32
        %dma_wait3A_851 = tpu.memref_slice %arg5[%dma_wait3A_837, %dma_wait3A_848, %dma_wait3A_838, %dma_wait3A_849, %dma_wait3A_850] : memref<200x8x32x8x128xf32, #tpu.memory_space<hbm>> -> memref<1x8x1x8x128xf32, #tpu.memory_space<hbm>>
        %dma_wait3A_852 = tpu.memref_squeeze %dma_wait3A_851 : memref<1x8x1x8x128xf32, #tpu.memory_space<hbm>> -> memref<8x8x128xf32, #tpu.memory_space<hbm>>
        %dma_wait3A_853 = arith.constant 0 : i32
        %dma_wait3A_854 = arith.constant 0 : i32
        %dma_wait3A_855 = arith.constant 0 : i32
        %dma_wait3A_856 = tpu.memref_slice %arg14[%dma_wait3A_853, %dma_wait3A_854, %dma_wait3A_855] : memref<8x8x129xf32, #tpu.memory_space<vmem>> -> memref<8x8x128xf32, #tpu.memory_space<vmem>>
        tpu.wait_dma2 semaphore(%arg24 : memref<!tpu.dma_semaphore, #tpu.memory_space<semaphore_mem>>) src(%dma_wait3A_856 : memref<8x8x128xf32, #tpu.memory_space<vmem>>) dst(%dma_wait3A_852 : memref<8x8x128xf32, #tpu.memory_space<hbm>>)
      } else {
      }
      %get3A_797 = arith.index_cast %add3A_785 : i32 to index
      %get3A_798 = arith.constant 0 : index
      %get3A_799 = tpu.vector_load %arg16[%get3A_797, %get3A_798] {strides = array<i32>} : memref<200x64xf32, #tpu.memory_space<vmem>>, vector<16xf32>,
      %get3A_800 = arith.index_cast %add3A_785 : i32 to index
      %get3A_801 = arith.constant 16 : index
      %get3A_802 = tpu.vector_load %arg16[%get3A_800, %get3A_801] {strides = array<i32>} : memref<200x64xf32, #tpu.memory_space<vmem>>, vector<16xf32>,
      %get3A_803 = arith.index_cast %add3A_785 : i32 to index
      %get3A_804 = arith.constant 32 : index
      %get3A_805 = tpu.vector_load %arg16[%get3A_803, %get3A_804] {strides = array<i32>} : memref<200x64xf32, #tpu.memory_space<vmem>>, vector<16xf32>,
      %get3A_806 = arith.index_cast %add3A_785 : i32 to index
      %get3A_807 = arith.constant 48 : index
      %get3A_808 = tpu.vector_load %arg16[%get3A_806, %get3A_807] {strides = array<i32>} : memref<200x64xf32, #tpu.memory_space<vmem>>, vector<16xf32>,
      %parallel_loop3A_809 = arith.constant 0 : i32
      %parallel_loop3A_810 = arith.constant 128 : i32
      %parallel_loop3A_811 = arith.constant 1 : i32
      scf.for %parallel_loop3A_837 = %parallel_loop3A_809 to %parallel_loop3A_810 step %parallel_loop3A_811  : i32 {
        %parallel_loop3A_838 = vector.broadcast %parallel_loop3A_837 : i32 to vector<16xi32>
        %parallel_loop3A_839 = arith.index_cast %parallel_loop3A_837 : i32 to index
        %parallel_loop3A_840 = arith.constant 0 : index
        %parallel_loop3A_841 = tpu.vector_load %arg12[%parallel_loop3A_839, %parallel_loop3A_840] {strides = array<i32>} : memref<128x64xf32, #tpu.memory_space<vmem>>, vector<16xf32>,
        %parallel_loop3A_842 = arith.addf %parallel_loop3A_841, %get3A_799 : vector<16xf32>
        tpu.vector_store_idx %arg14[%select_n3A, %select_n3A_148, %parallel_loop3A_838], %parallel_loop3A_842 : memref<8x8x129xf32, #tpu.memory_space<vmem>>[vector<16xi32>, vector<16xi32>, vector<16xi32>], vector<16xf32>,
        %parallel_loop3A_843 = arith.index_cast %parallel_loop3A_837 : i32 to index
        %parallel_loop3A_844 = arith.constant 16 : index
        %parallel_loop3A_845 = tpu.vector_load %arg12[%parallel_loop3A_843, %parallel_loop3A_844] {strides = array<i32>} : memref<128x64xf32, #tpu.memory_space<vmem>>, vector<16xf32>,
        %parallel_loop3A_846 = arith.addf %parallel_loop3A_845, %get3A_802 : vector<16xf32>
        tpu.vector_store_idx %arg14[%select_n3A_66, %select_n3A_170, %parallel_loop3A_838], %parallel_loop3A_846 : memref<8x8x129xf32, #tpu.memory_space<vmem>>[vector<16xi32>, vector<16xi32>, vector<16xi32>], vector<16xf32>,
        %parallel_loop3A_847 = arith.index_cast %parallel_loop3A_837 : i32 to index
        %parallel_loop3A_848 = arith.constant 32 : index
        %parallel_loop3A_849 = tpu.vector_load %arg12[%parallel_loop3A_847, %parallel_loop3A_848] {strides = array<i32>} : memref<128x64xf32, #tpu.memory_space<vmem>>, vector<16xf32>,
        %parallel_loop3A_850 = arith.addf %parallel_loop3A_849, %get3A_805 : vector<16xf32>
        tpu.vector_store_idx %arg14[%select_n3A_97, %select_n3A_192, %parallel_loop3A_838], %parallel_loop3A_850 : memref<8x8x129xf32, #tpu.memory_space<vmem>>[vector<16xi32>, vector<16xi32>, vector<16xi32>], vector<16xf32>,
        %parallel_loop3A_851 = arith.index_cast %parallel_loop3A_837 : i32 to index
        %parallel_loop3A_852 = arith.constant 48 : index
        %parallel_loop3A_853 = tpu.vector_load %arg12[%parallel_loop3A_851, %parallel_loop3A_852] {strides = array<i32>} : memref<128x64xf32, #tpu.memory_space<vmem>>, vector<16xf32>,
        %parallel_loop3A_854 = arith.addf %parallel_loop3A_853, %get3A_808 : vector<16xf32>
        tpu.vector_store_idx %arg14[%select_n3A_128, %select_n3A_214, %parallel_loop3A_838], %parallel_loop3A_854 : memref<8x8x129xf32, #tpu.memory_space<vmem>>[vector<16xi32>, vector<16xi32>, vector<16xi32>], vector<16xf32>,
      } {sc.loop_unroll_factor = 1 : i64, sc.parallel_access}
      %add3A_812 = arith.constant 6 : i32
      %add3A_813 = arith.addi %add3A_785, %add3A_812 : i32
      %lt3A_814 = arith.constant 200 : i32
      %lt3A_815 = arith.cmpi slt, %add3A_813, %lt3A_814 : i32
      %convert_element_type3A_816 = arith.extui %lt3A_815 : i1 to i32
      %cond3A_817 = arith.constant 0 : i32
      %cond3A_818 = arith.cmpi ne, %convert_element_type3A_816, %cond3A_817 : i32
      scf.if %cond3A_818 {
        %add3A_837 = arith.constant 6 : i32
        %add3A_838 = arith.addi %add3A_785, %add3A_837 : i32
        %jit3A_839 = arith.constant 8 : i32
        %div3A_840 = arith.divsi %add3A_838, %jit3A_839 : i32
        %sign3A_841 = arith.constant 0 : i32
        %sign3A_842 = arith.cmpi sgt, %add3A_838, %sign3A_841 : i32
        %sign3A_843 = arith.extui %sign3A_842 : i1 to i32
        %sign3A_844 = arith.constant 0 : i32
        %sign3A_845 = arith.cmpi slt, %add3A_838, %sign3A_844 : i32
        %sign3A_846 = arith.extui %sign3A_845 : i1 to i32
        %sign3A_847 = arith.subi %sign3A_843, %sign3A_846 : i32
        %sign3A_848 = arith.constant 0 : i32
        %sign3A_849 = arith.cmpi sgt, %jit3A_839, %sign3A_848 : i32
        %sign3A_850 = arith.extui %sign3A_849 : i1 to i32
        %sign3A_851 = arith.constant 0 : i32
        %sign3A_852 = arith.cmpi slt, %jit3A_839, %sign3A_851 : i32
        %sign3A_853 = arith.extui %sign3A_852 : i1 to i32
        %sign3A_854 = arith.subi %sign3A_850, %sign3A_853 : i32
        %ne3A_855 = arith.cmpi ne, %sign3A_847, %sign3A_854 : i32
        %rem3A_856 = arith.remsi %add3A_838, %jit3A_839 : i32
        %ne3A_857 = arith.constant 0 : i32
        %ne3A_858 = arith.cmpi ne, %rem3A_856, %ne3A_857 : i32
        %and3A_859 = arith.andi %ne3A_855, %ne3A_858 : i1
        %sub3A_860 = arith.constant 1 : i32
        %sub3A_861 = arith.subi %div3A_840, %sub3A_860 : i32
        %select_n3A_862 = arith.select %and3A_859, %sub3A_861, %div3A_840 : i32
        %jit3A_863 = arith.constant 8 : i32
        %eq3A_864 = arith.constant 0 : i32
        %eq3A_865 = arith.cmpi eq, %jit3A_863, %eq3A_864 : i32
        %jit3A_866 = arith.constant 1 : i32
        %select_n3A_867 = arith.select %eq3A_865, %jit3A_866, %jit3A_863 : i32
        %rem3A_868 = arith.remsi %add3A_838, %select_n3A_867 : i32
        %ne3A_869 = arith.constant 0 : i32
        %ne3A_870 = arith.cmpi ne, %rem3A_868, %ne3A_869 : i32
        %lt3A_871 = arith.constant 0 : i32
        %lt3A_872 = arith.cmpi slt, %rem3A_868, %lt3A_871 : i32
        %lt3A_873 = arith.constant 0 : i32
        %lt3A_874 = arith.cmpi slt, %select_n3A_867, %lt3A_873 : i32
        %ne3A_875 = arith.xori %lt3A_872, %lt3A_874 : i1
        %and3A_876 = arith.andi %ne3A_875, %ne3A_870 : i1
        %add3A_877 = arith.addi %rem3A_868, %select_n3A_867 : i32
        %select_n3A_878 = arith.select %and3A_876, %add3A_877, %rem3A_868 : i32
        %dma_start3A_879 = arith.constant 0 : i32
        %dma_start3A_880 = arith.constant 0 : i32
        %dma_start3A_881 = tpu.memref_slice %arg12[%dma_start3A_879, %dma_start3A_880] : memref<128x64xf32, #tpu.memory_space<vmem>> -> memref<64x64xf32, #tpu.memory_space<vmem>>
        %dma_start3A_882 = arith.constant 0 : i32
        %dma_start3A_883 = tpu.memref_slice %arg6[%select_n3A_862, %select_n3A_878, %dma_start3A_882] : memref<25x8x128xi32, #tpu.memory_space<vmem>> -> memref<1x1x64xi32, #tpu.memory_space<vmem>>
        %dma_start3A_884 = tpu.memref_squeeze %dma_start3A_883 : memref<1x1x64xi32, #tpu.memory_space<vmem>> -> memref<64xi32, #tpu.memory_space<vmem>>
        %dma_start3A_885 = arith.constant 0 : i32
        %dma_start3A_886 = arith.constant 0 : i32
        %dma_start3A_887 = tpu.memref_slice %arg3[%dma_start3A_885, %dma_start3A_886] : memref<100000x64xf32, #tpu.memory_space<hbm>> -> memref<100000x64xf32, #tpu.memory_space<hbm>>
        tpu.enqueue_indirect_dma source(%dma_start3A_887 : memref<100000x64xf32, #tpu.memory_space<hbm>>) target(%dma_start3A_881 : memref<64x64xf32, #tpu.memory_space<vmem>>) offsets(%dma_start3A_884 : memref<64xi32, #tpu.memory_space<vmem>>) semaphore(%arg22 : memref<!tpu.dma_semaphore, #tpu.memory_space<semaphore_mem>>)
        %dma_start3A_888 = arith.constant 64 : i32
        %dma_start3A_889 = arith.constant 0 : i32
        %dma_start3A_890 = tpu.memref_slice %arg12[%dma_start3A_888, %dma_start3A_889] : memref<128x64xf32, #tpu.memory_space<vmem>> -> memref<64x64xf32, #tpu.memory_space<vmem>>
        %dma_start3A_891 = arith.constant 64 : i32
        %dma_start3A_892 = tpu.memref_slice %arg6[%select_n3A_862, %select_n3A_878, %dma_start3A_891] : memref<25x8x128xi32, #tpu.memory_space<vmem>> -> memref<1x1x64xi32, #tpu.memory_space<vmem>>
        %dma_start3A_893 = tpu.memref_squeeze %dma_start3A_892 : memref<1x1x64xi32, #tpu.memory_space<vmem>> -> memref<64xi32, #tpu.memory_space<vmem>>
        %dma_start3A_894 = arith.constant 0 : i32
        %dma_start3A_895 = arith.constant 0 : i32
        %dma_start3A_896 = tpu.memref_slice %arg3[%dma_start3A_894, %dma_start3A_895] : memref<100000x64xf32, #tpu.memory_space<hbm>> -> memref<100000x64xf32, #tpu.memory_space<hbm>>
        tpu.enqueue_indirect_dma source(%dma_start3A_896 : memref<100000x64xf32, #tpu.memory_space<hbm>>) target(%dma_start3A_890 : memref<64x64xf32, #tpu.memory_space<vmem>>) offsets(%dma_start3A_893 : memref<64xi32, #tpu.memory_space<vmem>>) semaphore(%arg22 : memref<!tpu.dma_semaphore, #tpu.memory_space<semaphore_mem>>)
      } else {
      }
      %dma_start3A_819 = arith.constant 0 : i32
      %dma_start3A_820 = arith.constant 0 : i32
      %dma_start3A_821 = arith.constant 0 : i32
      %dma_start3A_822 = tpu.memref_slice %arg14[%dma_start3A_819, %dma_start3A_820, %dma_start3A_821] : memref<8x8x129xf32, #tpu.memory_space<vmem>> -> memref<8x8x128xf32, #tpu.memory_space<vmem>>
      %dma_start3A_823 = arith.constant 0 : i32
      %dma_start3A_824 = arith.constant 0 : i32
      %dma_start3A_825 = arith.constant 0 : i32
      %dma_start3A_826 = tpu.memref_slice %arg5[%add3A_785, %dma_start3A_823, %add3A, %dma_start3A_824, %dma_start3A_825] : memref<200x8x32x8x128xf32, #tpu.memory_space<hbm>> -> memref<1x8x1x8x128xf32, #tpu.memory_space<hbm>>
      %dma_start3A_827 = tpu.memref_squeeze %dma_start3A_826 : memref<1x8x1x8x128xf32, #tpu.memory_space<hbm>> -> memref<8x8x128xf32, #tpu.memory_space<hbm>>
      %dma_start3A_828 = arith.constant 0 : i32
      %dma_start3A_829 = arith.constant 0 : i32
      %dma_start3A_830 = arith.constant 0 : i32
      %dma_start3A_831 = tpu.memref_slice %arg5[%add3A_785, %dma_start3A_828, %add3A, %dma_start3A_829, %dma_start3A_830] : memref<200x8x32x8x128xf32, #tpu.memory_space<hbm>> -> memref<1x8x1x8x128xf32, #tpu.memory_space<hbm>>
      %dma_start3A_832 = tpu.memref_squeeze %dma_start3A_831 : memref<1x8x1x8x128xf32, #tpu.memory_space<hbm>> -> memref<8x8x128xf32, #tpu.memory_space<hbm>>
      %dma_start3A_833 = arith.constant 0 : i32
      %dma_start3A_834 = arith.constant 0 : i32
      %dma_start3A_835 = arith.constant 0 : i32
      %dma_start3A_836 = tpu.memref_slice %arg14[%dma_start3A_833, %dma_start3A_834, %dma_start3A_835] : memref<8x8x129xf32, #tpu.memory_space<vmem>> -> memref<8x8x128xf32, #tpu.memory_space<vmem>>
      tpu.enqueue_dma source(%dma_start3A_836 : memref<8x8x128xf32, #tpu.memory_space<vmem>>) target(%dma_start3A_832 : memref<8x8x128xf32, #tpu.memory_space<hbm>>) target_semaphore(%arg24 : memref<!tpu.dma_semaphore, #tpu.memory_space<semaphore_mem>>)
    }
    %scan3A_352 = arith.constant 33 : i32
    %dma_wait3A = arith.constant 0 : i32
    %dma_wait3A_353 = arith.constant 0 : i32
    %dma_wait3A_354 = tpu.memref_slice %arg3[%dma_wait3A, %dma_wait3A_353] : memref<100000x64xf32, #tpu.memory_space<hbm>> -> memref<128x64xf32, #tpu.memory_space<hbm>>
    %dma_wait3A_355 = arith.constant 0 : i32
    %dma_wait3A_356 = arith.constant 0 : i32
    %dma_wait3A_357 = tpu.memref_slice %arg3[%dma_wait3A_355, %dma_wait3A_356] : memref<100000x64xf32, #tpu.memory_space<hbm>> -> memref<128x64xf32, #tpu.memory_space<hbm>>
    tpu.wait_dma2 semaphore(%arg17 : memref<!tpu.dma_semaphore, #tpu.memory_space<semaphore_mem>>) src(%dma_wait3A_357 : memref<128x64xf32, #tpu.memory_space<hbm>>) dst(%arg7 : memref<128x64xf32, #tpu.memory_space<vmem>>)
    %dma_wait3A_358 = arith.constant 0 : i32
    %dma_wait3A_359 = arith.constant 0 : i32
    %dma_wait3A_360 = arith.constant 0 : i32
    %dma_wait3A_361 = arith.constant 0 : i32
    %dma_wait3A_362 = arith.constant 0 : i32
    %dma_wait3A_363 = tpu.memref_slice %arg13[%dma_wait3A_360, %dma_wait3A_361, %dma_wait3A_362] : memref<8x8x129xf32, #tpu.memory_space<vmem>> -> memref<8x8x128xf32, #tpu.memory_space<vmem>>
    %dma_wait3A_364 = arith.constant 0 : i32
    %dma_wait3A_365 = arith.constant 0 : i32
    %dma_wait3A_366 = arith.constant 0 : i32
    %dma_wait3A_367 = tpu.memref_slice %arg5[%dma_wait3A_358, %dma_wait3A_364, %dma_wait3A_359, %dma_wait3A_365, %dma_wait3A_366] : memref<200x8x32x8x128xf32, #tpu.memory_space<hbm>> -> memref<1x8x1x8x128xf32, #tpu.memory_space<hbm>>
    %dma_wait3A_368 = tpu.memref_squeeze %dma_wait3A_367 : memref<1x8x1x8x128xf32, #tpu.memory_space<hbm>> -> memref<8x8x128xf32, #tpu.memory_space<hbm>>
    %dma_wait3A_369 = arith.constant 0 : i32
    %dma_wait3A_370 = arith.constant 0 : i32
    %dma_wait3A_371 = arith.constant 0 : i32
    %dma_wait3A_372 = tpu.memref_slice %arg5[%dma_wait3A_358, %dma_wait3A_369, %dma_wait3A_359, %dma_wait3A_370, %dma_wait3A_371] : memref<200x8x32x8x128xf32, #tpu.memory_space<hbm>> -> memref<1x8x1x8x128xf32, #tpu.memory_space<hbm>>
    %dma_wait3A_373 = tpu.memref_squeeze %dma_wait3A_372 : memref<1x8x1x8x128xf32, #tpu.memory_space<hbm>> -> memref<8x8x128xf32, #tpu.memory_space<hbm>>
    %dma_wait3A_374 = arith.constant 0 : i32
    %dma_wait3A_375 = arith.constant 0 : i32
    %dma_wait3A_376 = arith.constant 0 : i32
    %dma_wait3A_377 = tpu.memref_slice %arg13[%dma_wait3A_374, %dma_wait3A_375, %dma_wait3A_376] : memref<8x8x129xf32, #tpu.memory_space<vmem>> -> memref<8x8x128xf32, #tpu.memory_space<vmem>>
    tpu.wait_dma2 semaphore(%arg23 : memref<!tpu.dma_semaphore, #tpu.memory_space<semaphore_mem>>) src(%dma_wait3A_377 : memref<8x8x128xf32, #tpu.memory_space<vmem>>) dst(%dma_wait3A_373 : memref<8x8x128xf32, #tpu.memory_space<hbm>>)
    %get3A = arith.constant 198 : i32
    %get3A_378 = arith.index_cast %get3A : i32 to index
    %get3A_379 = arith.constant 0 : index
    %get3A_380 = tpu.vector_load %arg16[%get3A_378, %get3A_379] {strides = array<i32>} : memref<200x64xf32, #tpu.memory_space<vmem>>, vector<16xf32>,
    %get3A_381 = arith.constant 198 : i32
    %get3A_382 = arith.index_cast %get3A_381 : i32 to index
    %get3A_383 = arith.constant 16 : index
    %get3A_384 = tpu.vector_load %arg16[%get3A_382, %get3A_383] {strides = array<i32>} : memref<200x64xf32, #tpu.memory_space<vmem>>, vector<16xf32>,
    %get3A_385 = arith.constant 198 : i32
    %get3A_386 = arith.index_cast %get3A_385 : i32 to index
    %get3A_387 = arith.constant 32 : index
    %get3A_388 = tpu.vector_load %arg16[%get3A_386, %get3A_387] {strides = array<i32>} : memref<200x64xf32, #tpu.memory_space<vmem>>, vector<16xf32>,
    %get3A_389 = arith.constant 198 : i32
    %get3A_390 = arith.index_cast %get3A_389 : i32 to index
    %get3A_391 = arith.constant 48 : index
    %get3A_392 = tpu.vector_load %arg16[%get3A_390, %get3A_391] {strides = array<i32>} : memref<200x64xf32, #tpu.memory_space<vmem>>, vector<16xf32>,
    %parallel_loop3A_393 = arith.constant 0 : i32
    %parallel_loop3A_394 = arith.constant 128 : i32
    %parallel_loop3A_395 = arith.constant 1 : i32
    scf.for %parallel_loop3A_519 = %parallel_loop3A_393 to %parallel_loop3A_394 step %parallel_loop3A_395  : i32 {
      %parallel_loop3A_520 = vector.broadcast %parallel_loop3A_519 : i32 to vector<16xi32>
      %parallel_loop3A_521 = arith.index_cast %parallel_loop3A_519 : i32 to index
      %parallel_loop3A_522 = arith.constant 0 : index
      %parallel_loop3A_523 = tpu.vector_load %arg7[%parallel_loop3A_521, %parallel_loop3A_522] {strides = array<i32>} : memref<128x64xf32, #tpu.memory_space<vmem>>, vector<16xf32>,
      %parallel_loop3A_524 = arith.addf %parallel_loop3A_523, %get3A_380 : vector<16xf32>
      tpu.vector_store_idx %arg13[%select_n3A, %select_n3A_148, %parallel_loop3A_520], %parallel_loop3A_524 : memref<8x8x129xf32, #tpu.memory_space<vmem>>[vector<16xi32>, vector<16xi32>, vector<16xi32>], vector<16xf32>,
      %parallel_loop3A_525 = arith.index_cast %parallel_loop3A_519 : i32 to index
      %parallel_loop3A_526 = arith.constant 16 : index
      %parallel_loop3A_527 = tpu.vector_load %arg7[%parallel_loop3A_525, %parallel_loop3A_526] {strides = array<i32>} : memref<128x64xf32, #tpu.memory_space<vmem>>, vector<16xf32>,
      %parallel_loop3A_528 = arith.addf %parallel_loop3A_527, %get3A_384 : vector<16xf32>
      tpu.vector_store_idx %arg13[%select_n3A_66, %select_n3A_170, %parallel_loop3A_520], %parallel_loop3A_528 : memref<8x8x129xf32, #tpu.memory_space<vmem>>[vector<16xi32>, vector<16xi32>, vector<16xi32>], vector<16xf32>,
      %parallel_loop3A_529 = arith.index_cast %parallel_loop3A_519 : i32 to index
      %parallel_loop3A_530 = arith.constant 32 : index
      %parallel_loop3A_531 = tpu.vector_load %arg7[%parallel_loop3A_529, %parallel_loop3A_530] {strides = array<i32>} : memref<128x64xf32, #tpu.memory_space<vmem>>, vector<16xf32>,
      %parallel_loop3A_532 = arith.addf %parallel_loop3A_531, %get3A_388 : vector<16xf32>
      tpu.vector_store_idx %arg13[%select_n3A_97, %select_n3A_192, %parallel_loop3A_520], %parallel_loop3A_532 : memref<8x8x129xf32, #tpu.memory_space<vmem>>[vector<16xi32>, vector<16xi32>, vector<16xi32>], vector<16xf32>,
      %parallel_loop3A_533 = arith.index_cast %parallel_loop3A_519 : i32 to index
      %parallel_loop3A_534 = arith.constant 48 : index
      %parallel_loop3A_535 = tpu.vector_load %arg7[%parallel_loop3A_533, %parallel_loop3A_534] {strides = array<i32>} : memref<128x64xf32, #tpu.memory_space<vmem>>, vector<16xf32>,
      %parallel_loop3A_536 = arith.addf %parallel_loop3A_535, %get3A_392 : vector<16xf32>
      tpu.vector_store_idx %arg13[%select_n3A_128, %select_n3A_214, %parallel_loop3A_520], %parallel_loop3A_536 : memref<8x8x129xf32, #tpu.memory_space<vmem>>[vector<16xi32>, vector<16xi32>, vector<16xi32>], vector<16xf32>,
    } {sc.loop_unroll_factor = 1 : i64, sc.parallel_access}
    %dma_start3A_396 = arith.constant 198 : i32
    %dma_start3A_397 = arith.constant 0 : i32
    %dma_start3A_398 = arith.constant 0 : i32
    %dma_start3A_399 = arith.constant 0 : i32
    %dma_start3A_400 = tpu.memref_slice %arg13[%dma_start3A_397, %dma_start3A_398, %dma_start3A_399] : memref<8x8x129xf32, #tpu.memory_space<vmem>> -> memref<8x8x128xf32, #tpu.memory_space<vmem>>
    %dma_start3A_401 = arith.constant 0 : i32
    %dma_start3A_402 = arith.constant 0 : i32
    %dma_start3A_403 = arith.constant 0 : i32
    %dma_start3A_404 = tpu.memref_slice %arg5[%dma_start3A_396, %dma_start3A_401, %add3A, %dma_start3A_402, %dma_start3A_403] : memref<200x8x32x8x128xf32, #tpu.memory_space<hbm>> -> memref<1x8x1x8x128xf32, #tpu.memory_space<hbm>>
    %dma_start3A_405 = tpu.memref_squeeze %dma_start3A_404 : memref<1x8x1x8x128xf32, #tpu.memory_space<hbm>> -> memref<8x8x128xf32, #tpu.memory_space<hbm>>
    %dma_start3A_406 = arith.constant 0 : i32
    %dma_start3A_407 = arith.constant 0 : i32
    %dma_start3A_408 = arith.constant 0 : i32
    %dma_start3A_409 = tpu.memref_slice %arg5[%dma_start3A_396, %dma_start3A_406, %add3A, %dma_start3A_407, %dma_start3A_408] : memref<200x8x32x8x128xf32, #tpu.memory_space<hbm>> -> memref<1x8x1x8x128xf32, #tpu.memory_space<hbm>>
    %dma_start3A_410 = tpu.memref_squeeze %dma_start3A_409 : memref<1x8x1x8x128xf32, #tpu.memory_space<hbm>> -> memref<8x8x128xf32, #tpu.memory_space<hbm>>
    %dma_start3A_411 = arith.constant 0 : i32
    %dma_start3A_412 = arith.constant 0 : i32
    %dma_start3A_413 = arith.constant 0 : i32
    %dma_start3A_414 = tpu.memref_slice %arg13[%dma_start3A_411, %dma_start3A_412, %dma_start3A_413] : memref<8x8x129xf32, #tpu.memory_space<vmem>> -> memref<8x8x128xf32, #tpu.memory_space<vmem>>
    tpu.enqueue_dma source(%dma_start3A_414 : memref<8x8x128xf32, #tpu.memory_space<vmem>>) target(%dma_start3A_410 : memref<8x8x128xf32, #tpu.memory_space<hbm>>) target_semaphore(%arg23 : memref<!tpu.dma_semaphore, #tpu.memory_space<semaphore_mem>>)
    %dma_wait3A_415 = arith.constant 0 : i32
    %dma_wait3A_416 = arith.constant 0 : i32
    %dma_wait3A_417 = tpu.memref_slice %arg3[%dma_wait3A_415, %dma_wait3A_416] : memref<100000x64xf32, #tpu.memory_space<hbm>> -> memref<128x64xf32, #tpu.memory_space<hbm>>
    %dma_wait3A_418 = arith.constant 0 : i32
    %dma_wait3A_419 = arith.constant 0 : i32
    %dma_wait3A_420 = tpu.memref_slice %arg3[%dma_wait3A_418, %dma_wait3A_419] : memref<100000x64xf32, #tpu.memory_space<hbm>> -> memref<128x64xf32, #tpu.memory_space<hbm>>
    tpu.wait_dma2 semaphore(%arg18 : memref<!tpu.dma_semaphore, #tpu.memory_space<semaphore_mem>>) src(%dma_wait3A_420 : memref<128x64xf32, #tpu.memory_space<hbm>>) dst(%arg8 : memref<128x64xf32, #tpu.memory_space<vmem>>)
    %dma_wait3A_421 = arith.constant 0 : i32
    %dma_wait3A_422 = arith.constant 0 : i32
    %dma_wait3A_423 = arith.constant 0 : i32
    %dma_wait3A_424 = arith.constant 0 : i32
    %dma_wait3A_425 = arith.constant 0 : i32
    %dma_wait3A_426 = tpu.memref_slice %arg14[%dma_wait3A_423, %dma_wait3A_424, %dma_wait3A_425] : memref<8x8x129xf32, #tpu.memory_space<vmem>> -> memref<8x8x128xf32, #tpu.memory_space<vmem>>
    %dma_wait3A_427 = arith.constant 0 : i32
    %dma_wait3A_428 = arith.constant 0 : i32
    %dma_wait3A_429 = arith.constant 0 : i32
    %dma_wait3A_430 = tpu.memref_slice %arg5[%dma_wait3A_421, %dma_wait3A_427, %dma_wait3A_422, %dma_wait3A_428, %dma_wait3A_429] : memref<200x8x32x8x128xf32, #tpu.memory_space<hbm>> -> memref<1x8x1x8x128xf32, #tpu.memory_space<hbm>>
    %dma_wait3A_431 = tpu.memref_squeeze %dma_wait3A_430 : memref<1x8x1x8x128xf32, #tpu.memory_space<hbm>> -> memref<8x8x128xf32, #tpu.memory_space<hbm>>
    %dma_wait3A_432 = arith.constant 0 : i32
    %dma_wait3A_433 = arith.constant 0 : i32
    %dma_wait3A_434 = arith.constant 0 : i32
    %dma_wait3A_435 = tpu.memref_slice %arg5[%dma_wait3A_421, %dma_wait3A_432, %dma_wait3A_422, %dma_wait3A_433, %dma_wait3A_434] : memref<200x8x32x8x128xf32, #tpu.memory_space<hbm>> -> memref<1x8x1x8x128xf32, #tpu.memory_space<hbm>>
    %dma_wait3A_436 = tpu.memref_squeeze %dma_wait3A_435 : memref<1x8x1x8x128xf32, #tpu.memory_space<hbm>> -> memref<8x8x128xf32, #tpu.memory_space<hbm>>
    %dma_wait3A_437 = arith.constant 0 : i32
    %dma_wait3A_438 = arith.constant 0 : i32
    %dma_wait3A_439 = arith.constant 0 : i32
    %dma_wait3A_440 = tpu.memref_slice %arg14[%dma_wait3A_437, %dma_wait3A_438, %dma_wait3A_439] : memref<8x8x129xf32, #tpu.memory_space<vmem>> -> memref<8x8x128xf32, #tpu.memory_space<vmem>>
    tpu.wait_dma2 semaphore(%arg24 : memref<!tpu.dma_semaphore, #tpu.memory_space<semaphore_mem>>) src(%dma_wait3A_440 : memref<8x8x128xf32, #tpu.memory_space<vmem>>) dst(%dma_wait3A_436 : memref<8x8x128xf32, #tpu.memory_space<hbm>>)
    %get3A_441 = arith.constant 199 : i32
    %get3A_442 = arith.index_cast %get3A_441 : i32 to index
    %get3A_443 = arith.constant 0 : index
    %get3A_444 = tpu.vector_load %arg16[%get3A_442, %get3A_443] {strides = array<i32>} : memref<200x64xf32, #tpu.memory_space<vmem>>, vector<16xf32>,
    %get3A_445 = arith.constant 199 : i32
    %get3A_446 = arith.index_cast %get3A_445 : i32 to index
    %get3A_447 = arith.constant 16 : index
    %get3A_448 = tpu.vector_load %arg16[%get3A_446, %get3A_447] {strides = array<i32>} : memref<200x64xf32, #tpu.memory_space<vmem>>, vector<16xf32>,
    %get3A_449 = arith.constant 199 : i32
    %get3A_450 = arith.index_cast %get3A_449 : i32 to index
    %get3A_451 = arith.constant 32 : index
    %get3A_452 = tpu.vector_load %arg16[%get3A_450, %get3A_451] {strides = array<i32>} : memref<200x64xf32, #tpu.memory_space<vmem>>, vector<16xf32>,
    %get3A_453 = arith.constant 199 : i32
    %get3A_454 = arith.index_cast %get3A_453 : i32 to index
    %get3A_455 = arith.constant 48 : index
    %get3A_456 = tpu.vector_load %arg16[%get3A_454, %get3A_455] {strides = array<i32>} : memref<200x64xf32, #tpu.memory_space<vmem>>, vector<16xf32>,
    %parallel_loop3A_457 = arith.constant 0 : i32
    %parallel_loop3A_458 = arith.constant 128 : i32
    %parallel_loop3A_459 = arith.constant 1 : i32
    scf.for %parallel_loop3A_519 = %parallel_loop3A_457 to %parallel_loop3A_458 step %parallel_loop3A_459  : i32 {
      %parallel_loop3A_520 = vector.broadcast %parallel_loop3A_519 : i32 to vector<16xi32>
      %parallel_loop3A_521 = arith.index_cast %parallel_loop3A_519 : i32 to index
      %parallel_loop3A_522 = arith.constant 0 : index
      %parallel_loop3A_523 = tpu.vector_load %arg8[%parallel_loop3A_521, %parallel_loop3A_522] {strides = array<i32>} : memref<128x64xf32, #tpu.memory_space<vmem>>, vector<16xf32>,
      %parallel_loop3A_524 = arith.addf %parallel_loop3A_523, %get3A_444 : vector<16xf32>
      tpu.vector_store_idx %arg14[%select_n3A, %select_n3A_148, %parallel_loop3A_520], %parallel_loop3A_524 : memref<8x8x129xf32, #tpu.memory_space<vmem>>[vector<16xi32>, vector<16xi32>, vector<16xi32>], vector<16xf32>,
      %parallel_loop3A_525 = arith.index_cast %parallel_loop3A_519 : i32 to index
      %parallel_loop3A_526 = arith.constant 16 : index
      %parallel_loop3A_527 = tpu.vector_load %arg8[%parallel_loop3A_525, %parallel_loop3A_526] {strides = array<i32>} : memref<128x64xf32, #tpu.memory_space<vmem>>, vector<16xf32>,
      %parallel_loop3A_528 = arith.addf %parallel_loop3A_527, %get3A_448 : vector<16xf32>
      tpu.vector_store_idx %arg14[%select_n3A_66, %select_n3A_170, %parallel_loop3A_520], %parallel_loop3A_528 : memref<8x8x129xf32, #tpu.memory_space<vmem>>[vector<16xi32>, vector<16xi32>, vector<16xi32>], vector<16xf32>,
      %parallel_loop3A_529 = arith.index_cast %parallel_loop3A_519 : i32 to index
      %parallel_loop3A_530 = arith.constant 32 : index
      %parallel_loop3A_531 = tpu.vector_load %arg8[%parallel_loop3A_529, %parallel_loop3A_530] {strides = array<i32>} : memref<128x64xf32, #tpu.memory_space<vmem>>, vector<16xf32>,
      %parallel_loop3A_532 = arith.addf %parallel_loop3A_531, %get3A_452 : vector<16xf32>
      tpu.vector_store_idx %arg14[%select_n3A_97, %select_n3A_192, %parallel_loop3A_520], %parallel_loop3A_532 : memref<8x8x129xf32, #tpu.memory_space<vmem>>[vector<16xi32>, vector<16xi32>, vector<16xi32>], vector<16xf32>,
      %parallel_loop3A_533 = arith.index_cast %parallel_loop3A_519 : i32 to index
      %parallel_loop3A_534 = arith.constant 48 : index
      %parallel_loop3A_535 = tpu.vector_load %arg8[%parallel_loop3A_533, %parallel_loop3A_534] {strides = array<i32>} : memref<128x64xf32, #tpu.memory_space<vmem>>, vector<16xf32>,
      %parallel_loop3A_536 = arith.addf %parallel_loop3A_535, %get3A_456 : vector<16xf32>
      tpu.vector_store_idx %arg14[%select_n3A_128, %select_n3A_214, %parallel_loop3A_520], %parallel_loop3A_536 : memref<8x8x129xf32, #tpu.memory_space<vmem>>[vector<16xi32>, vector<16xi32>, vector<16xi32>], vector<16xf32>,
    } {sc.loop_unroll_factor = 1 : i64, sc.parallel_access}
    %dma_start3A_460 = arith.constant 199 : i32
    %dma_start3A_461 = arith.constant 0 : i32
    %dma_start3A_462 = arith.constant 0 : i32
    %dma_start3A_463 = arith.constant 0 : i32
    %dma_start3A_464 = tpu.memref_slice %arg14[%dma_start3A_461, %dma_start3A_462, %dma_start3A_463] : memref<8x8x129xf32, #tpu.memory_space<vmem>> -> memref<8x8x128xf32, #tpu.memory_space<vmem>>
    %dma_start3A_465 = arith.constant 0 : i32
    %dma_start3A_466 = arith.constant 0 : i32
    %dma_start3A_467 = arith.constant 0 : i32
    %dma_start3A_468 = tpu.memref_slice %arg5[%dma_start3A_460, %dma_start3A_465, %add3A, %dma_start3A_466, %dma_start3A_467] : memref<200x8x32x8x128xf32, #tpu.memory_space<hbm>> -> memref<1x8x1x8x128xf32, #tpu.memory_space<hbm>>
    %dma_start3A_469 = tpu.memref_squeeze %dma_start3A_468 : memref<1x8x1x8x128xf32, #tpu.memory_space<hbm>> -> memref<8x8x128xf32, #tpu.memory_space<hbm>>
    %dma_start3A_470 = arith.constant 0 : i32
    %dma_start3A_471 = arith.constant 0 : i32
    %dma_start3A_472 = arith.constant 0 : i32
    %dma_start3A_473 = tpu.memref_slice %arg5[%dma_start3A_460, %dma_start3A_470, %add3A, %dma_start3A_471, %dma_start3A_472] : memref<200x8x32x8x128xf32, #tpu.memory_space<hbm>> -> memref<1x8x1x8x128xf32, #tpu.memory_space<hbm>>
    %dma_start3A_474 = tpu.memref_squeeze %dma_start3A_473 : memref<1x8x1x8x128xf32, #tpu.memory_space<hbm>> -> memref<8x8x128xf32, #tpu.memory_space<hbm>>
    %dma_start3A_475 = arith.constant 0 : i32
    %dma_start3A_476 = arith.constant 0 : i32
    %dma_start3A_477 = arith.constant 0 : i32
    %dma_start3A_478 = tpu.memref_slice %arg14[%dma_start3A_475, %dma_start3A_476, %dma_start3A_477] : memref<8x8x129xf32, #tpu.memory_space<vmem>> -> memref<8x8x128xf32, #tpu.memory_space<vmem>>
    tpu.enqueue_dma source(%dma_start3A_478 : memref<8x8x128xf32, #tpu.memory_space<vmem>>) target(%dma_start3A_474 : memref<8x8x128xf32, #tpu.memory_space<hbm>>) target_semaphore(%arg24 : memref<!tpu.dma_semaphore, #tpu.memory_space<semaphore_mem>>)
    %dma_wait3A_479 = arith.constant 0 : i32
    %dma_wait3A_480 = arith.constant 0 : i32
    %dma_wait3A_481 = arith.constant 0 : i32
    %dma_wait3A_482 = arith.constant 0 : i32
    %dma_wait3A_483 = arith.constant 0 : i32
    %dma_wait3A_484 = tpu.memref_slice %arg13[%dma_wait3A_481, %dma_wait3A_482, %dma_wait3A_483] : memref<8x8x129xf32, #tpu.memory_space<vmem>> -> memref<8x8x128xf32, #tpu.memory_space<vmem>>
    %dma_wait3A_485 = arith.constant 0 : i32
    %dma_wait3A_486 = arith.constant 0 : i32
    %dma_wait3A_487 = arith.constant 0 : i32
    %dma_wait3A_488 = tpu.memref_slice %arg5[%dma_wait3A_479, %dma_wait3A_485, %dma_wait3A_480, %dma_wait3A_486, %dma_wait3A_487] : memref<200x8x32x8x128xf32, #tpu.memory_space<hbm>> -> memref<1x8x1x8x128xf32, #tpu.memory_space<hbm>>
    %dma_wait3A_489 = tpu.memref_squeeze %dma_wait3A_488 : memref<1x8x1x8x128xf32, #tpu.memory_space<hbm>> -> memref<8x8x128xf32, #tpu.memory_space<hbm>>
    %dma_wait3A_490 = arith.constant 0 : i32
    %dma_wait3A_491 = arith.constant 0 : i32
    %dma_wait3A_492 = arith.constant 0 : i32
    %dma_wait3A_493 = tpu.memref_slice %arg5[%dma_wait3A_479, %dma_wait3A_490, %dma_wait3A_480, %dma_wait3A_491, %dma_wait3A_492] : memref<200x8x32x8x128xf32, #tpu.memory_space<hbm>> -> memref<1x8x1x8x128xf32, #tpu.memory_space<hbm>>
    %dma_wait3A_494 = tpu.memref_squeeze %dma_wait3A_493 : memref<1x8x1x8x128xf32, #tpu.memory_space<hbm>> -> memref<8x8x128xf32, #tpu.memory_space<hbm>>
    %dma_wait3A_495 = arith.constant 0 : i32
    %dma_wait3A_496 = arith.constant 0 : i32
    %dma_wait3A_497 = arith.constant 0 : i32
    %dma_wait3A_498 = tpu.memref_slice %arg13[%dma_wait3A_495, %dma_wait3A_496, %dma_wait3A_497] : memref<8x8x129xf32, #tpu.memory_space<vmem>> -> memref<8x8x128xf32, #tpu.memory_space<vmem>>
    tpu.wait_dma2 semaphore(%arg23 : memref<!tpu.dma_semaphore, #tpu.memory_space<semaphore_mem>>) src(%dma_wait3A_498 : memref<8x8x128xf32, #tpu.memory_space<vmem>>) dst(%dma_wait3A_494 : memref<8x8x128xf32, #tpu.memory_space<hbm>>)
    %dma_wait3A_499 = arith.constant 0 : i32
    %dma_wait3A_500 = arith.constant 0 : i32
    %dma_wait3A_501 = arith.constant 0 : i32
    %dma_wait3A_502 = arith.constant 0 : i32
    %dma_wait3A_503 = arith.constant 0 : i32
    %dma_wait3A_504 = tpu.memref_slice %arg14[%dma_wait3A_501, %dma_wait3A_502, %dma_wait3A_503] : memref<8x8x129xf32, #tpu.memory_space<vmem>> -> memref<8x8x128xf32, #tpu.memory_space<vmem>>
    %dma_wait3A_505 = arith.constant 0 : i32
    %dma_wait3A_506 = arith.constant 0 : i32
    %dma_wait3A_507 = arith.constant 0 : i32
    %dma_wait3A_508 = tpu.memref_slice %arg5[%dma_wait3A_499, %dma_wait3A_505, %dma_wait3A_500, %dma_wait3A_506, %dma_wait3A_507] : memref<200x8x32x8x128xf32, #tpu.memory_space<hbm>> -> memref<1x8x1x8x128xf32, #tpu.memory_space<hbm>>
    %dma_wait3A_509 = tpu.memref_squeeze %dma_wait3A_508 : memref<1x8x1x8x128xf32, #tpu.memory_space<hbm>> -> memref<8x8x128xf32, #tpu.memory_space<hbm>>
    %dma_wait3A_510 = arith.constant 0 : i32
    %dma_wait3A_511 = arith.constant 0 : i32
    %dma_wait3A_512 = arith.constant 0 : i32
    %dma_wait3A_513 = tpu.memref_slice %arg5[%dma_wait3A_499, %dma_wait3A_510, %dma_wait3A_500, %dma_wait3A_511, %dma_wait3A_512] : memref<200x8x32x8x128xf32, #tpu.memory_space<hbm>> -> memref<1x8x1x8x128xf32, #tpu.memory_space<hbm>>
    %dma_wait3A_514 = tpu.memref_squeeze %dma_wait3A_513 : memref<1x8x1x8x128xf32, #tpu.memory_space<hbm>> -> memref<8x8x128xf32, #tpu.memory_space<hbm>>
    %dma_wait3A_515 = arith.constant 0 : i32
    %dma_wait3A_516 = arith.constant 0 : i32
    %dma_wait3A_517 = arith.constant 0 : i32
    %dma_wait3A_518 = tpu.memref_slice %arg14[%dma_wait3A_515, %dma_wait3A_516, %dma_wait3A_517] : memref<8x8x129xf32, #tpu.memory_space<vmem>> -> memref<8x8x128xf32, #tpu.memory_space<vmem>>
    tpu.wait_dma2 semaphore(%arg24 : memref<!tpu.dma_semaphore, #tpu.memory_space<semaphore_mem>>) src(%dma_wait3A_518 : memref<8x8x128xf32, #tpu.memory_space<vmem>>) dst(%dma_wait3A_514 : memref<8x8x128xf32, #tpu.memory_space<hbm>>)
    return
  }
}

</mosaic_0001>

<sc_bundles>
// kernel: kernel.3.cloned.1.call-start
scs
__scs_entry_jumppad:
0x0: {  	(pc) =	sbr.rel $0x88, $3  }
0x1: {  	(tag) =	ssettag $0x0;
	lr =	simm.s32 $0x1  }
0x2: {  	[smem:$0x3F9E] =	sst lr;
	_ =	strace $0xD0000000  }
0x3: {  	_ = 	snop  }
0x4: {  	_ = 	snop  }
0x5: {  	_ = 	snop  }
0x6: {  	_ = 	snop  }
0x7: {  	_ = 	snop  }
__scs_overlays_trampoline_lowered:
0x8: {  	[smem:$0x3FAD] =	sst s0  }
0x9: {  	[smem:$0x3FAE] =	sst s1  }
0xa: {  	[smem:$0x3FAF] =	sst s2  }
0xb: {  	[smem:$0x3FB0] =	sst s3  }
0xc: {  	[smem:$0x3FB1] =	sst s4  }
0xd: {  	[smem:$0x3FB2] =	sst s5  }
0xe: {  	[smem:$0x3FB3] =	sst s6  }
0xf: {  	[smem:$0x3FB4] =	sst s7  }
0x10: {  	[smem:$0x3FB5] =	sst s8  }
0x11: {  	[smem:$0x3FB6] =	sst s9;
	s0 =	simm.s32 @!p0 $0x0  }
0x12: {  	s1 =	sld [smem:$0x3F9C];
	s0 =	simm.s32 @p0 $0x1  }
0x13: {  	[smem:$0x3FB7] =	sst s0;
	s0 =	simm.s32 @!p1 $0x0  }
0x14: {  	s2 =	sld [smem:$0x3F9B];
	s0 =	simm.s32 @p1 $0x1  }
0x15: {  	[smem:$0x3FB8] =	sst s0;
	s0 =	simm.s32 @!p2 $0x0  }
0x16: {  	s3 =	sld [smem:$0x3FDB];
	s0 =	simm.s32 @p2 $0x1  }
0x17: {  	s4 =	simm.s32 $0x1BF5;
	[smem:$0x3FBA] =	sst s0  }
0x18: {  	s0 =	sld [smem:$0x3F9D];
	_ =	swait.ge [sflag:s4], $0x0  }
0x19: {  	s7 =	sld [smem:$0x3F9E]  }
0x1a: {  	s8 =	sadd.s32 $0xFFFFE003, lr  }
0x1b: {  	s9 =	sadd.s32 $0xFFFFFEF7, lr;
	s5 =	simm.s32 $0xFFFFFFFF;
	p2 =	slt.u32 s8, $0xFFFFF086  }
0x1c: {  	p1 =	slt.u32 s9, $0xF7A;
	s5 =	simm.s32 @!p2 $0x0  }
0x1d: {  	s5 =	simm.s32 @p1 $0x1;
	p0 =	seq.s32 s7, s2  }
0x1e: {  	s7 =	smul.u32 @!p0 $0xF7A, s2;
	p2 =	seq.s32 @!p0 s5, $0x0  }
0x1f: {  	s9 =	smul.u32 $0xF7A, s1;
	s8 =	simm.s32 @!p0 $0x1BF5;
	p2 =	por !p2, p0  }
0x20: {  	[sflag:s8] =	ssyncset.s32 @!p0 $0xFFFFF086;
	s6 =	sadd.s32 @!p0 s3, s7;
	s7 =	simm.s32 @!p0 $0x108  }
0x21: {  	s3 =	sadd.s32 s3, s9;
	s6 =	sadd.s32 @!p0 $0x88, s6;
	s7 =	simm.s32 @p2 $0x1082  }
0x22: {  	[simem:s7], [sflag:s8] =	dma.local @!p0 [hbm:s6], $0xF7A  }
0x23: {  	s9 =	sor.u32 $0xD0000000, s2;
	s6 =	simm.s32 $0x108;
	_ =	swait.ge @!p0 [sflag:s8], $0x0  }
0x24: {  	s3 =	sadd.s32 $0x88, s3;
	s6 =	simm.s32 @!p1 $0x1082;
	[sflag:s4] =	ssyncset.s32 $0xFFFFF086  }
0x25: {  	[simem:s6], [sflag:s4] =	dma.local [hbm:s3], $0xF7A  }
0x26: {  	[smem:$0x3F9E] =	sst s1;
	(tag) =	ssettag s2;
	_ =	strace s9  }
0x27: {  	s1 =	sld [smem:$0x3FAE]  }
0x28: {  	s2 =	sld [smem:$0x3FAF]  }
0x29: {  	s4 =	sld [smem:$0x3FB1]  }
0x2a: {  	p0 =	seq.s32 s5, $0x0;
	s5 =	sld [smem:$0x3FB2]  }
0x2b: {  	s6 =	sld [smem:$0x3FB3]  }
0x2c: {  	s7 =	sld [smem:$0x3FB4]  }
0x2d: {  	s3 =	simm.s32 $0x108;
	s8 =	sld [smem:$0x3FB5]  }
0x2e: {  	s3 =	simm.s32 @!p0 $0x1082;
	s9 =	sld [smem:$0x3FB6]  }
0x2f: {  	lr =	sadd.s32 s0, s3;
	s0 =	sld [smem:$0x3FAD]  }
0x30: {  	s3 =	sld [smem:$0x3FB0]  }
0x31: {  	[smem:$0x3FB9] =	sst s10  }
0x32: {  	s10 =	sld [smem:$0x3FB7];
	_ =	sdelay $0x3  }
0x33: {  	p0 =	seq.s32 s10, $0x1;
	s10 =	sld [smem:$0x3FB9];
	_ =	sdelay $0x3  }
0x34: {  	[smem:$0x3FB9] =	sst s10  }
0x35: {  	s10 =	sld [smem:$0x3FB8];
	_ =	sdelay $0x3  }
0x36: {  	p1 =	seq.s32 s10, $0x1;
	s10 =	sld [smem:$0x3FB9];
	_ =	sdelay $0x3  }
0x37: {  	[smem:$0x3FB9] =	sst s10  }
0x38: {  	s10 =	sld [smem:$0x3FBA]  }
0x39: {  	_ = 	snop;
	(pc) =	sbr.ind lr, $3  }
0x3a: {  	_ = 	snop  }
0x3b: {  	_ = 	snop  }
0x3c: {  	p2 =	seq.s32 s10, $0x1;
	s10 =	sld [smem:$0x3FB9]  }
0x3d: {  	_ =	shalt  }
0x3e: {  	_ =	shalt  }
0x3f: {  	_ =	shalt  }
0x40: {  	_ =	shalt  }
0x41: {  	_ =	shalt  }
0x42: {  	_ =	shalt  }
0x43: {  	_ =	shalt  }
0x44: {  	_ =	shalt  }
0x45: {  	_ =	shalt  }
0x46: {  	_ =	shalt  }
0x47: {  	_ =	shalt  }
0x48: {  	_ =	shalt  }
0x49: {  	_ =	shalt  }
0x4a: {  	_ =	shalt  }
0x4b: {  	_ =	shalt  }
0x4c: {  	_ =	shalt  }
0x4d: {  	_ =	shalt  }
0x4e: {  	_ =	shalt  }
0x4f: {  	_ =	shalt  }
0x50: {  	_ =	shalt  }
0x51: {  	_ =	shalt  }
0x52: {  	_ =	shalt  }
0x53: {  	_ =	shalt  }
0x54: {  	_ =	shalt  }
0x55: {  	_ =	shalt  }
0x56: {  	_ =	shalt  }
0x57: {  	_ =	shalt  }
0x58: {  	_ =	shalt  }
0x59: {  	_ =	shalt  }
0x5a: {  	_ =	shalt  }
0x5b: {  	_ =	shalt  }
0x5c: {  	_ =	shalt  }
0x5d: {  	_ =	shalt  }
0x5e: {  	_ =	shalt  }
0x5f: {  	_ =	shalt  }
0x60: {  	_ =	shalt  }
0x61: {  	_ =	shalt  }
0x62: {  	_ =	shalt  }
0x63: {  	_ =	shalt  }
0x64: {  	_ =	shalt  }
0x65: {  	_ =	shalt  }
0x66: {  	_ =	shalt  }
0x67: {  	_ =	shalt  }
0x68: {  	_ =	shalt  }
0x69: {  	_ =	shalt  }
0x6a: {  	_ =	shalt  }
0x6b: {  	_ =	shalt  }
0x6c: {  	_ =	shalt  }
0x6d: {  	_ =	shalt  }
0x6e: {  	_ =	shalt  }
0x6f: {  	_ =	shalt  }
0x70: {  	_ =	shalt  }
0x71: {  	_ =	shalt  }
0x72: {  	_ =	shalt  }
0x73: {  	_ =	shalt  }
0x74: {  	_ =	shalt  }
0x75: {  	_ =	shalt  }
0x76: {  	_ =	shalt  }
0x77: {  	_ =	shalt  }
0x78: {  	_ =	shalt  }
0x79: {  	_ =	shalt  }
0x7a: {  	_ =	shalt  }
0x7b: {  	_ =	shalt  }
0x7c: {  	_ =	shalt  }
0x7d: {  	_ =	shalt  }
0x7e: {  	_ =	shalt  }
0x7f: {  	_ =	shalt  }
0x80: {  	_ =	shalt  }
0x81: {  	_ =	shalt  }
0x82: {  	_ =	shalt  }
0x83: {  	_ =	shalt  }
0x84: {  	_ =	shalt  }
0x85: {  	_ =	shalt  }
0x86: {  	_ =	shalt  }
0x87: {  	_ =	shalt  }
.Lfunc_end0:
.L_simem_size_0:
called_computation_lowered:
.L_overlay_start_0:
0x88: {  	s2 =	sld [smem:$0x3FD9]  }
0x89: {  	s3 =	sld [smem:$0x3FFE];
	_ =	sdelay $0x1  }
0x8a: {  	s1 =	srdreg.scid  }
0x8b: {  	s0 =	sand.u32 $0x1, s1  }
0x8c: {  	s17 =	sshll.u32 s0, $0xA;
	s2 =	sadd.s32 s3, s2  }
0x8d: {  	s2 =	sadd.s32 s2, s17  }
0x8e: {  	[smem:$0x3FC5] =	sst s2  }
0x8f: {  	_ = 	snop  }
0x90: {  	s2 =	sld [smem:$0x3FC9]  }
0x91: {  	s18 =	sld [smem:$0x3FC7]  }
0x92: {  	s4 =	sld [smem:$0x3FD0];
	(tm) =	ssettm $0x1  }
0x93: {  	s5 =	sld [smem:$0x3FFB];
	_ =	sdelay $0x3  }
0x94: {  	_ =	strace s5  }
0x95: {  	s5 =	sld [smem:$0x3FFC];
	_ =	sdelay $0x3  }
0x96: {  	_ =	strace s5  }
0x97: {  	s5 =	sld [smem:$0x3FFD];
	_ =	sdelay $0x3  }
0x98: {  	_ =	strace s5  }
0x99: {  	_ =	strace $0x8FFFFFFF  }
0x9a: {  	s19 =	sld [smem:$0x3FDB];
	_ =	sdelay $0x1  }
0x9b: {  	s6 =	simm.s32 $_scs_section_size  }
0x9c: {  	s7 =	simm.s32 $_size__tile_overlayer_lowered;
	s8 =	simm.s32 $_tile_overlayer_lowered  }
0x9d: {  	s22 =	simm.s32 $0x1BFF;
	s21 =	sshll.u32 s8, $0x1;
	s5 =	sadd.s32 s6, s19  }
0x9e: {  	s9 =	simm.s32 $0x0;
	s20 =	sshll.u32 s7, $0x1;
	s7 =	sadd.s32 s21, s5  }
0x9f: {  	[timem:s9], [sflag:s22] =	dma.local [hbm:s7], s20  }
0xa0: {  	_ =	swait.ge [sflag:s22], s20  }
0xa1: {  	s6 =	ssub.s32 $0x0, s20;
	[sflag:s22] =	ssyncset.done $0x0  }
0xa2: {  	[sflag:s22] =	ssyncadd.s32 s6;
	_ =	sdelay $0x1  }
0xa3: {  	s23 =	simm.s32 $0x1B8B  }
0xa4: {  	_ =	swait.ge [sflag:s23], $0x1  }
0xa5: {  	[sflag:s23] =	ssyncset.done $0x0  }
0xa6: {  	s25 =	simm.s32 $0x1B8E;
	s24 =	sld [smem:$0x3FFE];
	[sflag:s23] =	ssyncadd.s32 $0xFFFFFFFF  }
0xa7: {  	s26 =	simm.s32 $execute0_lowered;
	[smem:$0x3FD2] =	sst s25  }
0xa8: {  	s7 =	sshll.u32 s26, $0x1;
	_ =	strace $0x80000046;
	[dreg:$0x1] =	wrdreg $0xFFFFFFFF  }
0xa9: {  	s28 =	simm.s32 $_size_execute0_lowered;
	s5 =	sadd.s32 s5, s7;
	[dreg:$0x0] =	wrdreg $0x0  }
0xaa: {  	s7 =	sshll.u32 s28, $0x1;
	[dreg:$0x2] =	wrdreg s5  }
0xab: {  	[dreg:$0x3] =	wrdreg s7  }
0xac: {  	[dreg:$0x4] =	wrdreg $0xC0  }
0xad: {  	_ =	task [dreg:s9], $0x5FFFF  }
0xae: {  	[dreg:$0x1] =	wrdreg $0xFFFFFFFF  }
0xaf: {  	[dreg:$0x0] =	wrdreg $0x60  }
0xb0: {  	[dreg:$0x2] =	wrdreg s2  }
0xb1: {  	[dreg:$0x3] =	wrdreg s24  }
0xb2: {  	[dreg:$0x4] =	wrdreg s18  }
0xb3: {  	[dreg:$0x5] =	wrdreg s4  }
0xb4: {  	[dreg:$0x6] =	wrdreg $0x9  }
0xb5: {  	_ =	task.clear_ibuf [dreg:s9], $0x7FFFF;
	_ =	strace $0x90000046  }
0xb6: {  	s29 =	simm.s32 $0x9;
	_ =	strace $0x80000048  }
0xb7: {  	_ =	swait.ge [sflag:s29], $0x1  }
0xb8: {  	[sflag:s29] =	ssyncadd.s32 $0xFFFFFFFF  }
0xb9: {  	_ =	strace $0x90000048  }
0xba: {  	_ =	sfence  }
0xbb: {  	s30 =	sld [smem:$0x0];
	_ =	sdelay $0x2  }
0xbc: {  	s31 =	sshll.u32 s1, $0xD;
	s1 =	sshrl.u32 s1, $0x2  }
0xbd: {  	s3 =	sand.u32 $0x4000, s31;
	s1 =	sadd.s32 s1, s30  }
0xbe: {  	s0 =	sor.u32 s3, s0;
	s1 =	sshll.u32 s1, $0x11  }
0xbf: {  	s0 =	sor.u32 s1, s0  }
0xc0: {  	s0 =	sadd.s32 $0x8F2B, s0  }
0xc1: {  	[sflag:s0] =	ssyncadd.remote.s32 $0x1  }
0xc2: {  	_ =	sfence.sel $0xFFFF  }
0xc3: {  	[dreg:$0x0] =	wrdreg $0xFFFFFFFF;
	(pc) =	sbr.abs _section_cstart, $3  }
0xc4: {  	[dreg:$0x1] =	wrdreg $0xFFFFFFFF  }
0xc5: {  	_ =	task.clear_ibuf [dreg:s9], $0x2FFFF;
	_ =	strace $0x9FFFFFFF  }
0xc6: {  	(tm) =	ssettm $0x7FFFFFFF  }
0xc7: {  	_ =	shalt  }
tec
execute0_lowered:
.L_overlay_start_1:
0x0: {  	(tag) =	ssettag $0x1  }
0x1: {  	v0 =	vimm.s32 $0xB80;
	vm14 =	vcmask $0x300;
	vm13 =	vcmask $0x704  }
0x2: {  	vm12 =	vcmask $0xB08;
	vm11 =	vcmask $0xF0C;
	vm10 =	vcmask $0x1310  }
0x3: {  	vm9 =	vcmask $0x1714;
	vm8 =	vcmask $0x1B18;
	vm7 =	vcmask $0x1F1C  }
0x4: {  	vm6 =	vcmask $0x2320;
	vm5 =	vcmask $0x2724;
	vm4 =	vcmask $0x2B28  }
0x5: {  	vm3 =	vcmask $0x2F2C;
	vm2 =	vcmask $0x3330;
	vm1 =	vcmask $0x3734  }
0x6: {  	vm0 =	vcmask $0x3B38;
	v1 =	vimm.s32 $0x1B80;
	v2 =	vimm.s32 $0x2B80  }
0x7: {  	v3 =	vimm.s32 $0x3B80;
	v0 =	vsel vm14, $0x0, v0;
	v1 =	vsel vm14, $0x1000, v1  }
0x8: {  	v2 =	vsel vm14, $0x2000, v2;
	v3 =	vsel vm14, $0x3000, v3;
	v0 =	vsel vm13, $0x80, v0  }
0x9: {  	v1 =	vsel vm13, $0x1080, v1;
	v2 =	vsel vm13, $0x2080, v2;
	v3 =	vsel vm13, $0x3080, v3  }
0xa: {  	v0 =	vsel vm12, $0x100, v0;
	v1 =	vsel vm12, $0x1100, v1;
	v2 =	vsel vm12, $0x2100, v2  }
0xb: {  	v3 =	vsel vm12, $0x3100, v3;
	v0 =	vsel vm11, $0x180, v0;
	v1 =	vsel vm11, $0x1180, v1  }
0xc: {  	v2 =	vsel vm11, $0x2180, v2;
	v3 =	vsel vm11, $0x3180, v3;
	v0 =	vsel vm10, $0x200, v0  }
0xd: {  	s0 =	rddreg [dreg:$0x0];
	v1 =	vsel vm10, $0x1200, v1;
	v2 =	vsel vm10, $0x2200, v2;
	v3 =	vsel vm10, $0x3200, v3  }
0xe: {  	s1 =	rddreg [dreg:$0x1];
	v0 =	vsel vm9, $0x280, v0;
	v1 =	vsel vm9, $0x1280, v1;
	v2 =	vsel vm9, $0x2280, v2  }
0xf: {  	s2 =	rddreg [dreg:$0x3];
	s3 =	srdreg.scid;
	v3 =	vsel vm9, $0x3280, v3;
	v0 =	vsel vm8, $0x300, v0;
	v1 =	vsel vm8, $0x1300, v1  }
0x10: {  	s5 =	stileid.u32;
	s4 =	simm.s32 $0x0;
	s14 =	simm.s32 $0x40;
	v2 =	vsel vm8, $0x2300, v2;
	v3 =	vsel vm8, $0x3300, v3;
	v0 =	vsel vm7, $0x380, v0  }
0x11: {  	s15 =	simm.s32 $0x6400;
	s16 =	simm.s32 $0x7400;
	s18 =	simm.s32 $0x8400;
	v1 =	vsel vm7, $0x1380, v1;
	v2 =	vsel vm7, $0x2380, v2;
	v3 =	vsel vm7, $0x3380, v3  }
0x12: {  	s20 =	simm.s32 $0x9400;
	s22 =	simm.s32 $0x16800;
	s28 =	simm.s32 $0x3;
	v0 =	vsel vm6, $0x800, v0;
	v1 =	vsel vm6, $0x1800, v1;
	v2 =	vsel vm6, $0x2800, v2  }
0x13: {  	s29 =	simm.s32 $0x7;
	s30 =	simm.s32 $0x4;
	s31 =	simm.s32 $0x8;
	v3 =	vsel vm6, $0x3800, v3;
	v0 =	vsel vm5, $0x880, v0;
	v1 =	vsel vm5, $0x1880, v1  }
0x14: {  	s3 =	sand.u32 $0x1, s3;
	s5 =	sshll.u32 s5, $0xB;
	[smem:$0x7FF] =	sst s4;
	v2 =	vsel vm5, $0x2880, v2;
	v0 =	vsel vm4, $0x900, v0;
	v1 =	vsel vm4, $0x1900, v1  }
0x15: {  	s6 =	sshll.u32 s3, $0xA;
	_ =	strace $0x80000047;
	s3 =	ssub.s32 $0x2, s3;
	v3 =	vsel vm5, $0x3880, v3;
	v0 =	vsel vm3, $0x980, v0;
	v1 =	vsel vm3, $0x1980, v1  }
0x16: {  	s5 =	sor.u32 s6, s5;
	s6 =	sadd.s32 $0x400, s1;
	s23 =	sshrl.u32 s3, $0x1;
	v2 =	vsel vm4, $0x2900, v2;
	v0 =	vsel vm2, $0xA00, v0;
	v1 =	vsel vm2, $0x1A00, v1  }
0x17: {  	s7 =	sshrl.u32 s5, $0x3;
	s1 =	ssub.s32 s3, s23;
	s23 =	simm.s32 $0x1;
	v3 =	vsel vm4, $0x3900, v3;
	v0 =	vsel vm1, $0xA80, v0;
	v4 =	vsel vm1, $0x1A80, v1  }
0x18: {  	s3 =	simm.s32 $0x6;
	s8 =	sadd.s32 s7, s2;
	s0 =	sadd.s32 s0, s7;
	v1 =	vsel vm3, $0x2980, v2;
	v2 =	vsel vm3, $0x3980, v3;
	v3 =	vlaneseq.u32  }
0x19: {  	s26 =	smax.u32 s1, $0x1;
	s1 =	simm.s32 $0x5;
	[dreg:$0x5] =	wrdreg s0;
	v0 =	vsel vm0, $0xB00, v0;
	v1 =	vsel vm2, $0x2A00, v1;
	v2 =	vsel vm2, $0x3A00, v2  }
0x1a: {  	s7 =	simm.s32 $0x0;
	s24 =	sadd.s32 $0x630000, s8;
	[dreg:$0x8] =	wrdreg s26;
	v5 =	vsel vm1, $0x2A80, v1;
	v6 =	vsel vm1, $0x3A80, v2;
	v1 =	vmul.u32 $0x88, v3  }
0x1b: {  	s25 =	sadd.s32 $0x638000, s8;
	s26 =	simm.s32 $0x14600;
	[dreg:$0x6] =	wrdreg s24;
	v2 =	vsel vm0, $0x1B00, v4;
	v3 =	vsel vm0, $0x2B00, v5;
	v4 =	vsel vm0, $0x3B00, v6  }
0x1c: {  	[dreg:$0x7] =	wrdreg s25;
	s24 =	simm.s32 $0x12400;
	s25 =	simm.s32 $0x2;
	v5 =	vadd.s32 $0x880, v1;
	v6 =	vadd.s32 $0x1100, v1;
	v7 =	vadd.s32 $0x1980, v1  }
.LBB2_1:
0x1d: {  	s0 =	rddreg [dreg:$0x5];
	s12 =	simm.s32 $0x400;
	s8 =	simm.s32 $0x8000  }
0x1e: {  	[tilespmem:s4], [sflag:$0x9] =	stream.strided.gather [hbm4b:s0+s12], $0x6400, s8, s12, $0x38;
	[tilespmem:$0x1DA00] =	vst v63  }
0x1f: {  	[dreg:$0x9] =	wrdreg s7;
	s8 =	simm.s32 $0x9  }
0x20: {  	_ =	swait.ge [sflag:s8], $0x6400  }
0x21: {  	[sflag:s8] =	ssyncset.done $0x0  }
0x22: {  	[sflag:s8] =	ssyncadd.s32 $0xFFFF9C00  }
0x23: {  	[tilespmem:s15], [sflag:$0x1] =	stream.indirect.gather [hbm4b:s6+s14], $0x40, s4, s14, $0xb8;
	[tilespmem:$0x1DA00] =	vst v63  }
0x24: {  	_ = 	snop  }
0x25: {  	[tilespmem:s16], [sflag:$0x1] =	stream.indirect.gather [hbm4b:s6+s14], $0x40, s14, s14, $0xb8;
	[tilespmem:$0x1DA00] =	vst v63  }
0x26: {  	s13 =	simm.s32 $0x80  }
0x27: {  	[tilespmem:s18], [sflag:$0x2] =	stream.indirect.gather [hbm4b:s6+s14], $0x40, s13, s14, $0xb8;
	[tilespmem:$0x1DA00] =	vst v63  }
0x28: {  	s17 =	simm.s32 $0xC0  }
0x29: {  	[tilespmem:s20], [sflag:$0x2] =	stream.indirect.gather [hbm4b:s6+s14], $0x40, s17, s14, $0xb8;
	[tilespmem:$0x1DA00] =	vst v63  }
0x2a: {  	s19 =	simm.s32 $0x100;
	s21 =	simm.s32 $0xA400  }
0x2b: {  	[tilespmem:s21], [sflag:$0x3] =	stream.indirect.gather [hbm4b:s6+s14], $0x40, s19, s14, $0xb8;
	[tilespmem:$0x1DA00] =	vst v63  }
0x2c: {  	s9 =	simm.s32 $0x140;
	s10 =	simm.s32 $0xB400  }
0x2d: {  	[tilespmem:s10], [sflag:$0x3] =	stream.indirect.gather [hbm4b:s6+s14], $0x40, s9, s14, $0xb8;
	[tilespmem:$0x1DA00] =	vst v63  }
0x2e: {  	s11 =	simm.s32 $0x180;
	s12 =	simm.s32 $0xC400  }
0x2f: {  	[tilespmem:s12], [sflag:$0x4] =	stream.indirect.gather [hbm4b:s6+s14], $0x40, s11, s14, $0xb8;
	[tilespmem:$0x1DA00] =	vst v63  }
0x30: {  	s13 =	simm.s32 $0x1C0;
	s17 =	simm.s32 $0xD400  }
0x31: {  	[tilespmem:s17], [sflag:$0x4] =	stream.indirect.gather [hbm4b:s6+s14], $0x40, s13, s14, $0xb8;
	[tilespmem:$0x1DA00] =	vst v63  }
0x32: {  	s7 =	simm.s32 $0x240;
	s19 =	simm.s32 $0x200;
	s21 =	simm.s32 $0xE400  }
0x33: {  	[tilespmem:s21], [sflag:$0x5] =	stream.indirect.gather [hbm4b:s6+s14], $0x40, s19, s14, $0xb8;
	[tilespmem:$0x1DA00] =	vst v63  }
0x34: {  	s9 =	simm.s32 $0xF400;
	s10 =	simm.s32 $0x280;
	s17 =	simm.s32 $0x0  }
0x35: {  	[tilespmem:s9], [sflag:$0x5] =	stream.indirect.gather [hbm4b:s6+s14], $0x40, s7, s14, $0xb8;
	[tilespmem:$0x1DA00] =	vst v63  }
0x36: {  	v8 =	vmov s4;
	s11 =	simm.s32 $0x10400;
	s12 =	simm.s32 $0x2C0;
	s0 =	sand.u32 $0xFFFFFC00, s17  }
0x37: {  	v9 =	vand.u32 $0x78, v8;
	[tilespmem:s11], [sflag:$0x6] =	stream.indirect.gather [hbm4b:s6+s14], $0x40, s10, s14, $0xb8;
	[tilespmem:$0x1DA00] =	vst v63  }
0x38: {  	v8 =	vand.u32 $0x7, v8;
	s13 =	simm.s32 $0x11400;
	s19 =	rddreg [dreg:$0x2];
	v9 =	vor.u32 s0, v9;
	s21 =	simm.s32 $0x1  }
0x39: {  	v10 =	vor.u32 v8, v9;
	[tilespmem:s13], [sflag:$0x6] =	stream.indirect.gather [hbm4b:s6+s14], $0x40, s12, s14, $0xb8;
	[tilespmem:$0x1DA00] =	vst v63  }
0x3a: {  	s9 =	simm.s32 $0x800;
	v8 =	vor.u32 v0, v10;
	s7 =	simm.s32 $0x8;
	s10 =	simm.s32 $0x1000  }
0x3b: {  	v9 =	vmov s21;
	[tilespmem:s22], [sflag:$0x9] =	stream.strided.gather [hbm4b:s19+s9], $0x4000, s10, s9, $0x38;
	[tilespmem:$0x1DA00] =	vst v63  }
0x3c: {  	v11 =	vand.u32 $0x78, v9;
	s0 =	sand.u32 $0xFFFFFC00, s7;
	_ =	swait.ge [sflag:s8], $0x4000  }
0x3d: {  	v9 =	vand.u32 $0x7, v9;
	v11 =	vor.u32 s0, v11;
	[sflag:s8] =	ssyncset.done $0x0  }
0x3e: {  	v12 =	vor.u32 v9, v11;
	[sflag:s8] =	ssyncadd.s32 $0xFFFFC000  }
0x3f: {  	v9 =	vor.u32 v0, v12;
	s9 =	simm.s32 $0x2;
	v11 =	vld.idx.msk [tilespmem:v8+s22+$0x0], $0xffff  }
0x40: {  	v13 =	vor.u32 v2, v10;
	s10 =	simm.s32 $0x10;
	v8 =	vmov s9  }
0x41: {  	s0 =	sand.u32 $0xFFFFFC00, s10;
	v14 =	vand.u32 $0x78, v8  }
0x42: {  	v8 =	vand.u32 $0x7, v8;
	v14 =	vor.u32 s0, v14  }
0x43: {  	s7 =	simm.s32 $0x1A820;
	v8 =	vor.u32 v8, v14  }
0x44: {  	s11 =	simm.s32 $0x3;
	v14 =	vld.idx.msk [tilespmem:v9+s22+$0x0], $0xffff;
	v15 =	vor.u32 v0, v8;
	[tilespmem:s7+$0xFFFFFFE0] =	vst v11  }
0x45: {  	s12 =	simm.s32 $0x18;
	v9 =	vmov s11;
	v11 =	vor.u32 v2, v12;
	v13 =	vld.idx.msk [tilespmem:v13+s22+$0x0], $0xffff  }
0x46: {  	v17 =	vor.u32 v3, v10;
	s0 =	sand.u32 $0xFFFFFC00, s12;
	v16 =	vand.u32 $0x78, v9  }
0x47: {  	v9 =	vand.u32 $0x7, v9;
	v16 =	vor.u32 s0, v16  }
0x48: {  	s10 =	simm.s32 $0x1A860;
	v9 =	vor.u32 v9, v16  }
0x49: {  	s13 =	simm.s32 $0x4;
	[tilespmem:s10+$0xFFFFFFE0] =	vst v14;
	v14 =	vor.u32 v0, v9;
	v15 =	vld.idx.msk [tilespmem:v15+s22+$0x0], $0xffff  }
0x4a: {  	s17 =	simm.s32 $0x20;
	v18 =	vmov s13;
	v16 =	vor.u32 v2, v8;
	v11 =	vld.idx.msk [tilespmem:v11+s22+$0x0], $0xffff;
	[tilespmem:s7+$0xFFFFFFF0] =	vst v13  }
0x4b: {  	v19 =	vand.u32 $0x78, v18;
	s0 =	sand.u32 $0xFFFFFC00, s17;
	v13 =	vor.u32 v3, v12;
	v17 =	vld.idx.msk [tilespmem:v17+s22+$0x0], $0xffff  }
0x4c: {  	v20 =	vor.u32 v4, v10;
	v18 =	vand.u32 $0x7, v18;
	v19 =	vor.u32 s0, v19  }
0x4d: {  	s11 =	simm.s32 $0x1A8A0;
	v10 =	vor.u32 v18, v19  }
0x4e: {  	v14 =	vld.idx.msk [tilespmem:v14+s22+$0x0], $0xffff;
	[tilespmem:s11+$0xFFFFFFE0] =	vst v15;
	v15 =	vor.u32 v0, v10  }
0x4f: {  	s19 =	simm.s32 $0x5;
	v19 =	vor.u32 v2, v9;
	v18 =	vld.idx.msk [tilespmem:v16+s22+$0x0], $0xffff;
	[tilespmem:s10+$0xFFFFFFF0] =	vst v11  }
0x50: {  	s21 =	simm.s32 $0x28;
	v16 =	vmov s19;
	v21 =	vld.idx.msk [tilespmem:v13+s22+$0x0], $0xffff;
	v13 =	vor.u32 v3, v8;
	[tilespmem:s7+$0x0] =	vst v17  }
0x51: {  	s0 =	sand.u32 $0xFFFFFC00, s21;
	v12 =	vor.u32 v4, v12;
	v17 =	vand.u32 $0x78, v16;
	v11 =	vld.idx.msk [tilespmem:v20+s22+$0x0], $0xffff  }
0x52: {  	s12 =	simm.s32 $0x1A8E0;
	v20 =	vand.u32 $0x7, v16;
	v17 =	vor.u32 s0, v17  }
0x53: {  	[tilespmem:s12+$0xFFFFFFE0] =	vst v14;
	v16 =	vld.idx.msk [tilespmem:v15+s22+$0x0], $0xffff;
	v14 =	vor.u32 v20, v17  }
0x54: {  	v15 =	vld.idx.msk [tilespmem:v19+s22+$0x0], $0xffff;
	[tilespmem:s11+$0xFFFFFFF0] =	vst v18;
	v18 =	vor.u32 v0, v14  }
0x55: {  	s0 =	simm.s32 $0x6;
	v17 =	vor.u32 v2, v10;
	v13 =	vld.idx.msk [tilespmem:v13+s22+$0x0], $0xffff;
	[tilespmem:s10+$0x0] =	vst v21  }
.LBB2_2:
0x56: {  	v19 =	vmov s0;
	s8 =	sshll.u32 s0, $0x3;
	p0 =	sne.s32 s0, $0xC7;
	s0 =	sadd.s32 $0x1, s0;
	v20 =	vor.u32 v3, v9;
	[tilespmem:s7+$0x10] =	vst v11;
	v11 =	vld.idx.msk [tilespmem:v12+s22+$0x0], $0xffff  }
.Ltmp0:
0x57: {  	v12 =	vor.u32 v4, v8;
	v8 =	vmovc v9;
	v9 =	vmovc v10;
	v10 =	vmov v14;
	s7 =	smov.u32 s10;
	v21 =	vand.u32 $0x78, v19;
	s8 =	sand.u32 $0xFFFFFC00, s8;
	(pc) =	sbr.rel @p0 .LBB2_2-.Ltmp0, $4  }
0x58: {  	s10 =	smov.u32 s11;
	s11 =	smov.u32 s12;
	s12 =	sadd.s32 $0x40, s12;
	v14 =	vand.u32 $0x7, v19;
	v19 =	vor.u32 s8, v21  }
0x59: {  	v14 =	vor.u32 v14, v19;
	[tilespmem:s12+$0xFFFFFFE0] =	vst v16;
	v16 =	vld.idx.msk [tilespmem:v18+s22+$0x0], $0xffff  }
0x5a: {  	v18 =	vor.u32 v0, v14;
	[tilespmem:s11+$0xFFFFFFF0] =	vst v15;
	v15 =	vld.idx.msk [tilespmem:v17+s22+$0x0], $0xffff  }
0x5b: {  	v17 =	vor.u32 v2, v10;
	[tilespmem:s10+$0x0] =	vst v13;
	v13 =	vld.idx.msk [tilespmem:v20+s22+$0x0], $0xffff  }
0x5c: {  	_ =	sdelay $0x3  }
0x5d: {  	v18 =	vld.idx.msk [tilespmem:v18+s22+$0x0], $0xffff  }
0x5e: {  	v19 =	vor.u32 v2, v14;
	_ =	sdelay $0x1  }
0x5f: {  	s0 =	sadd.s32 $0x40, s12  }
0x60: {  	s8 =	sadd.s32 $0x40, s0;
	[tilespmem:s0+$0xFFFFFFE0] =	vst v16  }
0x61: {  	v56 =	vor.u32 v3, v9;
	v17 =	vld.idx.msk [tilespmem:v17+s22+$0x0], $0xffff;
	[tilespmem:s8+$0xFFFFFFE0] =	vst v18  }
0x62: {  	v57 =	vor.u32 v3, v10;
	v19 =	vld.idx.msk [tilespmem:v19+s22+$0x0], $0xffff  }
0x63: {  	v20 =	vor.u32 v3, v14;
	_ =	sdelay $0x1  }
0x64: {  	[tilespmem:s12+$0xFFFFFFF0] =	vst v15  }
0x65: {  	v8 =	vor.u32 v4, v8;
	v15 =	vld.idx.msk [tilespmem:v56+s22+$0x0], $0xffff;
	[tilespmem:s0+$0xFFFFFFF0] =	vst v17  }
0x66: {  	v58 =	vor.u32 v4, v9;
	v59 =	vld.idx.msk [tilespmem:v57+s22+$0x0], $0xffff;
	[tilespmem:s8+$0xFFFFFFF0] =	vst v19  }
0x67: {  	v60 =	vor.u32 v4, v10;
	v61 =	vld.idx.msk [tilespmem:v20+s22+$0x0], $0xffff  }
0x68: {  	v62 =	vor.u32 v4, v14  }
0x69: {  	v12 =	vld.idx.msk [tilespmem:v12+s22+$0x0], $0xffff;
	[tilespmem:s11+$0x0] =	vst v13  }
0x6a: {  	v8 =	vld.idx.msk [tilespmem:v8+s22+$0x0], $0xffff;
	[tilespmem:s12+$0x0] =	vst v15  }
0x6b: {  	v9 =	vld.idx.msk [tilespmem:v58+s22+$0x0], $0xffff;
	[tilespmem:s0+$0x0] =	vst v59  }
0x6c: {  	v10 =	vld.idx.msk [tilespmem:v60+s22+$0x0], $0xffff;
	[tilespmem:s8+$0x0] =	vst v61  }
0x6d: {  	[tilespmem:s7+$0x10] =	vst v11;
	v63 =	vld.idx.msk [tilespmem:v62+s22+$0x0], $0xffff  }
0x6e: {  	[tilespmem:s10+$0x10] =	vst v12  }
0x6f: {  	[tilespmem:s11+$0x10] =	vst v8  }
0x70: {  	[tilespmem:s12+$0x10] =	vst v9  }
0x71: {  	[tilespmem:s0+$0x10] =	vst v10  }
0x72: {  	s11 =	simm.s32 $0x0;
	s12 =	simm.s32 $0x0;
	[tilespmem:s8+$0x10] =	vst v63  }
.LBB2_4:
0x73: {  	_ =	swait.ge [sflag:s23], $0x2000  }
0x74: {  	p0 =	seq.s32 s12, $0x0;
	[sflag:s23] =	ssyncset.done $0x0  }
0x75: {  	s0 =	simm.s32 @!p0 $0x7;
	[sflag:s23] =	ssyncadd.s32 $0xFFFFE000  }
0x76: {  	s7 =	smul.u32 $0x600, s12;
	_ =	swait.ge @!p0 [sflag:s0], $0x2000  }
0x77: {  	[sflag:s0] =	ssyncset.done @!p0 $0x0  }
0x78: {  	s7 =	sshra.s32 s7, $0x2;
	[sflag:s0] =	ssyncadd.s32 @!p0 $0xFFFFE000  }
0x79: {  	s19 =	simm.s32 $0x6420;
	v23 =	vld [tilespmem:s7+$0x1A800]  }
0x7a: {  	v8 =	vmov s11;
	p5 =	por $0x1, $0x1;
	v12 =	vld [tilespmem:s19+$0xFFFFFFE0]  }
.Ltmp1:
0x7b: {  	v11 =	vand.u32 $0x7F, v8;
	v8 =	vld [tilespmem:s7+$0x1A830];
	(pc) =	sbr.rel @!p5 .LBB2_5-.Ltmp1, $4  }
0x7c: {  	_ = 	snop  }
0x7d: {  	s17 =	smul.u32 $0x6, s12;
	v10 =	vld [tilespmem:s7+$0x1A810]  }
0x7e: {  	s21 =	simm.s32 $0x6460;
	p1 =	por $0x0, $0x0;
	p2 =	por $0x0, $0x0  }
0x7f: {  	p3 =	por $0x0, $0x0;
	p4 =	por $0x0, $0x0;
	v13 =	vadd.s32 v1, v11;
	s0 =	simm.s32 $0x1;
	v9 =	vld [tilespmem:s7+$0x1A820];
	v18 =	vadd.f32 v12, v23  }
0x80: {  	v12 =	vld [tilespmem:s21+$0xFFFFFFE0];
	p5 =	por $0x1, $0x1  }
.Ltmp2:
0x81: {  	_ = 	snop;
	(pc) =	sbr.rel @!p5 .LBB2_7-.Ltmp2, $4  }
0x82: {  	_ = 	snop  }
0x83: {  	v14 =	vmov s0  }
0x84: {  	v16 =	vand.u32 $0x7F, v14;
	[tilespmem:v13+s24+$0x0] =	vst.idx.msk $0xffff, v18  }
0x85: {  	s0 =	simm.s32 $0x2;
	s7 =	simm.s32 $0x64A0;
	v17 =	vadd.s32 v5, v11;
	p1 =	por $0x1, $0x1;
	v13 =	vadd.s32 v1, v16;
	v15 =	vld [tilespmem:s19+$0xFFFFFFF0];
	v18 =	vadd.f32 v12, v23  }
0x86: {  	_ =	sdelay $0x1  }
0x87: {  	v12 =	vld [tilespmem:s7+$0xFFFFFFE0];
	p5 =	por $0x1, $0x1  }
.Ltmp3:
0x88: {  	_ = 	snop;
	(pc) =	sbr.rel @!p5 .LBB2_9-.Ltmp3, $4  }
0x89: {  	v14 =	vadd.f32 v15, v10  }
0x8a: {  	[tilespmem:v13+s24+$0x0] =	vst.idx.msk $0xffff, v18;
	v15 =	vmov s0  }
0x8b: {  	v26 =	vand.u32 $0x7F, v15;
	v15 =	vld [tilespmem:s21+$0xFFFFFFF0];
	[tilespmem:v17+s24+$0x0] =	vst.idx.msk $0xffff, v14  }
0x8c: {  	s10 =	simm.s32 $0x64E0;
	p2 =	por $0x1, $0x1;
	s0 =	simm.s32 $0x3;
	v18 =	vadd.f32 v12, v23;
	v13 =	vadd.s32 v1, v26;
	v17 =	vadd.s32 v5, v16;
	v25 =	vld [tilespmem:s19+$0x0]  }
0x8d: {  	_ = 	snop  }
0x8e: {  	v14 =	vld [tilespmem:s10+$0xFFFFFFE0];
	p5 =	por $0x1, $0x1  }
.Ltmp4:
0x8f: {  	_ = 	snop;
	(pc) =	sbr.rel @!p5 .LBB2_11-.Ltmp4, $4  }
0x90: {  	v12 =	vmov s0;
	v19 =	vadd.f32 v15, v10  }
0x91: {  	v12 =	vand.u32 $0x7F, v12;
	[tilespmem:v13+s24+$0x0] =	vst.idx.msk $0xffff, v18  }
0x92: {  	v22 =	vadd.s32 v6, v11;
	v13 =	vadd.s32 v1, v12;
	v15 =	vld [tilespmem:s7+$0xFFFFFFF0];
	[tilespmem:v17+s24+$0x0] =	vst.idx.msk $0xffff, v19  }
0x93: {  	s8 =	simm.s32 $0x4;
	s0 =	simm.s32 $0x6520;
	p3 =	por $0x1, $0x1;
	v21 =	vadd.f32 v25, v9;
	v18 =	vadd.f32 v14, v23;
	v17 =	vadd.s32 v5, v26;
	v27 =	vld [tilespmem:s21+$0x0]  }
0x94: {  	_ =	sdelay $0x3  }
0x95: {  	v25 =	vld [tilespmem:s0+$0xFFFFFFE0];
	v14 =	vmov s8;
	p5 =	por $0x1, $0x1;
	[tilespmem:v22+s24+$0x0] =	vst.idx.msk $0xffff, v21  }
.Ltmp5:
0x96: {  	v20 =	vadd.s32 v6, v16;
	v30 =	vand.u32 $0x7F, v14;
	v14 =	vld [tilespmem:s19+$0x10];
	(pc) =	sbr.rel @!p5 .LBB2_13-.Ltmp5, $4  }
0x97: {  	[tilespmem:v13+s24+$0x0] =	vst.idx.msk $0xffff, v18;
	v13 =	vadd.s32 v1, v30;
	v24 =	vadd.f32 v15, v10  }
0x98: {  	v19 =	vadd.s32 v7, v11;
	v15 =	vld [tilespmem:s10+$0xFFFFFFF0]  }
0x99: {  	s8 =	simm.s32 $0x5;
	[tilespmem:v17+s24+$0x0] =	vst.idx.msk $0xffff, v24;
	v24 =	vadd.f32 v27, v9  }
0x9a: {  	s9 =	simm.s32 $0x6560;
	p4 =	por $0x1, $0x1;
	s13 =	simm.s32 $0x6460;
	v28 =	vmov v16;
	v18 =	vadd.f32 v25, v23;
	v17 =	vadd.s32 v5, v12;
	v25 =	vld [tilespmem:s7+$0x0]  }
.LBB2_14:
0x9b: {  	v29 =	vmov s8;
	v31 =	vld [tilespmem:s9+$0xFFFFFFE0];
	[tilespmem:v20+s24+$0x0] =	vst.idx.msk $0xffff, v24;
	v24 =	vadd.f32 v14, v8;
	p5 =	sne.s32 s8, $0x7F  }
.Ltmp6:
0x9c: {  	s8 =	sadd.s32 $0x1, s8;
	v20 =	vadd.s32 v6, v26;
	v29 =	vand.u32 $0x7F, v29;
	[tilespmem:v13+s24+$0x0] =	vst.idx.msk $0xffff, v18;
	v14 =	vld [tilespmem:s13+$0x10];
	(pc) =	sbr.rel @p5 .LBB2_14-.Ltmp6, $4  }
0x9d: {  	s13 =	smov.u32 s7;
	s7 =	smov.u32 s10;
	s10 =	smov.u32 s0;
	v13 =	vadd.s32 v1, v29;
	v18 =	vadd.f32 v15, v10;
	[tilespmem:v19+s24+$0x0] =	vst.idx.msk $0xffff, v24  }
0x9e: {  	s0 =	smov.u32 s9;
	v19 =	vadd.s32 v7, v28;
	v28 =	vmovc v26;
	v26 =	vmovc v12;
	v12 =	vmov v30;
	v30 =	vmov v29;
	v15 =	vld [tilespmem:s10+$0xFFFFFFF0]  }
0x9f: {  	[tilespmem:v17+s24+$0x0] =	vst.idx.msk $0xffff, v18;
	v24 =	vadd.f32 v25, v9  }
0xa0: {  	s9 =	sadd.s32 $0x40, s9;
	v17 =	vadd.s32 v5, v12;
	v18 =	vadd.f32 v31, v23;
	v25 =	vld [tilespmem:s7+$0x0]  }
0xa1: {  	s8 =	smov.u32 s10;
	v29 =	vmov v12;
	v23 =	vmov v26;
	s10 =	smov.u32 s0;
	v12 =	vmov v30  }
.LBB2_16:
0xa2: {  	_ =	sdelay $0x3  }
0xa3: {  	[tilespmem:v13+s24+$0x0] =	vst.idx.msk $0xffff, v18  }
0xa4: {  	v13 =	vld [tilespmem:s10+$0xFFFFFFF0];
	v15 =	vadd.f32 @p1 v15, v10;
	_ =	sdelay $0x1  }
0xa5: {  	v58 =	vadd.s32 v5, v12;
	s0 =	smov.u32 @p1 s8;
	[tilespmem:v17+s24+$0x0] =	vst.idx.msk @p1 $0xffff, v15  }
0xa6: {  	v15 =	vld @p1 [tilespmem:s0+$0x0];
	_ =	sdelay $0x1  }
0xa7: {  	v17 =	vmov @p1 v29;
	v59 =	vadd.f32 v13, v10;
	v13 =	vadd.s32 @p2 v6, v23  }
0xa8: {  	v16 =	vpsel p1, v17, v16;
	v13 =	vpsel p2, v13, v22  }
0xa9: {  	v17 =	vadd.s32 @p1 v6, v16;
	[tilespmem:v58+s24+$0x0] =	vst.idx.msk $0xffff, v59  }
0xaa: {  	v18 =	vadd.f32 @p2 v25, v9;
	v17 =	vpsel p1, v17, v0;
	v10 =	vld [tilespmem:s10+$0x0];
	v15 =	vpsel p1, v15, v27  }
0xab: {  	v15 =	vadd.f32 @p1 v15, v9  }
0xac: {  	v60 =	vadd.s32 v6, v12;
	[tilespmem:v20+s24+$0x0] =	vst.idx.msk @p3 $0xffff, v24;
	v18 =	vpsel p2, v18, v21  }
0xad: {  	s21 =	smov.u32 @p1 s0;
	[tilespmem:v13+s24+$0x0] =	vst.idx.msk @p2 $0xffff, v18;
	v13 =	vpsel p1, v15, v0  }
0xae: {  	s19 =	smov.u32 @p2 s7;
	v20 =	vld @p3 [tilespmem:s13+$0x10];
	s0 =	smov.u32 @p1 s21  }
0xaf: {  	s0 =	smov.u32 @p1 s0;
	v15 =	vadd.s32 @p3 v7, v28;
	v18 =	vmov @p2 v23;
	v21 =	vld @p2 [tilespmem:s19+$0x10];
	[tilespmem:v17+s24+$0x0] =	vst.idx.msk @p1 $0xffff, v13;
	v61 =	vadd.f32 v10, v9  }
0xb0: {  	v11 =	vpsel p2, v18, v11;
	v10 =	vpsel p3, v15, v0;
	v15 =	vld @p1 [tilespmem:s0+$0x10];
	v13 =	vmov @p1 v16  }
0xb1: {  	v11 =	vadd.s32 @p2 v7, v11;
	v13 =	vpsel p1, v13, v0;
	[tilespmem:v60+s24+$0x0] =	vst.idx.msk $0xffff, v61  }
0xb2: {  	v9 =	vpsel p2, v11, v0;
	v11 =	vadd.s32 @p1 v7, v13;
	v62 =	vld [tilespmem:s10+$0x10]  }
0xb3: {  	v14 =	vadd.f32 @p4 v14, v8;
	v16 =	vpsel p3, v20, v0;
	v11 =	vpsel p1, v11, v0  }
0xb4: {  	v63 =	vadd.s32 v7, v12;
	v16 =	vadd.f32 @p3 v16, v8;
	v17 =	vpsel p2, v21, v0  }
0xb5: {  	[tilespmem:v19+s24+$0x0] =	vst.idx.msk @p4 $0xffff, v14;
	v14 =	vadd.f32 @p2 v17, v8;
	v15 =	vpsel p1, v15, v0  }
0xb6: {  	s10 =	smul.u32 $0xC00, s12;
	[tilespmem:v10+s24+$0x0] =	vst.idx.msk @p3 $0xffff, v16;
	v10 =	vadd.f32 @p1 v15, v8  }
0xb7: {  	s21 =	smul.u32 $0x180000, s12;
	[tilespmem:v9+s24+$0x0] =	vst.idx.msk @p2 $0xffff, v14;
	v8 =	vadd.f32 v62, v8  }
0xb8: {  	s19 =	sshra.s32 s10, $0x2;
	[tilespmem:v11+s24+$0x0] =	vst.idx.msk @p1 $0xffff, v10  }
0xb9: {  	s7 =	sor.u32 s5, s21;
	s0 =	sadd.s32 $0x300, s19;
	[tilespmem:v63+s24+$0x0] =	vst.idx.msk $0xffff, v8  }
0xba: {  	[tilespmem:s15], [sflag:$0x1] =	stream.indirect.gather [hbm4b:s6+s14], $0x40, s0, s14, $0xb8;
	[tilespmem:$0x1DA00] =	vst v63  }
0xbb: {  	s13 =	sadd.s32 $0x340, s19;
	s0 =	sshrl.u32 s7, $0x3  }
0xbc: {  	[tilespmem:s16], [sflag:$0x1] =	stream.indirect.gather [hbm4b:s6+s14], $0x40, s13, s14, $0xb8;
	[tilespmem:$0x1DA00] =	vst v63  }
0xbd: {  	s8 =	simm.s32 $0x12400;
	s7 =	sadd.s32 s2, s0  }
0xbe: {  	[hbm4b:s7+s4] =	stream.linear.scatter [tilespmem:s8], [sflag:$0x7], $0x80, $0x38;
	[tilespmem:$0x1DA00] =	vst v63  }
0xbf: {  	s9 =	simm.s32 $0x12488;
	s10 =	sadd.s32 $0x10, s7  }
0xc0: {  	[hbm4b:s10+s4] =	stream.linear.scatter [tilespmem:s9], [sflag:$0x7], $0x80, $0x38;
	[tilespmem:$0x1DA00] =	vst v63  }
0xc1: {  	s0 =	simm.s32 $0x440;
	s13 =	simm.s32 $0x12510;
	s21 =	sadd.s32 $0x20, s7  }
0xc2: {  	[hbm4b:s21+s4] =	stream.linear.scatter [tilespmem:s13], [sflag:$0x7], $0x80, $0x38;
	[tilespmem:$0x1DA00] =	vst v63  }
0xc3: {  	s8 =	simm.s32 $0x2200;
	s9 =	simm.s32 $0x12598;
	s10 =	sadd.s32 $0x30, s7  }
0xc4: {  	[hbm4b:s10+s4] =	stream.linear.scatter [tilespmem:s9], [sflag:$0x7], $0x80, $0x38;
	[tilespmem:$0x1DA00] =	vst v63  }
0xc5: {  	s13 =	simm.s32 $0x12620;
	s21 =	sadd.s32 $0x40, s7;
	s9 =	simm.s32 $0x126A8  }
0xc6: {  	[hbm4b:s21+s4] =	stream.linear.scatter [tilespmem:s13], [sflag:$0x7], $0x80, $0x38;
	[tilespmem:$0x1DA00] =	vst v63  }
0xc7: {  	s10 =	sadd.s32 $0x50, s7;
	s13 =	simm.s32 $0x12730;
	s21 =	sadd.s32 $0x60, s7  }
0xc8: {  	[hbm4b:s10+s4] =	stream.linear.scatter [tilespmem:s9], [sflag:$0x7], $0x80, $0x38;
	[tilespmem:$0x1DA00] =	vst v63  }
0xc9: {  	s9 =	simm.s32 $0x127B8;
	s10 =	sadd.s32 $0x70, s7;
	s7 =	sadd.s32 $0x1000, s7  }
0xca: {  	[hbm4b:s21+s4] =	stream.linear.scatter [tilespmem:s13], [sflag:$0x7], $0x80, $0x38;
	[tilespmem:$0x1DA00] =	vst v63  }
.LBB2_17:
0xcb: {  	[hbm4b:s10+s4] =	stream.linear.scatter [tilespmem:s9], [sflag:$0x7], $0x80, $0x38;
	[tilespmem:$0x1DA00] =	vst v63  }
0xcc: {  	s9 =	smov.u32 s0;
	s0 =	smov.u32 s8  }
0xcd: {  	s13 =	sadd.s32 $0x1100, s8;
	s0 =	sshra.s32 s0, $0x2;
	s10 =	sadd.s32 $0x12400, s9  }
0xce: {  	[hbm4b:s7+s4] =	stream.linear.scatter [tilespmem:s10], [sflag:$0x7], $0x80, $0x38;
	[tilespmem:$0x1DA00] =	vst v63  }
0xcf: {  	p1 =	sne.s32 s8, $0x7700;
	s8 =	sadd.s32 $0x12488, s9;
	s10 =	sadd.s32 $0x10, s7  }
0xd0: {  	[hbm4b:s10+s4] =	stream.linear.scatter [tilespmem:s8], [sflag:$0x7], $0x80, $0x38;
	[tilespmem:$0x1DA00] =	vst v63  }
0xd1: {  	s8 =	sadd.s32 $0x12510, s9;
	s10 =	sadd.s32 $0x20, s7  }
0xd2: {  	[hbm4b:s10+s4] =	stream.linear.scatter [tilespmem:s8], [sflag:$0x7], $0x80, $0x38;
	[tilespmem:$0x1DA00] =	vst v63  }
0xd3: {  	s8 =	sadd.s32 $0x12598, s9;
	s10 =	sadd.s32 $0x30, s7  }
0xd4: {  	[hbm4b:s10+s4] =	stream.linear.scatter [tilespmem:s8], [sflag:$0x7], $0x80, $0x38;
	[tilespmem:$0x1DA00] =	vst v63  }
0xd5: {  	s8 =	sadd.s32 $0x12620, s9;
	s10 =	sadd.s32 $0x40, s7  }
0xd6: {  	[hbm4b:s10+s4] =	stream.linear.scatter [tilespmem:s8], [sflag:$0x7], $0x80, $0x38;
	[tilespmem:$0x1DA00] =	vst v63  }
.Ltmp7:
0xd7: {  	s8 =	sadd.s32 $0x126A8, s9;
	s10 =	sadd.s32 $0x50, s7;
	(pc) =	sbr.rel @p1 .LBB2_17-.Ltmp7, $4  }
0xd8: {  	[hbm4b:s10+s4] =	stream.linear.scatter [tilespmem:s8], [sflag:$0x7], $0x80, $0x38;
	[tilespmem:$0x1DA00] =	vst v63  }
0xd9: {  	s8 =	sadd.s32 $0x12730, s9;
	s10 =	sadd.s32 $0x60, s7;
	s9 =	sadd.s32 $0x127B8, s9  }
0xda: {  	[hbm4b:s10+s4] =	stream.linear.scatter [tilespmem:s8], [sflag:$0x7], $0x80, $0x38;
	[tilespmem:$0x1DA00] =	vst v63  }
0xdb: {  	s10 =	sadd.s32 $0x70, s7;
	s7 =	sadd.s32 $0x1000, s7;
	s8 =	smov.u32 s13  }
0xdc: {  	[hbm4b:s10+s4] =	stream.linear.scatter [tilespmem:s9], [sflag:$0x7], $0x80, $0x38;
	[tilespmem:$0x1DA00] =	vst v63  }
0xdd: {  	s8 =	sadd.s32 $0x12400, s0  }
0xde: {  	[hbm4b:s7+s4] =	stream.linear.scatter [tilespmem:s8], [sflag:$0x7], $0x80, $0x38;
	[tilespmem:$0x1DA00] =	vst v63  }
0xdf: {  	s9 =	sadd.s32 $0x12488, s0;
	s10 =	sadd.s32 $0x10, s7  }
0xe0: {  	[hbm4b:s10+s4] =	stream.linear.scatter [tilespmem:s9], [sflag:$0x7], $0x80, $0x38;
	[tilespmem:$0x1DA00] =	vst v63  }
0xe1: {  	s13 =	sadd.s32 $0x12510, s0;
	s21 =	sadd.s32 $0x20, s7  }
0xe2: {  	[hbm4b:s21+s4] =	stream.linear.scatter [tilespmem:s13], [sflag:$0x7], $0x80, $0x38;
	[tilespmem:$0x1DA00] =	vst v63  }
0xe3: {  	s9 =	sadd.s32 $0x12598, s0;
	s10 =	sadd.s32 $0x30, s7  }
0xe4: {  	[hbm4b:s10+s4] =	stream.linear.scatter [tilespmem:s9], [sflag:$0x7], $0x80, $0x38;
	[tilespmem:$0x1DA00] =	vst v63  }
0xe5: {  	s13 =	sadd.s32 $0x12620, s0;
	s21 =	sadd.s32 $0x40, s7  }
0xe6: {  	[hbm4b:s21+s4] =	stream.linear.scatter [tilespmem:s13], [sflag:$0x7], $0x80, $0x38;
	[tilespmem:$0x1DA00] =	vst v63  }
0xe7: {  	s9 =	sadd.s32 $0x126A8, s0;
	s10 =	sadd.s32 $0x50, s7  }
0xe8: {  	[hbm4b:s10+s4] =	stream.linear.scatter [tilespmem:s9], [sflag:$0x7], $0x80, $0x38;
	[tilespmem:$0x1DA00] =	vst v63  }
0xe9: {  	s13 =	sadd.s32 $0x12730, s0;
	s21 =	sadd.s32 $0x60, s7  }
0xea: {  	[hbm4b:s21+s4] =	stream.linear.scatter [tilespmem:s13], [sflag:$0x7], $0x80, $0x38;
	[tilespmem:$0x1DA00] =	vst v63  }
0xeb: {  	s9 =	sadd.s32 $0x127B8, s0;
	s10 =	sadd.s32 $0x70, s7  }
0xec: {  	[hbm4b:s10+s4] =	stream.linear.scatter [tilespmem:s9], [sflag:$0x7], $0x80, $0x38;
	[tilespmem:$0x1DA00] =	vst v63  }
0xed: {  	_ =	swait.ge [sflag:s25], $0x2000  }
0xee: {  	[sflag:s25] =	ssyncset.done $0x0  }
0xef: {  	s0 =	simm.s32 @!p0 $0x8;
	[sflag:s25] =	ssyncadd.s32 $0xFFFFE000  }
0xf0: {  	s7 =	sor.u32 $0x1, s17;
	_ =	swait.ge @!p0 [sflag:s0], $0x2000  }
0xf1: {  	s13 =	sshll.u32 s7, $0x6;
	[sflag:s0] =	ssyncset.done @!p0 $0x0  }
0xf2: {  	s21 =	sand.u32 $0x3FFFFFC0, s13;
	[sflag:s0] =	ssyncadd.s32 @!p0 $0xFFFFE000  }
0xf3: {  	s10 =	simm.s32 $0x0;
	s9 =	simm.s32 $0x8420;
	v11 =	vld [tilespmem:s21+$0x1A800]  }
0xf4: {  	v8 =	vmov s10;
	v9 =	vld [tilespmem:s9+$0xFFFFFFE0]  }
0xf5: {  	v16 =	vand.u32 $0x7F, v8  }
0xf6: {  	v12 =	vadd.s32 v1, v16;
	_ =	sdelay $0x1  }
0xf7: {  	s13 =	simm.s32 $0x1;
	s10 =	simm.s32 $0x8460;
	v13 =	vld [tilespmem:s21+$0x1A810]  }
0xf8: {  	v8 =	vmov s13;
	v14 =	vld [tilespmem:s10+$0xFFFFFFE0];
	v15 =	vadd.f32 v9, v11  }
0xf9: {  	v10 =	vld [tilespmem:s21+$0x1A820];
	v9 =	vand.u32 $0x7F, v8  }
0xfa: {  	v8 =	vld [tilespmem:s21+$0x1A830];
	v17 =	vadd.s32 v1, v9;
	[tilespmem:v12+s26+$0x0] =	vst.idx.msk $0xffff, v15  }
0xfb: {  	v15 =	vld [tilespmem:s9+$0xFFFFFFF0];
	_ =	sdelay $0x1  }
0xfc: {  	s13 =	simm.s32 $0x84A0;
	v18 =	vadd.s32 v5, v16;
	s21 =	simm.s32 $0x2;
	v14 =	vadd.f32 v14, v11  }
0xfd: {  	v19 =	vld [tilespmem:s13+$0xFFFFFFE0];
	v12 =	vmov s21  }
0xfe: {  	v12 =	vand.u32 $0x7F, v12;
	[tilespmem:v17+s26+$0x0] =	vst.idx.msk $0xffff, v14  }
0xff: {  	v14 =	vadd.s32 v1, v12;
	v17 =	vld [tilespmem:s10+$0xFFFFFFF0];
	v15 =	vadd.f32 v15, v13;
	_ =	sdelay $0x1  }
0x100: {  	[tilespmem:v18+s26+$0x0] =	vst.idx.msk $0xffff, v15  }
0x101: {  	s8 =	simm.s32 $0x3;
	v20 =	vadd.s32 v5, v9;
	s21 =	simm.s32 $0x84E0;
	v15 =	vadd.f32 v19, v11;
	v18 =	vld [tilespmem:s9+$0x0]  }
0x102: {  	v21 =	vld [tilespmem:s21+$0xFFFFFFE0];
	v19 =	vmov s8  }
0x103: {  	[tilespmem:v14+s26+$0x0] =	vst.idx.msk $0xffff, v15;
	v15 =	vadd.f32 v17, v13;
	v14 =	vand.u32 $0x7F, v19;
	v17 =	vadd.s32 v6, v16  }
0x104: {  	v22 =	vadd.s32 v1, v14  }
0x105: {  	v19 =	vld [tilespmem:s13+$0xFFFFFFF0]  }
0x106: {  	[tilespmem:v20+s26+$0x0] =	vst.idx.msk $0xffff, v15;
	v15 =	vadd.f32 v18, v10  }
0x107: {  	s0 =	simm.s32 $0x8520;
	v23 =	vadd.s32 v5, v12;
	s8 =	simm.s32 $0x4;
	v24 =	vld [tilespmem:s10+$0x0];
	v18 =	vadd.f32 v21, v11  }
0x108: {  	v25 =	vld [tilespmem:s0+$0xFFFFFFE0];
	v20 =	vmov s8;
	[tilespmem:v17+s26+$0x0] =	vst.idx.msk $0xffff, v15  }
0x109: {  	v15 =	vand.u32 $0x7F, v20;
	[tilespmem:v22+s26+$0x0] =	vst.idx.msk $0xffff, v18;
	v18 =	vadd.s32 v6, v9;
	v17 =	vld [tilespmem:s9+$0x10]  }
0x10a: {  	v19 =	vadd.f32 v19, v13;
	v20 =	vadd.s32 v1, v15  }
0x10b: {  	v16 =	vadd.s32 v7, v16;
	v21 =	vld [tilespmem:s21+$0xFFFFFFF0]  }
0x10c: {  	[tilespmem:v23+s26+$0x0] =	vst.idx.msk $0xffff, v19;
	v23 =	vadd.f32 v24, v10  }
0x10d: {  	s8 =	simm.s32 $0x5;
	v22 =	vadd.s32 v5, v14;
	s9 =	simm.s32 $0x8560;
	v24 =	vadd.f32 v25, v11;
	v19 =	vld [tilespmem:s13+$0x0]  }
.LBB2_19:
0x10e: {  	v25 =	vmov s8;
	v26 =	vld [tilespmem:s9+$0xFFFFFFE0];
	[tilespmem:v18+s26+$0x0] =	vst.idx.msk $0xffff, v23;
	v23 =	vadd.f32 v17, v8;
	p0 =	sne.s32 s8, $0x7F  }
.Ltmp8:
0x10f: {  	s8 =	sadd.s32 $0x1, s8;
	v18 =	vadd.s32 v6, v12;
	v25 =	vand.u32 $0x7F, v25;
	[tilespmem:v20+s26+$0x0] =	vst.idx.msk $0xffff, v24;
	v17 =	vld [tilespmem:s10+$0x10];
	(pc) =	sbr.rel @p0 .LBB2_19-.Ltmp8, $4  }
0x110: {  	s10 =	smov.u32 s13;
	s13 =	smov.u32 s21;
	s21 =	smov.u32 s0;
	v20 =	vadd.s32 v1, v25;
	v24 =	vadd.f32 v21, v13;
	[tilespmem:v16+s26+$0x0] =	vst.idx.msk $0xffff, v23  }
0x111: {  	s0 =	smov.u32 s9;
	v16 =	vadd.s32 v7, v9;
	v9 =	vmovc v12;
	v12 =	vmovc v14;
	v14 =	vmov v15;
	v15 =	vmov v25;
	v21 =	vld [tilespmem:s21+$0xFFFFFFF0]  }
0x112: {  	[tilespmem:v22+s26+$0x0] =	vst.idx.msk $0xffff, v24;
	v23 =	vadd.f32 v19, v10  }
0x113: {  	s9 =	sadd.s32 $0x40, s9;
	v22 =	vadd.s32 v5, v14;
	v24 =	vadd.f32 v26, v11;
	v19 =	vld [tilespmem:s13+$0x0]  }
0x114: {  	_ =	sdelay $0x3  }
0x115: {  	[tilespmem:v20+s26+$0x0] =	vst.idx.msk $0xffff, v24  }
0x116: {  	v11 =	vld [tilespmem:s0+$0xFFFFFFF0];
	_ =	sdelay $0x1  }
0x117: {  	v53 =	vadd.s32 v5, v15;
	_ =	sdelay $0x1  }
0x118: {  	v21 =	vadd.f32 v21, v13  }
0x119: {  	v11 =	vadd.f32 v11, v13  }
0x11a: {  	[tilespmem:v22+s26+$0x0] =	vst.idx.msk $0xffff, v21  }
0x11b: {  	v54 =	vld [tilespmem:s21+$0x0];
	[tilespmem:v53+s26+$0x0] =	vst.idx.msk $0xffff, v11  }
0x11c: {  	v55 =	vadd.s32 v6, v12;
	v20 =	vld [tilespmem:s0+$0x0]  }
0x11d: {  	v56 =	vadd.s32 v6, v14  }
0x11e: {  	v57 =	vadd.s32 v6, v15  }
0x11f: {  	v19 =	vadd.f32 v19, v10  }
0x120: {  	[tilespmem:v18+s26+$0x0] =	vst.idx.msk $0xffff, v23;
	v13 =	vadd.f32 v54, v10  }
0x121: {  	v18 =	vld [tilespmem:s10+$0x10];
	[tilespmem:v55+s26+$0x0] =	vst.idx.msk $0xffff, v19;
	v58 =	vadd.f32 v20, v10  }
0x122: {  	v11 =	vld [tilespmem:s13+$0x10];
	[tilespmem:v56+s26+$0x0] =	vst.idx.msk $0xffff, v13  }
0x123: {  	v9 =	vadd.s32 v7, v9;
	v13 =	vld [tilespmem:s21+$0x10];
	[tilespmem:v57+s26+$0x0] =	vst.idx.msk $0xffff, v58  }
0x124: {  	v59 =	vadd.s32 v7, v12;
	v60 =	vld [tilespmem:s0+$0x10]  }
0x125: {  	v17 =	vadd.f32 v17, v8;
	v61 =	vadd.s32 v7, v14  }
0x126: {  	v62 =	vadd.s32 v7, v15;
	v18 =	vadd.f32 v18, v8  }
0x127: {  	[tilespmem:v16+s26+$0x0] =	vst.idx.msk $0xffff, v17;
	v11 =	vadd.f32 v11, v8  }
0x128: {  	[tilespmem:v9+s26+$0x0] =	vst.idx.msk $0xffff, v18;
	v63 =	vadd.f32 v13, v8  }
0x129: {  	[tilespmem:v59+s26+$0x0] =	vst.idx.msk $0xffff, v11;
	v8 =	vadd.f32 v60, v8  }
0x12a: {  	s8 =	sshll.u32 s7, $0x12;
	[tilespmem:v61+s26+$0x0] =	vst.idx.msk $0xffff, v63  }
0x12b: {  	s13 =	sadd.s32 $0x380, s19;
	s0 =	sor.u32 s5, s8;
	[tilespmem:v62+s26+$0x0] =	vst.idx.msk $0xffff, v8  }
0x12c: {  	[tilespmem:s18], [sflag:$0x2] =	stream.indirect.gather [hbm4b:s6+s14], $0x40, s13, s14, $0xb8;
	[tilespmem:$0x1DA00] =	vst v63  }
0x12d: {  	s21 =	sadd.s32 $0x3C0, s19;
	s0 =	sshrl.u32 s0, $0x3  }
0x12e: {  	[tilespmem:s20], [sflag:$0x2] =	stream.indirect.gather [hbm4b:s6+s14], $0x40, s21, s14, $0xb8;
	[tilespmem:$0x1DA00] =	vst v63  }
0x12f: {  	s9 =	simm.s32 $0x14600;
	s7 =	sadd.s32 s2, s0  }
0x130: {  	[hbm4b:s7+s4] =	stream.linear.scatter [tilespmem:s9], [sflag:$0x8], $0x80, $0x38;
	[tilespmem:$0x1DA00] =	vst v63  }
0x131: {  	s10 =	simm.s32 $0x14688;
	s8 =	sadd.s32 $0x10, s7  }
0x132: {  	[hbm4b:s8+s4] =	stream.linear.scatter [tilespmem:s10], [sflag:$0x8], $0x80, $0x38;
	[tilespmem:$0x1DA00] =	vst v63  }
0x133: {  	s0 =	simm.s32 $0x440;
	s13 =	simm.s32 $0x14710;
	s21 =	sadd.s32 $0x20, s7  }
0x134: {  	[hbm4b:s21+s4] =	stream.linear.scatter [tilespmem:s13], [sflag:$0x8], $0x80, $0x38;
	[tilespmem:$0x1DA00] =	vst v63  }
0x135: {  	s9 =	simm.s32 $0x14798;
	s10 =	sadd.s32 $0x30, s7;
	s8 =	simm.s32 $0x2200  }
0x136: {  	[hbm4b:s10+s4] =	stream.linear.scatter [tilespmem:s9], [sflag:$0x8], $0x80, $0x38;
	[tilespmem:$0x1DA00] =	vst v63  }
0x137: {  	s13 =	simm.s32 $0x14820;
	s21 =	sadd.s32 $0x40, s7;
	s9 =	simm.s32 $0x148A8  }
0x138: {  	[hbm4b:s21+s4] =	stream.linear.scatter [tilespmem:s13], [sflag:$0x8], $0x80, $0x38;
	[tilespmem:$0x1DA00] =	vst v63  }
0x139: {  	s10 =	sadd.s32 $0x50, s7;
	s13 =	simm.s32 $0x14930;
	s21 =	sadd.s32 $0x60, s7  }
0x13a: {  	[hbm4b:s10+s4] =	stream.linear.scatter [tilespmem:s9], [sflag:$0x8], $0x80, $0x38;
	[tilespmem:$0x1DA00] =	vst v63  }
0x13b: {  	s9 =	simm.s32 $0x149B8;
	s10 =	sadd.s32 $0x70, s7;
	s7 =	sadd.s32 $0x1000, s7  }
0x13c: {  	[hbm4b:s21+s4] =	stream.linear.scatter [tilespmem:s13], [sflag:$0x8], $0x80, $0x38;
	[tilespmem:$0x1DA00] =	vst v63  }
.LBB2_21:
0x13d: {  	[hbm4b:s10+s4] =	stream.linear.scatter [tilespmem:s9], [sflag:$0x8], $0x80, $0x38;
	[tilespmem:$0x1DA00] =	vst v63  }
0x13e: {  	s9 =	smov.u32 s0;
	s0 =	smov.u32 s8  }
0x13f: {  	s13 =	sadd.s32 $0x1100, s8;
	s0 =	sshra.s32 s0, $0x2;
	s10 =	sadd.s32 $0x14600, s9  }
0x140: {  	[hbm4b:s7+s4] =	stream.linear.scatter [tilespmem:s10], [sflag:$0x8], $0x80, $0x38;
	[tilespmem:$0x1DA00] =	vst v63  }
0x141: {  	p0 =	sne.s32 s8, $0x7700;
	s8 =	sadd.s32 $0x14688, s9;
	s10 =	sadd.s32 $0x10, s7  }
0x142: {  	[hbm4b:s10+s4] =	stream.linear.scatter [tilespmem:s8], [sflag:$0x8], $0x80, $0x38;
	[tilespmem:$0x1DA00] =	vst v63  }
0x143: {  	s8 =	sadd.s32 $0x14710, s9;
	s10 =	sadd.s32 $0x20, s7  }
0x144: {  	[hbm4b:s10+s4] =	stream.linear.scatter [tilespmem:s8], [sflag:$0x8], $0x80, $0x38;
	[tilespmem:$0x1DA00] =	vst v63  }
0x145: {  	s8 =	sadd.s32 $0x14798, s9;
	s10 =	sadd.s32 $0x30, s7  }
0x146: {  	[hbm4b:s10+s4] =	stream.linear.scatter [tilespmem:s8], [sflag:$0x8], $0x80, $0x38;
	[tilespmem:$0x1DA00] =	vst v63  }
0x147: {  	s8 =	sadd.s32 $0x14820, s9;
	s10 =	sadd.s32 $0x40, s7  }
0x148: {  	[hbm4b:s10+s4] =	stream.linear.scatter [tilespmem:s8], [sflag:$0x8], $0x80, $0x38;
	[tilespmem:$0x1DA00] =	vst v63  }
.Ltmp9:
0x149: {  	s8 =	sadd.s32 $0x148A8, s9;
	s10 =	sadd.s32 $0x50, s7;
	(pc) =	sbr.rel @p0 .LBB2_21-.Ltmp9, $4  }
0x14a: {  	[hbm4b:s10+s4] =	stream.linear.scatter [tilespmem:s8], [sflag:$0x8], $0x80, $0x38;
	[tilespmem:$0x1DA00] =	vst v63  }
0x14b: {  	s8 =	sadd.s32 $0x14930, s9;
	s10 =	sadd.s32 $0x60, s7;
	s9 =	sadd.s32 $0x149B8, s9  }
0x14c: {  	[hbm4b:s10+s4] =	stream.linear.scatter [tilespmem:s8], [sflag:$0x8], $0x80, $0x38;
	[tilespmem:$0x1DA00] =	vst v63  }
0x14d: {  	s10 =	sadd.s32 $0x70, s7;
	s7 =	sadd.s32 $0x1000, s7;
	s8 =	smov.u32 s13  }
0x14e: {  	[hbm4b:s10+s4] =	stream.linear.scatter [tilespmem:s9], [sflag:$0x8], $0x80, $0x38;
	[tilespmem:$0x1DA00] =	vst v63  }
0x14f: {  	s8 =	sadd.s32 $0x14600, s0  }
0x150: {  	[hbm4b:s7+s4] =	stream.linear.scatter [tilespmem:s8], [sflag:$0x8], $0x80, $0x38;
	[tilespmem:$0x1DA00] =	vst v63  }
0x151: {  	s13 =	sadd.s32 $0x14688, s0;
	s21 =	sadd.s32 $0x10, s7  }
0x152: {  	[hbm4b:s21+s4] =	stream.linear.scatter [tilespmem:s13], [sflag:$0x8], $0x80, $0x38;
	[tilespmem:$0x1DA00] =	vst v63  }
0x153: {  	s9 =	sadd.s32 $0x14710, s0;
	s10 =	sadd.s32 $0x20, s7  }
0x154: {  	[hbm4b:s10+s4] =	stream.linear.scatter [tilespmem:s9], [sflag:$0x8], $0x80, $0x38;
	[tilespmem:$0x1DA00] =	vst v63  }
0x155: {  	s13 =	sadd.s32 $0x14798, s0;
	s21 =	sadd.s32 $0x30, s7  }
0x156: {  	[hbm4b:s21+s4] =	stream.linear.scatter [tilespmem:s13], [sflag:$0x8], $0x80, $0x38;
	[tilespmem:$0x1DA00] =	vst v63  }
0x157: {  	s9 =	sadd.s32 $0x14820, s0;
	s10 =	sadd.s32 $0x40, s7  }
0x158: {  	[hbm4b:s10+s4] =	stream.linear.scatter [tilespmem:s9], [sflag:$0x8], $0x80, $0x38;
	[tilespmem:$0x1DA00] =	vst v63  }
0x159: {  	s13 =	sadd.s32 $0x148A8, s0;
	s21 =	sadd.s32 $0x50, s7  }
0x15a: {  	[hbm4b:s21+s4] =	stream.linear.scatter [tilespmem:s13], [sflag:$0x8], $0x80, $0x38;
	[tilespmem:$0x1DA00] =	vst v63  }
0x15b: {  	s10 =	sadd.s32 $0x14930, s0;
	s13 =	sadd.s32 $0x60, s7  }
0x15c: {  	[hbm4b:s13+s4] =	stream.linear.scatter [tilespmem:s10], [sflag:$0x8], $0x80, $0x38;
	[tilespmem:$0x1DA00] =	vst v63  }
0x15d: {  	s8 =	sadd.s32 $0x70, s7;
	s21 =	sadd.s32 $0x149B8, s0  }
0x15e: {  	[hbm4b:s8+s4] =	stream.linear.scatter [tilespmem:s21], [sflag:$0x8], $0x80, $0x38;
	[tilespmem:$0x1DA00] =	vst v63  }
0x15f: {  	_ =	swait.ge [sflag:s28], $0x2000  }
0x160: {  	[sflag:s28] =	ssyncset.done $0x0  }
0x161: {  	[sflag:s28] =	ssyncadd.s32 $0xFFFFE000  }
0x162: {  	s7 =	sadd.s32 $0x2, s17;
	_ =	swait.ge [sflag:s29], $0x2000  }
0x163: {  	s9 =	sshll.u32 s7, $0x6;
	[sflag:s29] =	ssyncset.done $0x0  }
0x164: {  	s0 =	sand.u32 $0x3FFFFFC0, s9;
	[sflag:s29] =	ssyncadd.s32 $0xFFFFE000  }
0x165: {  	s10 =	simm.s32 $0x0;
	s9 =	simm.s32 $0xA420;
	v11 =	vld [tilespmem:s0+$0x1A800]  }
0x166: {  	v8 =	vmov s10;
	v9 =	vld [tilespmem:s9+$0xFFFFFFE0]  }
0x167: {  	v16 =	vand.u32 $0x7F, v8  }
0x168: {  	v12 =	vadd.s32 v1, v16;
	_ =	sdelay $0x1  }
0x169: {  	s13 =	simm.s32 $0x1;
	s10 =	simm.s32 $0xA460;
	v13 =	vld [tilespmem:s0+$0x1A810]  }
0x16a: {  	v8 =	vmov s13;
	v14 =	vld [tilespmem:s10+$0xFFFFFFE0];
	v15 =	vadd.f32 v9, v11  }
0x16b: {  	v10 =	vld [tilespmem:s0+$0x1A820];
	v9 =	vand.u32 $0x7F, v8  }
0x16c: {  	v8 =	vld [tilespmem:s0+$0x1A830];
	v17 =	vadd.s32 v1, v9;
	[tilespmem:v12+s24+$0x0] =	vst.idx.msk $0xffff, v15  }
0x16d: {  	v15 =	vld [tilespmem:s9+$0xFFFFFFF0];
	_ =	sdelay $0x1  }
0x16e: {  	s21 =	simm.s32 $0x2;
	s13 =	simm.s32 $0xA4A0;
	v18 =	vadd.s32 v5, v16;
	v14 =	vadd.f32 v14, v11  }
0x16f: {  	v19 =	vld [tilespmem:s13+$0xFFFFFFE0];
	v12 =	vmov s21  }
0x170: {  	v12 =	vand.u32 $0x7F, v12;
	[tilespmem:v17+s24+$0x0] =	vst.idx.msk $0xffff, v14  }
0x171: {  	v14 =	vadd.s32 v1, v12;
	v17 =	vld [tilespmem:s10+$0xFFFFFFF0];
	v15 =	vadd.f32 v15, v13;
	_ =	sdelay $0x1  }
0x172: {  	[tilespmem:v18+s24+$0x0] =	vst.idx.msk $0xffff, v15  }
0x173: {  	s8 =	simm.s32 $0x3;
	v20 =	vadd.s32 v5, v9;
	s21 =	simm.s32 $0xA4E0;
	v15 =	vadd.f32 v19, v11;
	v18 =	vld [tilespmem:s9+$0x0]  }
0x174: {  	v21 =	vld [tilespmem:s21+$0xFFFFFFE0];
	v19 =	vmov s8  }
0x175: {  	[tilespmem:v14+s24+$0x0] =	vst.idx.msk $0xffff, v15;
	v15 =	vadd.f32 v17, v13;
	v14 =	vand.u32 $0x7F, v19;
	v17 =	vadd.s32 v6, v16  }
0x176: {  	v22 =	vadd.s32 v1, v14  }
0x177: {  	v19 =	vld [tilespmem:s13+$0xFFFFFFF0]  }
0x178: {  	[tilespmem:v20+s24+$0x0] =	vst.idx.msk $0xffff, v15;
	v15 =	vadd.f32 v18, v10  }
0x179: {  	s0 =	simm.s32 $0xA520;
	v23 =	vadd.s32 v5, v12;
	s8 =	simm.s32 $0x4;
	v24 =	vld [tilespmem:s10+$0x0];
	v18 =	vadd.f32 v21, v11  }
0x17a: {  	v25 =	vld [tilespmem:s0+$0xFFFFFFE0];
	v20 =	vmov s8;
	[tilespmem:v17+s24+$0x0] =	vst.idx.msk $0xffff, v15  }
0x17b: {  	v15 =	vand.u32 $0x7F, v20;
	[tilespmem:v22+s24+$0x0] =	vst.idx.msk $0xffff, v18;
	v18 =	vadd.s32 v6, v9;
	v17 =	vld [tilespmem:s9+$0x10]  }
0x17c: {  	v19 =	vadd.f32 v19, v13;
	v20 =	vadd.s32 v1, v15  }
0x17d: {  	v16 =	vadd.s32 v7, v16;
	v21 =	vld [tilespmem:s21+$0xFFFFFFF0]  }
0x17e: {  	[tilespmem:v23+s24+$0x0] =	vst.idx.msk $0xffff, v19;
	v23 =	vadd.f32 v24, v10  }
0x17f: {  	s8 =	simm.s32 $0x5;
	v22 =	vadd.s32 v5, v14;
	s9 =	simm.s32 $0xA560;
	v24 =	vadd.f32 v25, v11;
	v19 =	vld [tilespmem:s13+$0x0]  }
.LBB2_23:
0x180: {  	v25 =	vmov s8;
	v26 =	vld [tilespmem:s9+$0xFFFFFFE0];
	[tilespmem:v18+s24+$0x0] =	vst.idx.msk $0xffff, v23;
	v23 =	vadd.f32 v17, v8;
	p0 =	sne.s32 s8, $0x7F  }
.Ltmp10:
0x181: {  	s8 =	sadd.s32 $0x1, s8;
	v18 =	vadd.s32 v6, v12;
	v25 =	vand.u32 $0x7F, v25;
	[tilespmem:v20+s24+$0x0] =	vst.idx.msk $0xffff, v24;
	v17 =	vld [tilespmem:s10+$0x10];
	(pc) =	sbr.rel @p0 .LBB2_23-.Ltmp10, $4  }
0x182: {  	s10 =	smov.u32 s13;
	s13 =	smov.u32 s21;
	s21 =	smov.u32 s0;
	v20 =	vadd.s32 v1, v25;
	v24 =	vadd.f32 v21, v13;
	[tilespmem:v16+s24+$0x0] =	vst.idx.msk $0xffff, v23  }
0x183: {  	s0 =	smov.u32 s9;
	v16 =	vadd.s32 v7, v9;
	v9 =	vmovc v12;
	v12 =	vmovc v14;
	v14 =	vmov v15;
	v15 =	vmov v25;
	v21 =	vld [tilespmem:s21+$0xFFFFFFF0]  }
0x184: {  	[tilespmem:v22+s24+$0x0] =	vst.idx.msk $0xffff, v24;
	v23 =	vadd.f32 v19, v10  }
0x185: {  	s9 =	sadd.s32 $0x40, s9;
	v22 =	vadd.s32 v5, v14;
	v24 =	vadd.f32 v26, v11;
	v19 =	vld [tilespmem:s13+$0x0]  }
0x186: {  	_ =	sdelay $0x3  }
0x187: {  	[tilespmem:v20+s24+$0x0] =	vst.idx.msk $0xffff, v24  }
0x188: {  	v11 =	vld [tilespmem:s0+$0xFFFFFFF0];
	_ =	sdelay $0x1  }
0x189: {  	v53 =	vadd.s32 v5, v15;
	_ =	sdelay $0x1  }
0x18a: {  	v21 =	vadd.f32 v21, v13  }
0x18b: {  	v11 =	vadd.f32 v11, v13  }
0x18c: {  	[tilespmem:v22+s24+$0x0] =	vst.idx.msk $0xffff, v21  }
0x18d: {  	v54 =	vld [tilespmem:s21+$0x0];
	[tilespmem:v53+s24+$0x0] =	vst.idx.msk $0xffff, v11  }
0x18e: {  	v55 =	vadd.s32 v6, v12;
	v20 =	vld [tilespmem:s0+$0x0]  }
0x18f: {  	v56 =	vadd.s32 v6, v14  }
0x190: {  	v57 =	vadd.s32 v6, v15  }
0x191: {  	v19 =	vadd.f32 v19, v10  }
0x192: {  	[tilespmem:v18+s24+$0x0] =	vst.idx.msk $0xffff, v23;
	v13 =	vadd.f32 v54, v10  }
0x193: {  	v18 =	vld [tilespmem:s10+$0x10];
	[tilespmem:v55+s24+$0x0] =	vst.idx.msk $0xffff, v19;
	v58 =	vadd.f32 v20, v10  }
0x194: {  	v11 =	vld [tilespmem:s13+$0x10];
	[tilespmem:v56+s24+$0x0] =	vst.idx.msk $0xffff, v13  }
0x195: {  	v9 =	vadd.s32 v7, v9;
	v13 =	vld [tilespmem:s21+$0x10];
	[tilespmem:v57+s24+$0x0] =	vst.idx.msk $0xffff, v58  }
0x196: {  	v59 =	vadd.s32 v7, v12;
	v60 =	vld [tilespmem:s0+$0x10]  }
0x197: {  	v17 =	vadd.f32 v17, v8;
	v61 =	vadd.s32 v7, v14  }
0x198: {  	v62 =	vadd.s32 v7, v15;
	p0 =	seq.s32 s12, $0x20;
	v18 =	vadd.f32 v18, v8  }
0x199: {  	[tilespmem:v16+s24+$0x0] =	vst.idx.msk $0xffff, v17;
	v11 =	vadd.f32 v11, v8;
	s0 =	smul.u32 @!p0 $0x300, s12  }
0x19a: {  	[tilespmem:v9+s24+$0x0] =	vst.idx.msk $0xffff, v18;
	v63 =	vadd.f32 v13, v8  }
0x19b: {  	[tilespmem:v59+s24+$0x0] =	vst.idx.msk $0xffff, v11;
	s8 =	sadd.s32 @!p0 $0x400, s0;
	v8 =	vadd.f32 v60, v8  }
0x19c: {  	[tilespmem:v61+s24+$0x0] =	vst.idx.msk $0xffff, v63;
	s0 =	sand.u32 @!p0 $0x300, s0;
	s8 =	sand.u32 @!p0 $0x1FC00, s8  }
0x19d: {  	s9 =	simm.s32 @!p0 $0xA400;
	s0 =	sor.u32 @!p0 s0, s8;
	s8 =	simm.s32 @!p0 $0x40;
	[tilespmem:v62+s24+$0x0] =	vst.idx.msk $0xffff, v8  }
0x19e: {  	[tilespmem:s9], [sflag:$0x3] =	stream.indirect.gather @!p0 [hbm4b:s6+s8], $0x40, s0, s8, $0xb8;
	[tilespmem:$0x1DA00] =	vst v63  }
0x19f: {  	s7 =	sshll.u32 s7, $0x12;
	s0 =	sor.u32 @!p0 $0x40, s0;
	s9 =	simm.s32 @!p0 $0xB400  }
0x1a0: {  	[tilespmem:s9], [sflag:$0x3] =	stream.indirect.gather @!p0 [hbm4b:s6+s8], $0x40, s0, s8, $0xb8;
	[tilespmem:$0x1DA00] =	vst v63  }
0x1a1: {  	s0 =	sor.u32 s5, s7  }
0x1a2: {  	s0 =	sshrl.u32 s0, $0x3  }
0x1a3: {  	s8 =	simm.s32 $0x12400;
	s7 =	sadd.s32 s2, s0  }
0x1a4: {  	[hbm4b:s7+s4] =	stream.linear.scatter [tilespmem:s8], [sflag:$0x7], $0x80, $0x38;
	[tilespmem:$0x1DA00] =	vst v63  }
0x1a5: {  	s9 =	simm.s32 $0x12488;
	s10 =	sadd.s32 $0x10, s7  }
0x1a6: {  	[hbm4b:s10+s4] =	stream.linear.scatter [tilespmem:s9], [sflag:$0x7], $0x80, $0x38;
	[tilespmem:$0x1DA00] =	vst v63  }
0x1a7: {  	s13 =	simm.s32 $0x12510;
	s0 =	simm.s32 $0x440;
	s21 =	sadd.s32 $0x20, s7  }
0x1a8: {  	[hbm4b:s21+s4] =	stream.linear.scatter [tilespmem:s13], [sflag:$0x7], $0x80, $0x38;
	[tilespmem:$0x1DA00] =	vst v63  }
0x1a9: {  	s8 =	simm.s32 $0x2200;
	s9 =	simm.s32 $0x12598;
	s10 =	sadd.s32 $0x30, s7  }
0x1aa: {  	[hbm4b:s10+s4] =	stream.linear.scatter [tilespmem:s9], [sflag:$0x7], $0x80, $0x38;
	[tilespmem:$0x1DA00] =	vst v63  }
0x1ab: {  	s13 =	simm.s32 $0x12620;
	s21 =	sadd.s32 $0x40, s7;
	s9 =	simm.s32 $0x126A8  }
0x1ac: {  	[hbm4b:s21+s4] =	stream.linear.scatter [tilespmem:s13], [sflag:$0x7], $0x80, $0x38;
	[tilespmem:$0x1DA00] =	vst v63  }
0x1ad: {  	s10 =	sadd.s32 $0x50, s7;
	s13 =	simm.s32 $0x12730;
	s21 =	sadd.s32 $0x60, s7  }
0x1ae: {  	[hbm4b:s10+s4] =	stream.linear.scatter [tilespmem:s9], [sflag:$0x7], $0x80, $0x38;
	[tilespmem:$0x1DA00] =	vst v63  }
0x1af: {  	s9 =	simm.s32 $0x127B8;
	s10 =	sadd.s32 $0x70, s7;
	s7 =	sadd.s32 $0x1000, s7  }
0x1b0: {  	[hbm4b:s21+s4] =	stream.linear.scatter [tilespmem:s13], [sflag:$0x7], $0x80, $0x38;
	[tilespmem:$0x1DA00] =	vst v63  }
.LBB2_25:
0x1b1: {  	[hbm4b:s10+s4] =	stream.linear.scatter [tilespmem:s9], [sflag:$0x7], $0x80, $0x38;
	[tilespmem:$0x1DA00] =	vst v63  }
0x1b2: {  	s9 =	smov.u32 s0;
	s0 =	smov.u32 s8  }
0x1b3: {  	s13 =	sadd.s32 $0x1100, s8;
	s0 =	sshra.s32 s0, $0x2;
	s10 =	sadd.s32 $0x12400, s9  }
0x1b4: {  	[hbm4b:s7+s4] =	stream.linear.scatter [tilespmem:s10], [sflag:$0x7], $0x80, $0x38;
	[tilespmem:$0x1DA00] =	vst v63  }
0x1b5: {  	p1 =	sne.s32 s8, $0x7700;
	s8 =	sadd.s32 $0x12488, s9;
	s10 =	sadd.s32 $0x10, s7  }
0x1b6: {  	[hbm4b:s10+s4] =	stream.linear.scatter [tilespmem:s8], [sflag:$0x7], $0x80, $0x38;
	[tilespmem:$0x1DA00] =	vst v63  }
0x1b7: {  	s8 =	sadd.s32 $0x12510, s9;
	s10 =	sadd.s32 $0x20, s7  }
0x1b8: {  	[hbm4b:s10+s4] =	stream.linear.scatter [tilespmem:s8], [sflag:$0x7], $0x80, $0x38;
	[tilespmem:$0x1DA00] =	vst v63  }
0x1b9: {  	s8 =	sadd.s32 $0x12598, s9;
	s10 =	sadd.s32 $0x30, s7  }
0x1ba: {  	[hbm4b:s10+s4] =	stream.linear.scatter [tilespmem:s8], [sflag:$0x7], $0x80, $0x38;
	[tilespmem:$0x1DA00] =	vst v63  }
0x1bb: {  	s8 =	sadd.s32 $0x12620, s9;
	s10 =	sadd.s32 $0x40, s7  }
0x1bc: {  	[hbm4b:s10+s4] =	stream.linear.scatter [tilespmem:s8], [sflag:$0x7], $0x80, $0x38;
	[tilespmem:$0x1DA00] =	vst v63  }
.Ltmp11:
0x1bd: {  	s8 =	sadd.s32 $0x126A8, s9;
	s10 =	sadd.s32 $0x50, s7;
	(pc) =	sbr.rel @p1 .LBB2_25-.Ltmp11, $4  }
0x1be: {  	[hbm4b:s10+s4] =	stream.linear.scatter [tilespmem:s8], [sflag:$0x7], $0x80, $0x38;
	[tilespmem:$0x1DA00] =	vst v63  }
0x1bf: {  	s8 =	sadd.s32 $0x12730, s9;
	s10 =	sadd.s32 $0x60, s7;
	s9 =	sadd.s32 $0x127B8, s9  }
0x1c0: {  	[hbm4b:s10+s4] =	stream.linear.scatter [tilespmem:s8], [sflag:$0x7], $0x80, $0x38;
	[tilespmem:$0x1DA00] =	vst v63  }
0x1c1: {  	s10 =	sadd.s32 $0x70, s7;
	s7 =	sadd.s32 $0x1000, s7;
	s8 =	smov.u32 s13  }
0x1c2: {  	[hbm4b:s10+s4] =	stream.linear.scatter [tilespmem:s9], [sflag:$0x7], $0x80, $0x38;
	[tilespmem:$0x1DA00] =	vst v63  }
0x1c3: {  	s8 =	sadd.s32 $0x12400, s0  }
0x1c4: {  	[hbm4b:s7+s4] =	stream.linear.scatter [tilespmem:s8], [sflag:$0x7], $0x80, $0x38;
	[tilespmem:$0x1DA00] =	vst v63  }
0x1c5: {  	s13 =	sadd.s32 $0x12488, s0;
	s21 =	sadd.s32 $0x10, s7  }
0x1c6: {  	[hbm4b:s21+s4] =	stream.linear.scatter [tilespmem:s13], [sflag:$0x7], $0x80, $0x38;
	[tilespmem:$0x1DA00] =	vst v63  }
0x1c7: {  	s9 =	sadd.s32 $0x12510, s0;
	s10 =	sadd.s32 $0x20, s7  }
0x1c8: {  	[hbm4b:s10+s4] =	stream.linear.scatter [tilespmem:s9], [sflag:$0x7], $0x80, $0x38;
	[tilespmem:$0x1DA00] =	vst v63  }
0x1c9: {  	s13 =	sadd.s32 $0x12598, s0;
	s21 =	sadd.s32 $0x30, s7  }
0x1ca: {  	[hbm4b:s21+s4] =	stream.linear.scatter [tilespmem:s13], [sflag:$0x7], $0x80, $0x38;
	[tilespmem:$0x1DA00] =	vst v63  }
0x1cb: {  	s9 =	sadd.s32 $0x12620, s0;
	s10 =	sadd.s32 $0x40, s7  }
0x1cc: {  	[hbm4b:s10+s4] =	stream.linear.scatter [tilespmem:s9], [sflag:$0x7], $0x80, $0x38;
	[tilespmem:$0x1DA00] =	vst v63  }
0x1cd: {  	s13 =	sadd.s32 $0x126A8, s0;
	s21 =	sadd.s32 $0x50, s7  }
0x1ce: {  	[hbm4b:s21+s4] =	stream.linear.scatter [tilespmem:s13], [sflag:$0x7], $0x80, $0x38;
	[tilespmem:$0x1DA00] =	vst v63  }
0x1cf: {  	s10 =	sadd.s32 $0x12730, s0;
	s13 =	sadd.s32 $0x60, s7  }
0x1d0: {  	[hbm4b:s13+s4] =	stream.linear.scatter [tilespmem:s10], [sflag:$0x7], $0x80, $0x38;
	[tilespmem:$0x1DA00] =	vst v63  }
0x1d1: {  	s8 =	sadd.s32 $0x70, s7;
	s21 =	sadd.s32 $0x127B8, s0  }
0x1d2: {  	[hbm4b:s8+s4] =	stream.linear.scatter [tilespmem:s21], [sflag:$0x7], $0x80, $0x38;
	[tilespmem:$0x1DA00] =	vst v63  }
0x1d3: {  	_ =	swait.ge [sflag:s30], $0x2000  }
0x1d4: {  	[sflag:s30] =	ssyncset.done $0x0  }
0x1d5: {  	[sflag:s30] =	ssyncadd.s32 $0xFFFFE000  }
0x1d6: {  	s7 =	sadd.s32 $0x3, s17;
	_ =	swait.ge [sflag:s31], $0x2000  }
0x1d7: {  	s9 =	sshll.u32 s7, $0x6;
	[sflag:s31] =	ssyncset.done $0x0  }
0x1d8: {  	s0 =	sand.u32 $0x3FFFFFC0, s9;
	[sflag:s31] =	ssyncadd.s32 $0xFFFFE000  }
0x1d9: {  	s10 =	simm.s32 $0x0;
	s9 =	simm.s32 $0xC420;
	v11 =	vld [tilespmem:s0+$0x1A800]  }
0x1da: {  	v8 =	vmov s10;
	v9 =	vld [tilespmem:s9+$0xFFFFFFE0]  }
0x1db: {  	v16 =	vand.u32 $0x7F, v8  }
0x1dc: {  	v12 =	vadd.s32 v1, v16;
	_ =	sdelay $0x1  }
0x1dd: {  	s13 =	simm.s32 $0x1;
	s10 =	simm.s32 $0xC460;
	v13 =	vld [tilespmem:s0+$0x1A810]  }
0x1de: {  	v8 =	vmov s13;
	v14 =	vld [tilespmem:s10+$0xFFFFFFE0];
	v15 =	vadd.f32 v9, v11  }
0x1df: {  	v10 =	vld [tilespmem:s0+$0x1A820];
	v9 =	vand.u32 $0x7F, v8  }
0x1e0: {  	v8 =	vld [tilespmem:s0+$0x1A830];
	v17 =	vadd.s32 v1, v9;
	[tilespmem:v12+s26+$0x0] =	vst.idx.msk $0xffff, v15  }
0x1e1: {  	v15 =	vld [tilespmem:s9+$0xFFFFFFF0];
	_ =	sdelay $0x1  }
0x1e2: {  	s21 =	simm.s32 $0x2;
	s13 =	simm.s32 $0xC4A0;
	v18 =	vadd.s32 v5, v16;
	v14 =	vadd.f32 v14, v11  }
0x1e3: {  	v19 =	vld [tilespmem:s13+$0xFFFFFFE0];
	v12 =	vmov s21  }
0x1e4: {  	v12 =	vand.u32 $0x7F, v12;
	[tilespmem:v17+s26+$0x0] =	vst.idx.msk $0xffff, v14  }
0x1e5: {  	v14 =	vadd.s32 v1, v12;
	v17 =	vld [tilespmem:s10+$0xFFFFFFF0];
	v15 =	vadd.f32 v15, v13;
	_ =	sdelay $0x1  }
0x1e6: {  	[tilespmem:v18+s26+$0x0] =	vst.idx.msk $0xffff, v15  }
0x1e7: {  	s8 =	simm.s32 $0x3;
	v20 =	vadd.s32 v5, v9;
	s21 =	simm.s32 $0xC4E0;
	v15 =	vadd.f32 v19, v11;
	v18 =	vld [tilespmem:s9+$0x0]  }
0x1e8: {  	v21 =	vld [tilespmem:s21+$0xFFFFFFE0];
	v19 =	vmov s8  }
0x1e9: {  	[tilespmem:v14+s26+$0x0] =	vst.idx.msk $0xffff, v15;
	v15 =	vadd.f32 v17, v13;
	v14 =	vand.u32 $0x7F, v19;
	v17 =	vadd.s32 v6, v16  }
0x1ea: {  	v22 =	vadd.s32 v1, v14  }
0x1eb: {  	v19 =	vld [tilespmem:s13+$0xFFFFFFF0]  }
0x1ec: {  	[tilespmem:v20+s26+$0x0] =	vst.idx.msk $0xffff, v15;
	v15 =	vadd.f32 v18, v10  }
0x1ed: {  	s0 =	simm.s32 $0xC520;
	v23 =	vadd.s32 v5, v12;
	s8 =	simm.s32 $0x4;
	v24 =	vld [tilespmem:s10+$0x0];
	v18 =	vadd.f32 v21, v11  }
0x1ee: {  	v25 =	vld [tilespmem:s0+$0xFFFFFFE0];
	v20 =	vmov s8;
	[tilespmem:v17+s26+$0x0] =	vst.idx.msk $0xffff, v15  }
0x1ef: {  	v15 =	vand.u32 $0x7F, v20;
	[tilespmem:v22+s26+$0x0] =	vst.idx.msk $0xffff, v18;
	v18 =	vadd.s32 v6, v9;
	v17 =	vld [tilespmem:s9+$0x10]  }
0x1f0: {  	v19 =	vadd.f32 v19, v13;
	v20 =	vadd.s32 v1, v15  }
0x1f1: {  	v16 =	vadd.s32 v7, v16;
	v21 =	vld [tilespmem:s21+$0xFFFFFFF0]  }
0x1f2: {  	[tilespmem:v23+s26+$0x0] =	vst.idx.msk $0xffff, v19;
	v23 =	vadd.f32 v24, v10  }
0x1f3: {  	s8 =	simm.s32 $0x5;
	v22 =	vadd.s32 v5, v14;
	s9 =	simm.s32 $0xC560;
	v24 =	vadd.f32 v25, v11;
	v19 =	vld [tilespmem:s13+$0x0]  }
.LBB2_27:
0x1f4: {  	v25 =	vmov s8;
	v26 =	vld [tilespmem:s9+$0xFFFFFFE0];
	[tilespmem:v18+s26+$0x0] =	vst.idx.msk $0xffff, v23;
	v23 =	vadd.f32 v17, v8;
	p1 =	sne.s32 s8, $0x7F  }
.Ltmp12:
0x1f5: {  	s8 =	sadd.s32 $0x1, s8;
	v18 =	vadd.s32 v6, v12;
	v25 =	vand.u32 $0x7F, v25;
	[tilespmem:v20+s26+$0x0] =	vst.idx.msk $0xffff, v24;
	v17 =	vld [tilespmem:s10+$0x10];
	(pc) =	sbr.rel @p1 .LBB2_27-.Ltmp12, $4  }
0x1f6: {  	s10 =	smov.u32 s13;
	s13 =	smov.u32 s21;
	s21 =	smov.u32 s0;
	v20 =	vadd.s32 v1, v25;
	v24 =	vadd.f32 v21, v13;
	[tilespmem:v16+s26+$0x0] =	vst.idx.msk $0xffff, v23  }
0x1f7: {  	s0 =	smov.u32 s9;
	v16 =	vadd.s32 v7, v9;
	v9 =	vmovc v12;
	v12 =	vmovc v14;
	v14 =	vmov v15;
	v15 =	vmov v25;
	v21 =	vld [tilespmem:s21+$0xFFFFFFF0]  }
0x1f8: {  	[tilespmem:v22+s26+$0x0] =	vst.idx.msk $0xffff, v24;
	v23 =	vadd.f32 v19, v10  }
0x1f9: {  	s9 =	sadd.s32 $0x40, s9;
	v22 =	vadd.s32 v5, v14;
	v24 =	vadd.f32 v26, v11;
	v19 =	vld [tilespmem:s13+$0x0]  }
0x1fa: {  	_ =	sdelay $0x3  }
0x1fb: {  	[tilespmem:v20+s26+$0x0] =	vst.idx.msk $0xffff, v24  }
0x1fc: {  	v11 =	vld [tilespmem:s0+$0xFFFFFFF0];
	_ =	sdelay $0x1  }
0x1fd: {  	v53 =	vadd.s32 v5, v15;
	_ =	sdelay $0x1  }
0x1fe: {  	v21 =	vadd.f32 v21, v13  }
0x1ff: {  	v11 =	vadd.f32 v11, v13  }
0x200: {  	[tilespmem:v22+s26+$0x0] =	vst.idx.msk $0xffff, v21  }
0x201: {  	v54 =	vld [tilespmem:s21+$0x0];
	[tilespmem:v53+s26+$0x0] =	vst.idx.msk $0xffff, v11  }
0x202: {  	v55 =	vadd.s32 v6, v12;
	v20 =	vld [tilespmem:s0+$0x0]  }
0x203: {  	v56 =	vadd.s32 v6, v14  }
0x204: {  	v57 =	vadd.s32 v6, v15  }
0x205: {  	v19 =	vadd.f32 v19, v10  }
0x206: {  	[tilespmem:v18+s26+$0x0] =	vst.idx.msk $0xffff, v23;
	v13 =	vadd.f32 v54, v10  }
0x207: {  	v18 =	vld [tilespmem:s10+$0x10];
	[tilespmem:v55+s26+$0x0] =	vst.idx.msk $0xffff, v19;
	v58 =	vadd.f32 v20, v10  }
0x208: {  	v11 =	vld [tilespmem:s13+$0x10];
	[tilespmem:v56+s26+$0x0] =	vst.idx.msk $0xffff, v13  }
0x209: {  	v9 =	vadd.s32 v7, v9;
	v13 =	vld [tilespmem:s21+$0x10];
	[tilespmem:v57+s26+$0x0] =	vst.idx.msk $0xffff, v58  }
0x20a: {  	v59 =	vadd.s32 v7, v12;
	v60 =	vld [tilespmem:s0+$0x10]  }
0x20b: {  	v17 =	vadd.f32 v17, v8;
	v61 =	vadd.s32 v7, v14  }
0x20c: {  	v62 =	vadd.s32 v7, v15;
	v18 =	vadd.f32 v18, v8  }
0x20d: {  	[tilespmem:v16+s26+$0x0] =	vst.idx.msk $0xffff, v17;
	v11 =	vadd.f32 v11, v8  }
0x20e: {  	[tilespmem:v9+s26+$0x0] =	vst.idx.msk $0xffff, v18;
	v63 =	vadd.f32 v13, v8  }
0x20f: {  	[tilespmem:v59+s26+$0x0] =	vst.idx.msk $0xffff, v11;
	v8 =	vadd.f32 v60, v8  }
0x210: {  	[tilespmem:v61+s26+$0x0] =	vst.idx.msk $0xffff, v63  }
0x211: {  	s8 =	simm.s32 @!p0 $0x40;
	s9 =	simm.s32 @!p0 $0xC400;
	s0 =	sadd.s32 @!p0 $0x480, s19;
	[tilespmem:v62+s26+$0x0] =	vst.idx.msk $0xffff, v8  }
0x212: {  	[tilespmem:s9], [sflag:$0x4] =	stream.indirect.gather @!p0 [hbm4b:s6+s8], $0x40, s0, s8, $0xb8;
	[tilespmem:$0x1DA00] =	vst v63  }
0x213: {  	s7 =	sshll.u32 s7, $0x12;
	s0 =	sadd.s32 @!p0 $0x4C0, s19;
	s9 =	simm.s32 @!p0 $0xD400  }
0x214: {  	[tilespmem:s9], [sflag:$0x4] =	stream.indirect.gather @!p0 [hbm4b:s6+s8], $0x40, s0, s8, $0xb8;
	[tilespmem:$0x1DA00] =	vst v63  }
0x215: {  	s0 =	sor.u32 s5, s7  }
0x216: {  	s0 =	sshrl.u32 s0, $0x3  }
0x217: {  	s8 =	simm.s32 $0x14600;
	s7 =	sadd.s32 s2, s0  }
0x218: {  	[hbm4b:s7+s4] =	stream.linear.scatter [tilespmem:s8], [sflag:$0x8], $0x80, $0x38;
	[tilespmem:$0x1DA00] =	vst v63  }
0x219: {  	s9 =	simm.s32 $0x14688;
	s10 =	sadd.s32 $0x10, s7  }
0x21a: {  	[hbm4b:s10+s4] =	stream.linear.scatter [tilespmem:s9], [sflag:$0x8], $0x80, $0x38;
	[tilespmem:$0x1DA00] =	vst v63  }
0x21b: {  	s13 =	simm.s32 $0x14710;
	s0 =	simm.s32 $0x440;
	s21 =	sadd.s32 $0x20, s7  }
0x21c: {  	[hbm4b:s21+s4] =	stream.linear.scatter [tilespmem:s13], [sflag:$0x8], $0x80, $0x38;
	[tilespmem:$0x1DA00] =	vst v63  }
0x21d: {  	s8 =	simm.s32 $0x2200;
	s9 =	simm.s32 $0x14798;
	s10 =	sadd.s32 $0x30, s7  }
0x21e: {  	[hbm4b:s10+s4] =	stream.linear.scatter [tilespmem:s9], [sflag:$0x8], $0x80, $0x38;
	[tilespmem:$0x1DA00] =	vst v63  }
0x21f: {  	s13 =	simm.s32 $0x14820;
	s21 =	sadd.s32 $0x40, s7;
	s9 =	simm.s32 $0x148A8  }
0x220: {  	[hbm4b:s21+s4] =	stream.linear.scatter [tilespmem:s13], [sflag:$0x8], $0x80, $0x38;
	[tilespmem:$0x1DA00] =	vst v63  }
0x221: {  	s10 =	sadd.s32 $0x50, s7;
	s13 =	simm.s32 $0x14930;
	s21 =	sadd.s32 $0x60, s7  }
0x222: {  	[hbm4b:s10+s4] =	stream.linear.scatter [tilespmem:s9], [sflag:$0x8], $0x80, $0x38;
	[tilespmem:$0x1DA00] =	vst v63  }
0x223: {  	s9 =	simm.s32 $0x149B8;
	s10 =	sadd.s32 $0x70, s7;
	s7 =	sadd.s32 $0x1000, s7  }
0x224: {  	[hbm4b:s21+s4] =	stream.linear.scatter [tilespmem:s13], [sflag:$0x8], $0x80, $0x38;
	[tilespmem:$0x1DA00] =	vst v63  }
.LBB2_29:
0x225: {  	[hbm4b:s10+s4] =	stream.linear.scatter [tilespmem:s9], [sflag:$0x8], $0x80, $0x38;
	[tilespmem:$0x1DA00] =	vst v63  }
0x226: {  	s9 =	smov.u32 s0;
	s0 =	smov.u32 s8  }
0x227: {  	s13 =	sadd.s32 $0x1100, s8;
	s0 =	sshra.s32 s0, $0x2;
	s10 =	sadd.s32 $0x14600, s9  }
0x228: {  	[hbm4b:s7+s4] =	stream.linear.scatter [tilespmem:s10], [sflag:$0x8], $0x80, $0x38;
	[tilespmem:$0x1DA00] =	vst v63  }
0x229: {  	p1 =	sne.s32 s8, $0x7700;
	s8 =	sadd.s32 $0x14688, s9;
	s10 =	sadd.s32 $0x10, s7  }
0x22a: {  	[hbm4b:s10+s4] =	stream.linear.scatter [tilespmem:s8], [sflag:$0x8], $0x80, $0x38;
	[tilespmem:$0x1DA00] =	vst v63  }
0x22b: {  	s8 =	sadd.s32 $0x14710, s9;
	s10 =	sadd.s32 $0x20, s7  }
0x22c: {  	[hbm4b:s10+s4] =	stream.linear.scatter [tilespmem:s8], [sflag:$0x8], $0x80, $0x38;
	[tilespmem:$0x1DA00] =	vst v63  }
0x22d: {  	s8 =	sadd.s32 $0x14798, s9;
	s10 =	sadd.s32 $0x30, s7  }
0x22e: {  	[hbm4b:s10+s4] =	stream.linear.scatter [tilespmem:s8], [sflag:$0x8], $0x80, $0x38;
	[tilespmem:$0x1DA00] =	vst v63  }
0x22f: {  	s8 =	sadd.s32 $0x14820, s9;
	s10 =	sadd.s32 $0x40, s7  }
0x230: {  	[hbm4b:s10+s4] =	stream.linear.scatter [tilespmem:s8], [sflag:$0x8], $0x80, $0x38;
	[tilespmem:$0x1DA00] =	vst v63  }
.Ltmp13:
0x231: {  	s8 =	sadd.s32 $0x148A8, s9;
	s10 =	sadd.s32 $0x50, s7;
	(pc) =	sbr.rel @p1 .LBB2_29-.Ltmp13, $4  }
0x232: {  	[hbm4b:s10+s4] =	stream.linear.scatter [tilespmem:s8], [sflag:$0x8], $0x80, $0x38;
	[tilespmem:$0x1DA00] =	vst v63  }
0x233: {  	s8 =	sadd.s32 $0x14930, s9;
	s10 =	sadd.s32 $0x60, s7;
	s9 =	sadd.s32 $0x149B8, s9  }
0x234: {  	[hbm4b:s10+s4] =	stream.linear.scatter [tilespmem:s8], [sflag:$0x8], $0x80, $0x38;
	[tilespmem:$0x1DA00] =	vst v63  }
0x235: {  	s10 =	sadd.s32 $0x70, s7;
	s7 =	sadd.s32 $0x1000, s7;
	s8 =	smov.u32 s13  }
0x236: {  	[hbm4b:s10+s4] =	stream.linear.scatter [tilespmem:s9], [sflag:$0x8], $0x80, $0x38;
	[tilespmem:$0x1DA00] =	vst v63  }
0x237: {  	s8 =	sadd.s32 $0x14600, s0  }
0x238: {  	[hbm4b:s7+s4] =	stream.linear.scatter [tilespmem:s8], [sflag:$0x8], $0x80, $0x38;
	[tilespmem:$0x1DA00] =	vst v63  }
0x239: {  	s13 =	sadd.s32 $0x14688, s0;
	s21 =	sadd.s32 $0x10, s7  }
0x23a: {  	[hbm4b:s21+s4] =	stream.linear.scatter [tilespmem:s13], [sflag:$0x8], $0x80, $0x38;
	[tilespmem:$0x1DA00] =	vst v63  }
0x23b: {  	s9 =	sadd.s32 $0x14710, s0;
	s10 =	sadd.s32 $0x20, s7  }
0x23c: {  	[hbm4b:s10+s4] =	stream.linear.scatter [tilespmem:s9], [sflag:$0x8], $0x80, $0x38;
	[tilespmem:$0x1DA00] =	vst v63  }
0x23d: {  	s13 =	sadd.s32 $0x14798, s0;
	s21 =	sadd.s32 $0x30, s7  }
0x23e: {  	[hbm4b:s21+s4] =	stream.linear.scatter [tilespmem:s13], [sflag:$0x8], $0x80, $0x38;
	[tilespmem:$0x1DA00] =	vst v63  }
0x23f: {  	s9 =	sadd.s32 $0x14820, s0;
	s10 =	sadd.s32 $0x40, s7  }
0x240: {  	[hbm4b:s10+s4] =	stream.linear.scatter [tilespmem:s9], [sflag:$0x8], $0x80, $0x38;
	[tilespmem:$0x1DA00] =	vst v63  }
0x241: {  	s13 =	sadd.s32 $0x148A8, s0;
	s21 =	sadd.s32 $0x50, s7  }
0x242: {  	[hbm4b:s21+s4] =	stream.linear.scatter [tilespmem:s13], [sflag:$0x8], $0x80, $0x38;
	[tilespmem:$0x1DA00] =	vst v63  }
0x243: {  	s10 =	sadd.s32 $0x14930, s0;
	s13 =	sadd.s32 $0x60, s7  }
0x244: {  	[hbm4b:s13+s4] =	stream.linear.scatter [tilespmem:s10], [sflag:$0x8], $0x80, $0x38;
	[tilespmem:$0x1DA00] =	vst v63  }
0x245: {  	s8 =	sadd.s32 $0x70, s7;
	s21 =	sadd.s32 $0x149B8, s0  }
0x246: {  	[hbm4b:s8+s4] =	stream.linear.scatter [tilespmem:s21], [sflag:$0x8], $0x80, $0x38;
	[tilespmem:$0x1DA00] =	vst v63  }
0x247: {  	_ =	swait.ge [sflag:s1], $0x2000  }
0x248: {  	[sflag:s1] =	ssyncset.done $0x0  }
0x249: {  	[sflag:s1] =	ssyncadd.s32 $0xFFFFE000  }
0x24a: {  	s7 =	sadd.s32 $0x4, s17;
	_ =	swait.ge [sflag:s29], $0x2000  }
0x24b: {  	s9 =	sshll.u32 s7, $0x6;
	[sflag:s29] =	ssyncset.done $0x0  }
0x24c: {  	s0 =	sand.u32 $0x3FFFFFC0, s9;
	[sflag:s29] =	ssyncadd.s32 $0xFFFFE000  }
0x24d: {  	s10 =	simm.s32 $0x0;
	s9 =	simm.s32 $0xE420;
	v11 =	vld [tilespmem:s0+$0x1A800]  }
0x24e: {  	v8 =	vmov s10;
	v9 =	vld [tilespmem:s9+$0xFFFFFFE0]  }
0x24f: {  	v16 =	vand.u32 $0x7F, v8  }
0x250: {  	v12 =	vadd.s32 v1, v16;
	_ =	sdelay $0x1  }
0x251: {  	s13 =	simm.s32 $0x1;
	s10 =	simm.s32 $0xE460;
	v13 =	vld [tilespmem:s0+$0x1A810]  }
0x252: {  	v8 =	vmov s13;
	v14 =	vld [tilespmem:s10+$0xFFFFFFE0];
	v15 =	vadd.f32 v9, v11  }
0x253: {  	v10 =	vld [tilespmem:s0+$0x1A820];
	v9 =	vand.u32 $0x7F, v8  }
0x254: {  	v8 =	vld [tilespmem:s0+$0x1A830];
	v17 =	vadd.s32 v1, v9;
	[tilespmem:v12+s24+$0x0] =	vst.idx.msk $0xffff, v15  }
0x255: {  	v15 =	vld [tilespmem:s9+$0xFFFFFFF0];
	_ =	sdelay $0x1  }
0x256: {  	s21 =	simm.s32 $0x2;
	s13 =	simm.s32 $0xE4A0;
	v18 =	vadd.s32 v5, v16;
	v14 =	vadd.f32 v14, v11  }
0x257: {  	v19 =	vld [tilespmem:s13+$0xFFFFFFE0];
	v12 =	vmov s21  }
0x258: {  	v12 =	vand.u32 $0x7F, v12;
	[tilespmem:v17+s24+$0x0] =	vst.idx.msk $0xffff, v14  }
0x259: {  	v14 =	vadd.s32 v1, v12;
	v17 =	vld [tilespmem:s10+$0xFFFFFFF0];
	v15 =	vadd.f32 v15, v13;
	_ =	sdelay $0x1  }
0x25a: {  	[tilespmem:v18+s24+$0x0] =	vst.idx.msk $0xffff, v15  }
0x25b: {  	s8 =	simm.s32 $0x3;
	v20 =	vadd.s32 v5, v9;
	s21 =	simm.s32 $0xE4E0;
	v15 =	vadd.f32 v19, v11;
	v18 =	vld [tilespmem:s9+$0x0]  }
0x25c: {  	v21 =	vld [tilespmem:s21+$0xFFFFFFE0];
	v19 =	vmov s8  }
0x25d: {  	[tilespmem:v14+s24+$0x0] =	vst.idx.msk $0xffff, v15;
	v15 =	vadd.f32 v17, v13;
	v14 =	vand.u32 $0x7F, v19;
	v17 =	vadd.s32 v6, v16  }
0x25e: {  	v22 =	vadd.s32 v1, v14  }
0x25f: {  	v19 =	vld [tilespmem:s13+$0xFFFFFFF0]  }
0x260: {  	[tilespmem:v20+s24+$0x0] =	vst.idx.msk $0xffff, v15;
	v15 =	vadd.f32 v18, v10  }
0x261: {  	s0 =	simm.s32 $0xE520;
	v23 =	vadd.s32 v5, v12;
	s8 =	simm.s32 $0x4;
	v24 =	vld [tilespmem:s10+$0x0];
	v18 =	vadd.f32 v21, v11  }
0x262: {  	v25 =	vld [tilespmem:s0+$0xFFFFFFE0];
	v20 =	vmov s8;
	[tilespmem:v17+s24+$0x0] =	vst.idx.msk $0xffff, v15  }
0x263: {  	v15 =	vand.u32 $0x7F, v20;
	[tilespmem:v22+s24+$0x0] =	vst.idx.msk $0xffff, v18;
	v18 =	vadd.s32 v6, v9;
	v17 =	vld [tilespmem:s9+$0x10]  }
0x264: {  	v19 =	vadd.f32 v19, v13;
	v20 =	vadd.s32 v1, v15  }
0x265: {  	v16 =	vadd.s32 v7, v16;
	v21 =	vld [tilespmem:s21+$0xFFFFFFF0]  }
0x266: {  	[tilespmem:v23+s24+$0x0] =	vst.idx.msk $0xffff, v19;
	v23 =	vadd.f32 v24, v10  }
0x267: {  	s8 =	simm.s32 $0x5;
	v22 =	vadd.s32 v5, v14;
	s9 =	simm.s32 $0xE560;
	v24 =	vadd.f32 v25, v11;
	v19 =	vld [tilespmem:s13+$0x0]  }
.LBB2_31:
0x268: {  	v25 =	vmov s8;
	v26 =	vld [tilespmem:s9+$0xFFFFFFE0];
	[tilespmem:v18+s24+$0x0] =	vst.idx.msk $0xffff, v23;
	v23 =	vadd.f32 v17, v8;
	p1 =	sne.s32 s8, $0x7F  }
.Ltmp14:
0x269: {  	s8 =	sadd.s32 $0x1, s8;
	v18 =	vadd.s32 v6, v12;
	v25 =	vand.u32 $0x7F, v25;
	[tilespmem:v20+s24+$0x0] =	vst.idx.msk $0xffff, v24;
	v17 =	vld [tilespmem:s10+$0x10];
	(pc) =	sbr.rel @p1 .LBB2_31-.Ltmp14, $4  }
0x26a: {  	s10 =	smov.u32 s13;
	s13 =	smov.u32 s21;
	s21 =	smov.u32 s0;
	v20 =	vadd.s32 v1, v25;
	v24 =	vadd.f32 v21, v13;
	[tilespmem:v16+s24+$0x0] =	vst.idx.msk $0xffff, v23  }
0x26b: {  	s0 =	smov.u32 s9;
	v16 =	vadd.s32 v7, v9;
	v9 =	vmovc v12;
	v12 =	vmovc v14;
	v14 =	vmov v15;
	v15 =	vmov v25;
	v21 =	vld [tilespmem:s21+$0xFFFFFFF0]  }
0x26c: {  	[tilespmem:v22+s24+$0x0] =	vst.idx.msk $0xffff, v24;
	v23 =	vadd.f32 v19, v10  }
0x26d: {  	s9 =	sadd.s32 $0x40, s9;
	v22 =	vadd.s32 v5, v14;
	v24 =	vadd.f32 v26, v11;
	v19 =	vld [tilespmem:s13+$0x0]  }
0x26e: {  	_ =	sdelay $0x3  }
0x26f: {  	[tilespmem:v20+s24+$0x0] =	vst.idx.msk $0xffff, v24  }
0x270: {  	v11 =	vld [tilespmem:s0+$0xFFFFFFF0];
	_ =	sdelay $0x1  }
0x271: {  	v53 =	vadd.s32 v5, v15;
	_ =	sdelay $0x1  }
0x272: {  	v21 =	vadd.f32 v21, v13  }
0x273: {  	v11 =	vadd.f32 v11, v13  }
0x274: {  	[tilespmem:v22+s24+$0x0] =	vst.idx.msk $0xffff, v21  }
0x275: {  	v54 =	vld [tilespmem:s21+$0x0];
	[tilespmem:v53+s24+$0x0] =	vst.idx.msk $0xffff, v11  }
0x276: {  	v55 =	vadd.s32 v6, v12;
	v20 =	vld [tilespmem:s0+$0x0]  }
0x277: {  	v56 =	vadd.s32 v6, v14  }
0x278: {  	v57 =	vadd.s32 v6, v15  }
0x279: {  	v19 =	vadd.f32 v19, v10  }
0x27a: {  	[tilespmem:v18+s24+$0x0] =	vst.idx.msk $0xffff, v23;
	v13 =	vadd.f32 v54, v10  }
0x27b: {  	v18 =	vld [tilespmem:s10+$0x10];
	[tilespmem:v55+s24+$0x0] =	vst.idx.msk $0xffff, v19;
	v58 =	vadd.f32 v20, v10  }
0x27c: {  	v11 =	vld [tilespmem:s13+$0x10];
	[tilespmem:v56+s24+$0x0] =	vst.idx.msk $0xffff, v13  }
0x27d: {  	v9 =	vadd.s32 v7, v9;
	v13 =	vld [tilespmem:s21+$0x10];
	[tilespmem:v57+s24+$0x0] =	vst.idx.msk $0xffff, v58  }
0x27e: {  	v59 =	vadd.s32 v7, v12;
	v60 =	vld [tilespmem:s0+$0x10]  }
0x27f: {  	v17 =	vadd.f32 v17, v8;
	v61 =	vadd.s32 v7, v14  }
0x280: {  	v62 =	vadd.s32 v7, v15;
	v18 =	vadd.f32 v18, v8  }
0x281: {  	[tilespmem:v16+s24+$0x0] =	vst.idx.msk $0xffff, v17;
	v11 =	vadd.f32 v11, v8  }
0x282: {  	[tilespmem:v9+s24+$0x0] =	vst.idx.msk $0xffff, v18;
	v63 =	vadd.f32 v13, v8  }
0x283: {  	[tilespmem:v59+s24+$0x0] =	vst.idx.msk $0xffff, v11;
	v8 =	vadd.f32 v60, v8  }
0x284: {  	[tilespmem:v61+s24+$0x0] =	vst.idx.msk $0xffff, v63  }
0x285: {  	s8 =	simm.s32 @!p0 $0x40;
	s9 =	simm.s32 @!p0 $0xE400;
	s0 =	sadd.s32 @!p0 $0x500, s19;
	[tilespmem:v62+s24+$0x0] =	vst.idx.msk $0xffff, v8  }
0x286: {  	[tilespmem:s9], [sflag:$0x5] =	stream.indirect.gather @!p0 [hbm4b:s6+s8], $0x40, s0, s8, $0xb8;
	[tilespmem:$0x1DA00] =	vst v63  }
0x287: {  	s7 =	sshll.u32 s7, $0x12;
	s0 =	sadd.s32 @!p0 $0x540, s19;
	s9 =	simm.s32 @!p0 $0xF400  }
0x288: {  	[tilespmem:s9], [sflag:$0x5] =	stream.indirect.gather @!p0 [hbm4b:s6+s8], $0x40, s0, s8, $0xb8;
	[tilespmem:$0x1DA00] =	vst v63  }
0x289: {  	s0 =	sor.u32 s5, s7  }
0x28a: {  	s0 =	sshrl.u32 s0, $0x3  }
0x28b: {  	s8 =	simm.s32 $0x12400;
	s7 =	sadd.s32 s2, s0  }
0x28c: {  	[hbm4b:s7+s4] =	stream.linear.scatter [tilespmem:s8], [sflag:$0x7], $0x80, $0x38;
	[tilespmem:$0x1DA00] =	vst v63  }
0x28d: {  	s9 =	simm.s32 $0x12488;
	s10 =	sadd.s32 $0x10, s7  }
0x28e: {  	[hbm4b:s10+s4] =	stream.linear.scatter [tilespmem:s9], [sflag:$0x7], $0x80, $0x38;
	[tilespmem:$0x1DA00] =	vst v63  }
0x28f: {  	s13 =	simm.s32 $0x12510;
	s0 =	simm.s32 $0x440;
	s21 =	sadd.s32 $0x20, s7  }
0x290: {  	[hbm4b:s21+s4] =	stream.linear.scatter [tilespmem:s13], [sflag:$0x7], $0x80, $0x38;
	[tilespmem:$0x1DA00] =	vst v63  }
0x291: {  	s8 =	simm.s32 $0x2200;
	s9 =	simm.s32 $0x12598;
	s10 =	sadd.s32 $0x30, s7  }
0x292: {  	[hbm4b:s10+s4] =	stream.linear.scatter [tilespmem:s9], [sflag:$0x7], $0x80, $0x38;
	[tilespmem:$0x1DA00] =	vst v63  }
0x293: {  	s13 =	simm.s32 $0x12620;
	s21 =	sadd.s32 $0x40, s7;
	s9 =	simm.s32 $0x126A8  }
0x294: {  	[hbm4b:s21+s4] =	stream.linear.scatter [tilespmem:s13], [sflag:$0x7], $0x80, $0x38;
	[tilespmem:$0x1DA00] =	vst v63  }
0x295: {  	s10 =	sadd.s32 $0x50, s7;
	s13 =	simm.s32 $0x12730;
	s21 =	sadd.s32 $0x60, s7  }
0x296: {  	[hbm4b:s10+s4] =	stream.linear.scatter [tilespmem:s9], [sflag:$0x7], $0x80, $0x38;
	[tilespmem:$0x1DA00] =	vst v63  }
0x297: {  	s9 =	simm.s32 $0x127B8;
	s10 =	sadd.s32 $0x70, s7;
	s7 =	sadd.s32 $0x1000, s7  }
0x298: {  	[hbm4b:s21+s4] =	stream.linear.scatter [tilespmem:s13], [sflag:$0x7], $0x80, $0x38;
	[tilespmem:$0x1DA00] =	vst v63  }
.LBB2_33:
0x299: {  	[hbm4b:s10+s4] =	stream.linear.scatter [tilespmem:s9], [sflag:$0x7], $0x80, $0x38;
	[tilespmem:$0x1DA00] =	vst v63  }
0x29a: {  	s9 =	smov.u32 s0;
	s0 =	smov.u32 s8  }
0x29b: {  	s13 =	sadd.s32 $0x1100, s8;
	s0 =	sshra.s32 s0, $0x2;
	s10 =	sadd.s32 $0x12400, s9  }
0x29c: {  	[hbm4b:s7+s4] =	stream.linear.scatter [tilespmem:s10], [sflag:$0x7], $0x80, $0x38;
	[tilespmem:$0x1DA00] =	vst v63  }
0x29d: {  	p1 =	sne.s32 s8, $0x7700;
	s8 =	sadd.s32 $0x12488, s9;
	s10 =	sadd.s32 $0x10, s7  }
0x29e: {  	[hbm4b:s10+s4] =	stream.linear.scatter [tilespmem:s8], [sflag:$0x7], $0x80, $0x38;
	[tilespmem:$0x1DA00] =	vst v63  }
0x29f: {  	s8 =	sadd.s32 $0x12510, s9;
	s10 =	sadd.s32 $0x20, s7  }
0x2a0: {  	[hbm4b:s10+s4] =	stream.linear.scatter [tilespmem:s8], [sflag:$0x7], $0x80, $0x38;
	[tilespmem:$0x1DA00] =	vst v63  }
0x2a1: {  	s8 =	sadd.s32 $0x12598, s9;
	s10 =	sadd.s32 $0x30, s7  }
0x2a2: {  	[hbm4b:s10+s4] =	stream.linear.scatter [tilespmem:s8], [sflag:$0x7], $0x80, $0x38;
	[tilespmem:$0x1DA00] =	vst v63  }
0x2a3: {  	s8 =	sadd.s32 $0x12620, s9;
	s10 =	sadd.s32 $0x40, s7  }
0x2a4: {  	[hbm4b:s10+s4] =	stream.linear.scatter [tilespmem:s8], [sflag:$0x7], $0x80, $0x38;
	[tilespmem:$0x1DA00] =	vst v63  }
.Ltmp15:
0x2a5: {  	s8 =	sadd.s32 $0x126A8, s9;
	s10 =	sadd.s32 $0x50, s7;
	(pc) =	sbr.rel @p1 .LBB2_33-.Ltmp15, $4  }
0x2a6: {  	[hbm4b:s10+s4] =	stream.linear.scatter [tilespmem:s8], [sflag:$0x7], $0x80, $0x38;
	[tilespmem:$0x1DA00] =	vst v63  }
0x2a7: {  	s8 =	sadd.s32 $0x12730, s9;
	s10 =	sadd.s32 $0x60, s7;
	s9 =	sadd.s32 $0x127B8, s9  }
0x2a8: {  	[hbm4b:s10+s4] =	stream.linear.scatter [tilespmem:s8], [sflag:$0x7], $0x80, $0x38;
	[tilespmem:$0x1DA00] =	vst v63  }
0x2a9: {  	s10 =	sadd.s32 $0x70, s7;
	s7 =	sadd.s32 $0x1000, s7;
	s8 =	smov.u32 s13  }
0x2aa: {  	[hbm4b:s10+s4] =	stream.linear.scatter [tilespmem:s9], [sflag:$0x7], $0x80, $0x38;
	[tilespmem:$0x1DA00] =	vst v63  }
0x2ab: {  	s8 =	sadd.s32 $0x12400, s0  }
0x2ac: {  	[hbm4b:s7+s4] =	stream.linear.scatter [tilespmem:s8], [sflag:$0x7], $0x80, $0x38;
	[tilespmem:$0x1DA00] =	vst v63  }
0x2ad: {  	s9 =	sadd.s32 $0x12488, s0;
	s10 =	sadd.s32 $0x10, s7  }
0x2ae: {  	[hbm4b:s10+s4] =	stream.linear.scatter [tilespmem:s9], [sflag:$0x7], $0x80, $0x38;
	[tilespmem:$0x1DA00] =	vst v63  }
0x2af: {  	s13 =	sadd.s32 $0x12510, s0;
	s21 =	sadd.s32 $0x20, s7  }
0x2b0: {  	[hbm4b:s21+s4] =	stream.linear.scatter [tilespmem:s13], [sflag:$0x7], $0x80, $0x38;
	[tilespmem:$0x1DA00] =	vst v63  }
0x2b1: {  	s9 =	sadd.s32 $0x12598, s0;
	s10 =	sadd.s32 $0x30, s7  }
0x2b2: {  	[hbm4b:s10+s4] =	stream.linear.scatter [tilespmem:s9], [sflag:$0x7], $0x80, $0x38;
	[tilespmem:$0x1DA00] =	vst v63  }
0x2b3: {  	s13 =	sadd.s32 $0x12620, s0;
	s21 =	sadd.s32 $0x40, s7  }
0x2b4: {  	[hbm4b:s21+s4] =	stream.linear.scatter [tilespmem:s13], [sflag:$0x7], $0x80, $0x38;
	[tilespmem:$0x1DA00] =	vst v63  }
0x2b5: {  	s9 =	sadd.s32 $0x126A8, s0;
	s10 =	sadd.s32 $0x50, s7  }
0x2b6: {  	[hbm4b:s10+s4] =	stream.linear.scatter [tilespmem:s9], [sflag:$0x7], $0x80, $0x38;
	[tilespmem:$0x1DA00] =	vst v63  }
0x2b7: {  	s13 =	sadd.s32 $0x12730, s0;
	s21 =	sadd.s32 $0x60, s7  }
0x2b8: {  	[hbm4b:s21+s4] =	stream.linear.scatter [tilespmem:s13], [sflag:$0x7], $0x80, $0x38;
	[tilespmem:$0x1DA00] =	vst v63  }
0x2b9: {  	s8 =	sadd.s32 $0x127B8, s0;
	s9 =	sadd.s32 $0x70, s7  }
0x2ba: {  	[hbm4b:s9+s4] =	stream.linear.scatter [tilespmem:s8], [sflag:$0x7], $0x80, $0x38;
	[tilespmem:$0x1DA00] =	vst v63  }
0x2bb: {  	_ =	swait.ge [sflag:s3], $0x2000  }
0x2bc: {  	[sflag:s3] =	ssyncset.done $0x0  }
0x2bd: {  	[sflag:s3] =	ssyncadd.s32 $0xFFFFE000  }
0x2be: {  	s7 =	sadd.s32 $0x5, s17;
	_ =	swait.ge [sflag:s31], $0x2000  }
0x2bf: {  	s10 =	sshll.u32 s7, $0x6;
	[sflag:s31] =	ssyncset.done $0x0  }
0x2c0: {  	s0 =	sand.u32 $0x3FFFFFC0, s10;
	[sflag:s31] =	ssyncadd.s32 $0xFFFFE000  }
0x2c1: {  	s13 =	simm.s32 $0x0;
	s9 =	simm.s32 $0x10420;
	v11 =	vld [tilespmem:s0+$0x1A800]  }
0x2c2: {  	v8 =	vmov s13;
	v9 =	vld [tilespmem:s9+$0xFFFFFFE0]  }
0x2c3: {  	v16 =	vand.u32 $0x7F, v8  }
0x2c4: {  	v12 =	vadd.s32 v1, v16;
	_ =	sdelay $0x1  }
0x2c5: {  	s17 =	simm.s32 $0x1;
	s10 =	simm.s32 $0x10460;
	v13 =	vld [tilespmem:s0+$0x1A810]  }
0x2c6: {  	v8 =	vmov s17;
	v14 =	vld [tilespmem:s10+$0xFFFFFFE0];
	v15 =	vadd.f32 v9, v11  }
0x2c7: {  	v10 =	vld [tilespmem:s0+$0x1A820];
	v9 =	vand.u32 $0x7F, v8  }
0x2c8: {  	v8 =	vld [tilespmem:s0+$0x1A830];
	v17 =	vadd.s32 v1, v9;
	[tilespmem:v12+s26+$0x0] =	vst.idx.msk $0xffff, v15  }
0x2c9: {  	v15 =	vld [tilespmem:s9+$0xFFFFFFF0];
	_ =	sdelay $0x1  }
0x2ca: {  	s21 =	simm.s32 $0x2;
	s13 =	simm.s32 $0x104A0;
	v18 =	vadd.s32 v5, v16;
	v14 =	vadd.f32 v14, v11  }
0x2cb: {  	v19 =	vld [tilespmem:s13+$0xFFFFFFE0];
	v12 =	vmov s21  }
0x2cc: {  	v12 =	vand.u32 $0x7F, v12;
	[tilespmem:v17+s26+$0x0] =	vst.idx.msk $0xffff, v14  }
0x2cd: {  	v14 =	vadd.s32 v1, v12;
	v17 =	vld [tilespmem:s10+$0xFFFFFFF0];
	v15 =	vadd.f32 v15, v13;
	_ =	sdelay $0x1  }
0x2ce: {  	[tilespmem:v18+s26+$0x0] =	vst.idx.msk $0xffff, v15  }
0x2cf: {  	s8 =	simm.s32 $0x3;
	s17 =	simm.s32 $0x104E0;
	v20 =	vadd.s32 v5, v9;
	v15 =	vadd.f32 v19, v11;
	v18 =	vld [tilespmem:s9+$0x0]  }
0x2d0: {  	v21 =	vld [tilespmem:s17+$0xFFFFFFE0];
	v19 =	vmov s8  }
0x2d1: {  	[tilespmem:v14+s26+$0x0] =	vst.idx.msk $0xffff, v15;
	v15 =	vadd.f32 v17, v13;
	v14 =	vand.u32 $0x7F, v19;
	v17 =	vadd.s32 v6, v16  }
0x2d2: {  	v22 =	vadd.s32 v1, v14  }
0x2d3: {  	v19 =	vld [tilespmem:s13+$0xFFFFFFF0]  }
0x2d4: {  	[tilespmem:v20+s26+$0x0] =	vst.idx.msk $0xffff, v15;
	v15 =	vadd.f32 v18, v10  }
0x2d5: {  	s0 =	simm.s32 $0x10520;
	s21 =	simm.s32 $0x4;
	v23 =	vadd.s32 v5, v12;
	v24 =	vld [tilespmem:s10+$0x0];
	v18 =	vadd.f32 v21, v11  }
0x2d6: {  	v25 =	vld [tilespmem:s0+$0xFFFFFFE0];
	v20 =	vmov s21;
	[tilespmem:v17+s26+$0x0] =	vst.idx.msk $0xffff, v15  }
0x2d7: {  	v15 =	vand.u32 $0x7F, v20;
	[tilespmem:v22+s26+$0x0] =	vst.idx.msk $0xffff, v18;
	v18 =	vadd.s32 v6, v9;
	v17 =	vld [tilespmem:s9+$0x10]  }
0x2d8: {  	v19 =	vadd.f32 v19, v13;
	v20 =	vadd.s32 v1, v15  }
0x2d9: {  	v16 =	vadd.s32 v7, v16;
	v21 =	vld [tilespmem:s17+$0xFFFFFFF0]  }
0x2da: {  	[tilespmem:v23+s26+$0x0] =	vst.idx.msk $0xffff, v19;
	v23 =	vadd.f32 v24, v10  }
0x2db: {  	s8 =	simm.s32 $0x5;
	v22 =	vadd.s32 v5, v14;
	s9 =	simm.s32 $0x10560;
	v24 =	vadd.f32 v25, v11;
	v19 =	vld [tilespmem:s13+$0x0]  }
.LBB2_35:
0x2dc: {  	v25 =	vmov s8;
	v26 =	vld [tilespmem:s9+$0xFFFFFFE0];
	[tilespmem:v18+s26+$0x0] =	vst.idx.msk $0xffff, v23;
	v23 =	vadd.f32 v17, v8;
	p1 =	sne.s32 s8, $0x7F  }
.Ltmp16:
0x2dd: {  	s8 =	sadd.s32 $0x1, s8;
	v18 =	vadd.s32 v6, v12;
	v25 =	vand.u32 $0x7F, v25;
	[tilespmem:v20+s26+$0x0] =	vst.idx.msk $0xffff, v24;
	v17 =	vld [tilespmem:s10+$0x10];
	(pc) =	sbr.rel @p1 .LBB2_35-.Ltmp16, $4  }
0x2de: {  	s10 =	smov.u32 s13;
	s13 =	smov.u32 s17;
	s17 =	smov.u32 s0;
	v20 =	vadd.s32 v1, v25;
	v24 =	vadd.f32 v21, v13;
	[tilespmem:v16+s26+$0x0] =	vst.idx.msk $0xffff, v23  }
0x2df: {  	s0 =	smov.u32 s9;
	v16 =	vadd.s32 v7, v9;
	v9 =	vmovc v12;
	v12 =	vmovc v14;
	v14 =	vmov v15;
	v15 =	vmov v25;
	v21 =	vld [tilespmem:s17+$0xFFFFFFF0]  }
0x2e0: {  	[tilespmem:v22+s26+$0x0] =	vst.idx.msk $0xffff, v24;
	v23 =	vadd.f32 v19, v10  }
0x2e1: {  	s9 =	sadd.s32 $0x40, s9;
	v22 =	vadd.s32 v5, v14;
	v24 =	vadd.f32 v26, v11;
	v19 =	vld [tilespmem:s13+$0x0]  }
0x2e2: {  	_ =	sdelay $0x3  }
0x2e3: {  	[tilespmem:v20+s26+$0x0] =	vst.idx.msk $0xffff, v24  }
0x2e4: {  	v11 =	vld [tilespmem:s0+$0xFFFFFFF0];
	_ =	sdelay $0x1  }
0x2e5: {  	v53 =	vadd.s32 v5, v15;
	_ =	sdelay $0x1  }
0x2e6: {  	v21 =	vadd.f32 v21, v13  }
0x2e7: {  	v11 =	vadd.f32 v11, v13  }
0x2e8: {  	[tilespmem:v22+s26+$0x0] =	vst.idx.msk $0xffff, v21  }
0x2e9: {  	v54 =	vld [tilespmem:s17+$0x0];
	[tilespmem:v53+s26+$0x0] =	vst.idx.msk $0xffff, v11  }
0x2ea: {  	v55 =	vadd.s32 v6, v12;
	v20 =	vld [tilespmem:s0+$0x0]  }
0x2eb: {  	v56 =	vadd.s32 v6, v14  }
0x2ec: {  	v57 =	vadd.s32 v6, v15  }
0x2ed: {  	v19 =	vadd.f32 v19, v10  }
0x2ee: {  	[tilespmem:v18+s26+$0x0] =	vst.idx.msk $0xffff, v23;
	v13 =	vadd.f32 v54, v10  }
0x2ef: {  	v18 =	vld [tilespmem:s10+$0x10];
	[tilespmem:v55+s26+$0x0] =	vst.idx.msk $0xffff, v19;
	v58 =	vadd.f32 v20, v10  }
0x2f0: {  	v11 =	vld [tilespmem:s13+$0x10];
	[tilespmem:v56+s26+$0x0] =	vst.idx.msk $0xffff, v13  }
0x2f1: {  	v9 =	vadd.s32 v7, v9;
	v13 =	vld [tilespmem:s17+$0x10];
	[tilespmem:v57+s26+$0x0] =	vst.idx.msk $0xffff, v58  }
0x2f2: {  	v59 =	vadd.s32 v7, v12;
	v60 =	vld [tilespmem:s0+$0x10]  }
0x2f3: {  	v17 =	vadd.f32 v17, v8;
	v61 =	vadd.s32 v7, v14  }
0x2f4: {  	v62 =	vadd.s32 v7, v15;
	v18 =	vadd.f32 v18, v8  }
0x2f5: {  	[tilespmem:v16+s26+$0x0] =	vst.idx.msk $0xffff, v17;
	v11 =	vadd.f32 v11, v8  }
0x2f6: {  	[tilespmem:v9+s26+$0x0] =	vst.idx.msk $0xffff, v18;
	v63 =	vadd.f32 v13, v8  }
0x2f7: {  	[tilespmem:v59+s26+$0x0] =	vst.idx.msk $0xffff, v11;
	v8 =	vadd.f32 v60, v8  }
0x2f8: {  	[tilespmem:v61+s26+$0x0] =	vst.idx.msk $0xffff, v63  }
0x2f9: {  	s8 =	simm.s32 @!p0 $0x40;
	s9 =	simm.s32 @!p0 $0x10400;
	s0 =	sadd.s32 @!p0 $0x580, s19;
	[tilespmem:v62+s26+$0x0] =	vst.idx.msk $0xffff, v8  }
0x2fa: {  	[tilespmem:s9], [sflag:$0x6] =	stream.indirect.gather @!p0 [hbm4b:s6+s8], $0x40, s0, s8, $0xb8;
	[tilespmem:$0x1DA00] =	vst v63  }
0x2fb: {  	s7 =	sshll.u32 s7, $0x12;
	s0 =	sadd.s32 @!p0 $0x5C0, s19;
	s9 =	simm.s32 @!p0 $0x11400  }
0x2fc: {  	[tilespmem:s9], [sflag:$0x6] =	stream.indirect.gather @!p0 [hbm4b:s6+s8], $0x40, s0, s8, $0xb8;
	[tilespmem:$0x1DA00] =	vst v63  }
0x2fd: {  	s0 =	sor.u32 s5, s7  }
0x2fe: {  	s0 =	sshrl.u32 s0, $0x3  }
0x2ff: {  	s8 =	simm.s32 $0x14600;
	s7 =	sadd.s32 s2, s0  }
0x300: {  	[hbm4b:s7+s4] =	stream.linear.scatter [tilespmem:s8], [sflag:$0x8], $0x80, $0x38;
	[tilespmem:$0x1DA00] =	vst v63  }
0x301: {  	s9 =	simm.s32 $0x14688;
	s10 =	sadd.s32 $0x10, s7  }
0x302: {  	[hbm4b:s10+s4] =	stream.linear.scatter [tilespmem:s9], [sflag:$0x8], $0x80, $0x38;
	[tilespmem:$0x1DA00] =	vst v63  }
0x303: {  	s13 =	simm.s32 $0x14710;
	s19 =	simm.s32 $0x14798;
	s17 =	sadd.s32 $0x20, s7  }
0x304: {  	[hbm4b:s17+s4] =	stream.linear.scatter [tilespmem:s13], [sflag:$0x8], $0x80, $0x38;
	[tilespmem:$0x1DA00] =	vst v63  }
0x305: {  	s0 =	simm.s32 $0x440;
	s21 =	sadd.s32 $0x30, s7;
	s8 =	simm.s32 $0x2200  }
0x306: {  	[hbm4b:s21+s4] =	stream.linear.scatter [tilespmem:s19], [sflag:$0x8], $0x80, $0x38;
	[tilespmem:$0x1DA00] =	vst v63  }
0x307: {  	s9 =	simm.s32 $0x14820;
	s10 =	sadd.s32 $0x40, s7;
	s13 =	simm.s32 $0x148A8  }
0x308: {  	[hbm4b:s10+s4] =	stream.linear.scatter [tilespmem:s9], [sflag:$0x8], $0x80, $0x38;
	[tilespmem:$0x1DA00] =	vst v63  }
0x309: {  	s17 =	sadd.s32 $0x50, s7;
	s19 =	simm.s32 $0x14930;
	s21 =	sadd.s32 $0x60, s7  }
0x30a: {  	[hbm4b:s17+s4] =	stream.linear.scatter [tilespmem:s13], [sflag:$0x8], $0x80, $0x38;
	[tilespmem:$0x1DA00] =	vst v63  }
0x30b: {  	s9 =	simm.s32 $0x149B8;
	s10 =	sadd.s32 $0x70, s7;
	s7 =	sadd.s32 $0x1000, s7  }
0x30c: {  	[hbm4b:s21+s4] =	stream.linear.scatter [tilespmem:s19], [sflag:$0x8], $0x80, $0x38;
	[tilespmem:$0x1DA00] =	vst v63  }
.LBB2_37:
0x30d: {  	[hbm4b:s10+s4] =	stream.linear.scatter [tilespmem:s9], [sflag:$0x8], $0x80, $0x38;
	[tilespmem:$0x1DA00] =	vst v63  }
0x30e: {  	s9 =	smov.u32 s0;
	s0 =	smov.u32 s8  }
0x30f: {  	s13 =	sadd.s32 $0x1100, s8;
	s0 =	sshra.s32 s0, $0x2;
	s10 =	sadd.s32 $0x14600, s9  }
0x310: {  	[hbm4b:s7+s4] =	stream.linear.scatter [tilespmem:s10], [sflag:$0x8], $0x80, $0x38;
	[tilespmem:$0x1DA00] =	vst v63  }
0x311: {  	p0 =	sne.s32 s8, $0x7700;
	s8 =	sadd.s32 $0x14688, s9;
	s10 =	sadd.s32 $0x10, s7  }
0x312: {  	[hbm4b:s10+s4] =	stream.linear.scatter [tilespmem:s8], [sflag:$0x8], $0x80, $0x38;
	[tilespmem:$0x1DA00] =	vst v63  }
0x313: {  	s8 =	sadd.s32 $0x14710, s9;
	s10 =	sadd.s32 $0x20, s7  }
0x314: {  	[hbm4b:s10+s4] =	stream.linear.scatter [tilespmem:s8], [sflag:$0x8], $0x80, $0x38;
	[tilespmem:$0x1DA00] =	vst v63  }
0x315: {  	s8 =	sadd.s32 $0x14798, s9;
	s10 =	sadd.s32 $0x30, s7  }
0x316: {  	[hbm4b:s10+s4] =	stream.linear.scatter [tilespmem:s8], [sflag:$0x8], $0x80, $0x38;
	[tilespmem:$0x1DA00] =	vst v63  }
0x317: {  	s8 =	sadd.s32 $0x14820, s9;
	s10 =	sadd.s32 $0x40, s7  }
0x318: {  	[hbm4b:s10+s4] =	stream.linear.scatter [tilespmem:s8], [sflag:$0x8], $0x80, $0x38;
	[tilespmem:$0x1DA00] =	vst v63  }
.Ltmp17:
0x319: {  	s8 =	sadd.s32 $0x148A8, s9;
	s10 =	sadd.s32 $0x50, s7;
	(pc) =	sbr.rel @p0 .LBB2_37-.Ltmp17, $4  }
0x31a: {  	[hbm4b:s10+s4] =	stream.linear.scatter [tilespmem:s8], [sflag:$0x8], $0x80, $0x38;
	[tilespmem:$0x1DA00] =	vst v63  }
0x31b: {  	s8 =	sadd.s32 $0x14930, s9;
	s10 =	sadd.s32 $0x60, s7;
	s9 =	sadd.s32 $0x149B8, s9  }
0x31c: {  	[hbm4b:s10+s4] =	stream.linear.scatter [tilespmem:s8], [sflag:$0x8], $0x80, $0x38;
	[tilespmem:$0x1DA00] =	vst v63  }
0x31d: {  	s10 =	sadd.s32 $0x70, s7;
	s7 =	sadd.s32 $0x1000, s7;
	s8 =	smov.u32 s13  }
0x31e: {  	[hbm4b:s10+s4] =	stream.linear.scatter [tilespmem:s9], [sflag:$0x8], $0x80, $0x38;
	[tilespmem:$0x1DA00] =	vst v63  }
0x31f: {  	s8 =	sadd.s32 $0x14600, s0  }
0x320: {  	[hbm4b:s7+s4] =	stream.linear.scatter [tilespmem:s8], [sflag:$0x8], $0x80, $0x38;
	[tilespmem:$0x1DA00] =	vst v63  }
0x321: {  	s19 =	sadd.s32 $0x14688, s0;
	s21 =	sadd.s32 $0x10, s7  }
0x322: {  	[hbm4b:s21+s4] =	stream.linear.scatter [tilespmem:s19], [sflag:$0x8], $0x80, $0x38;
	[tilespmem:$0x1DA00] =	vst v63  }
0x323: {  	s9 =	sadd.s32 $0x14710, s0;
	s10 =	sadd.s32 $0x20, s7  }
0x324: {  	[hbm4b:s10+s4] =	stream.linear.scatter [tilespmem:s9], [sflag:$0x8], $0x80, $0x38;
	[tilespmem:$0x1DA00] =	vst v63  }
0x325: {  	s13 =	sadd.s32 $0x14798, s0;
	s17 =	sadd.s32 $0x30, s7  }
0x326: {  	[hbm4b:s17+s4] =	stream.linear.scatter [tilespmem:s13], [sflag:$0x8], $0x80, $0x38;
	[tilespmem:$0x1DA00] =	vst v63  }
0x327: {  	s12 =	sadd.s32 $0x1, s12;
	s19 =	sadd.s32 $0x14820, s0;
	s21 =	sadd.s32 $0x40, s7  }
0x328: {  	[hbm4b:s21+s4] =	stream.linear.scatter [tilespmem:s19], [sflag:$0x8], $0x80, $0x38;
	[tilespmem:$0x1DA00] =	vst v63  }
0x329: {  	p0 =	sne.s32 s12, $0x21;
	s9 =	sadd.s32 $0x148A8, s0;
	s10 =	sadd.s32 $0x50, s7  }
0x32a: {  	[hbm4b:s10+s4] =	stream.linear.scatter [tilespmem:s9], [sflag:$0x8], $0x80, $0x38;
	[tilespmem:$0x1DA00] =	vst v63  }
.Ltmp18:
0x32b: {  	_ = 	snop;
	(pc) =	sbr.rel @p0 .LBB2_4-.Ltmp18, $4  }
.Ltmp19:
0x32c: {  	s13 =	sadd.s32 $0x14930, s0;
	s17 =	sadd.s32 $0x60, s7;
	(pc) =	sbr.rel @!p0 .LBB2_39-.Ltmp19, $4  }
0x32d: {  	[hbm4b:s17+s4] =	stream.linear.scatter [tilespmem:s13], [sflag:$0x8], $0x80, $0x38;
	[tilespmem:$0x1DA00] =	vst v63  }
0x32e: {  	s19 =	sadd.s32 $0x149B8, s0;
	s21 =	sadd.s32 $0x70, s7  }
0x32f: {  	[hbm4b:s21+s4] =	stream.linear.scatter [tilespmem:s19], [sflag:$0x8], $0x80, $0x38;
	[tilespmem:$0x1DA00] =	vst v63  }
0x330: {  	_ = 	snop  }
.LBB2_5:
.Ltmp20:
0x331: {  	(pc) =	sbr.rel .LBB2_16-.Ltmp20, $2  }
0x332: {  	_ =	sdelay $0x2  }
0x333: {  	v12 =	vmov v11;
	s10 =	simm.s32 $0x6420  }
.LBB2_7:
.Ltmp21:
0x334: {  	(pc) =	sbr.rel .LBB2_16-.Ltmp21, $2  }
0x335: {  	_ =	sdelay $0x2  }
0x336: {  	v29 =	vmov v11;
	v12 =	vmov v16;
	s8 =	simm.s32 $0x6420;
	s10 =	simm.s32 $0x6460  }
.LBB2_9:
.Ltmp22:
0x337: {  	(pc) =	sbr.rel .LBB2_16-.Ltmp22, $2  }
0x338: {  	_ =	sdelay $0x2  }
0x339: {  	v23 =	vmov v11;
	v29 =	vmov v16;
	s7 =	simm.s32 $0x6420;
	s8 =	simm.s32 $0x6460;
	s10 =	simm.s32 $0x64A0;
	v12 =	vmov v26  }
.LBB2_11:
.Ltmp23:
0x33a: {  	_ = 	snop;
	(pc) =	sbr.rel .LBB2_16-.Ltmp23, $3  }
0x33b: {  	_ =	sdelay $0x1  }
0x33c: {  	v20 =	vmov v22  }
0x33d: {  	v23 =	vmovc v16;
	s13 =	simm.s32 $0x6420;
	s7 =	simm.s32 $0x6460;
	s8 =	simm.s32 $0x64A0;
	v28 =	vmovc v11;
	v29 =	vmov v26;
	v24 =	vmov v21;
	v25 =	vmov v27  }
.LBB2_13:
.Ltmp24:
0x33e: {  	(pc) =	sbr.rel .LBB2_16-.Ltmp24, $2  }
0x33f: {  	_ =	sdelay $0x2  }
0x340: {  	v29 =	vmovc v12;
	v23 =	vmov v26;
	s13 =	simm.s32 $0x6460;
	s8 =	simm.s32 $0x64E0;
	s10 =	simm.s32 $0x6520;
	v28 =	vmov v16;
	v12 =	vmov v30  }
.LBB2_39:
0x341: {  	_ =	swait.ge [sflag:s23], $0x2000  }
0x342: {  	[sflag:s23] =	ssyncset.done $0x0  }
0x343: {  	[sflag:s23] =	ssyncadd.s32 $0xFFFFE000  }
0x344: {  	_ =	swait.ge [sflag:s29], $0x2000  }
0x345: {  	[sflag:s29] =	ssyncset.done $0x0  }
0x346: {  	[sflag:s29] =	ssyncadd.s32 $0xFFFFE000  }
0x347: {  	s0 =	simm.s32 $0x0;
	s8 =	simm.s32 $0x6420;
	v11 =	vld [tilespmem:$0x1D980]  }
0x348: {  	v8 =	vmov s0;
	v9 =	vld [tilespmem:s8+$0xFFFFFFE0]  }
0x349: {  	v16 =	vand.u32 $0x7F, v8  }
0x34a: {  	v12 =	vadd.s32 v1, v16;
	_ =	sdelay $0x1  }
0x34b: {  	s17 =	simm.s32 $0x1;
	s7 =	simm.s32 $0x6460;
	v13 =	vld [tilespmem:$0x1D990]  }
0x34c: {  	v8 =	vmov s17;
	v14 =	vld [tilespmem:s7+$0xFFFFFFE0];
	v15 =	vadd.f32 v9, v11  }
0x34d: {  	v10 =	vld [tilespmem:$0x1D9A0];
	v9 =	vand.u32 $0x7F, v8  }
0x34e: {  	v8 =	vld [tilespmem:$0x1D9B0];
	v17 =	vadd.s32 v1, v9;
	[tilespmem:v12+s24+$0x0] =	vst.idx.msk $0xffff, v15  }
0x34f: {  	v15 =	vld [tilespmem:s8+$0xFFFFFFF0];
	_ =	sdelay $0x1  }
0x350: {  	s19 =	simm.s32 $0x2;
	s10 =	simm.s32 $0x64A0;
	v18 =	vadd.s32 v5, v16;
	v14 =	vadd.f32 v14, v11  }
0x351: {  	v19 =	vld [tilespmem:s10+$0xFFFFFFE0];
	v12 =	vmov s19  }
0x352: {  	v12 =	vand.u32 $0x7F, v12;
	[tilespmem:v17+s24+$0x0] =	vst.idx.msk $0xffff, v14  }
0x353: {  	v14 =	vadd.s32 v1, v12;
	v17 =	vld [tilespmem:s7+$0xFFFFFFF0];
	v15 =	vadd.f32 v15, v13;
	_ =	sdelay $0x1  }
0x354: {  	[tilespmem:v18+s24+$0x0] =	vst.idx.msk $0xffff, v15  }
0x355: {  	s21 =	simm.s32 $0x3;
	s11 =	simm.s32 $0x64E0;
	v20 =	vadd.s32 v5, v9;
	v15 =	vadd.f32 v19, v11;
	v18 =	vld [tilespmem:s8+$0x0]  }
0x356: {  	v21 =	vld [tilespmem:s11+$0xFFFFFFE0];
	v19 =	vmov s21  }
0x357: {  	[tilespmem:v14+s24+$0x0] =	vst.idx.msk $0xffff, v15;
	v15 =	vadd.f32 v17, v13;
	v14 =	vand.u32 $0x7F, v19;
	v17 =	vadd.s32 v6, v16  }
0x358: {  	v22 =	vadd.s32 v1, v14  }
0x359: {  	v19 =	vld [tilespmem:s10+$0xFFFFFFF0]  }
0x35a: {  	[tilespmem:v20+s24+$0x0] =	vst.idx.msk $0xffff, v15;
	v15 =	vadd.f32 v18, v10  }
0x35b: {  	s9 =	simm.s32 $0x4;
	s0 =	simm.s32 $0x6520;
	v23 =	vadd.s32 v5, v12;
	v24 =	vld [tilespmem:s7+$0x0];
	v18 =	vadd.f32 v21, v11  }
0x35c: {  	v25 =	vld [tilespmem:s0+$0xFFFFFFE0];
	v20 =	vmov s9;
	[tilespmem:v17+s24+$0x0] =	vst.idx.msk $0xffff, v15  }
0x35d: {  	v15 =	vand.u32 $0x7F, v20;
	[tilespmem:v22+s24+$0x0] =	vst.idx.msk $0xffff, v18;
	v18 =	vadd.s32 v6, v9;
	v17 =	vld [tilespmem:s8+$0x10]  }
0x35e: {  	v19 =	vadd.f32 v19, v13;
	v20 =	vadd.s32 v1, v15  }
0x35f: {  	v16 =	vadd.s32 v7, v16;
	v21 =	vld [tilespmem:s11+$0xFFFFFFF0]  }
0x360: {  	[tilespmem:v23+s24+$0x0] =	vst.idx.msk $0xffff, v19;
	v23 =	vadd.f32 v24, v10  }
0x361: {  	s9 =	simm.s32 $0x6560;
	v22 =	vadd.s32 v5, v14;
	s8 =	simm.s32 $0x5;
	v24 =	vadd.f32 v25, v11;
	v19 =	vld [tilespmem:s10+$0x0]  }
.LBB2_40:
0x362: {  	v25 =	vmov s8;
	v26 =	vld [tilespmem:s9+$0xFFFFFFE0];
	[tilespmem:v18+s24+$0x0] =	vst.idx.msk $0xffff, v23;
	v23 =	vadd.f32 v17, v8;
	p0 =	sne.s32 s8, $0x7F  }
.Ltmp25:
0x363: {  	s8 =	sadd.s32 $0x1, s8;
	v18 =	vadd.s32 v6, v12;
	v25 =	vand.u32 $0x7F, v25;
	[tilespmem:v20+s24+$0x0] =	vst.idx.msk $0xffff, v24;
	v17 =	vld [tilespmem:s7+$0x10];
	(pc) =	sbr.rel @p0 .LBB2_40-.Ltmp25, $4  }
0x364: {  	s7 =	smov.u32 s10;
	s10 =	smov.u32 s11;
	s11 =	smov.u32 s0;
	v20 =	vadd.s32 v1, v25;
	v24 =	vadd.f32 v21, v13;
	[tilespmem:v16+s24+$0x0] =	vst.idx.msk $0xffff, v23  }
0x365: {  	s0 =	smov.u32 s9;
	v16 =	vadd.s32 v7, v9;
	v9 =	vmovc v12;
	v12 =	vmovc v14;
	v14 =	vmov v15;
	v15 =	vmov v25;
	v21 =	vld [tilespmem:s11+$0xFFFFFFF0]  }
0x366: {  	[tilespmem:v22+s24+$0x0] =	vst.idx.msk $0xffff, v24;
	v23 =	vadd.f32 v19, v10  }
0x367: {  	s9 =	sadd.s32 $0x40, s9;
	v22 =	vadd.s32 v5, v14;
	v24 =	vadd.f32 v26, v11;
	v19 =	vld [tilespmem:s10+$0x0]  }
0x368: {  	_ =	sdelay $0x3  }
0x369: {  	[tilespmem:v20+s24+$0x0] =	vst.idx.msk $0xffff, v24  }
0x36a: {  	v11 =	vld [tilespmem:s0+$0xFFFFFFF0];
	_ =	sdelay $0x1  }
0x36b: {  	v53 =	vadd.s32 v5, v15;
	_ =	sdelay $0x1  }
0x36c: {  	v21 =	vadd.f32 v21, v13  }
0x36d: {  	v11 =	vadd.f32 v11, v13  }
0x36e: {  	[tilespmem:v22+s24+$0x0] =	vst.idx.msk $0xffff, v21  }
0x36f: {  	v54 =	vld [tilespmem:s11+$0x0];
	[tilespmem:v53+s24+$0x0] =	vst.idx.msk $0xffff, v11  }
0x370: {  	v55 =	vadd.s32 v6, v12;
	v20 =	vld [tilespmem:s0+$0x0]  }
0x371: {  	v56 =	vadd.s32 v6, v14  }
0x372: {  	v57 =	vadd.s32 v6, v15  }
0x373: {  	v19 =	vadd.f32 v19, v10  }
0x374: {  	[tilespmem:v18+s24+$0x0] =	vst.idx.msk $0xffff, v23;
	v13 =	vadd.f32 v54, v10  }
0x375: {  	v18 =	vld [tilespmem:s7+$0x10];
	[tilespmem:v55+s24+$0x0] =	vst.idx.msk $0xffff, v19;
	v58 =	vadd.f32 v20, v10  }
0x376: {  	v11 =	vld [tilespmem:s10+$0x10];
	[tilespmem:v56+s24+$0x0] =	vst.idx.msk $0xffff, v13  }
0x377: {  	v9 =	vadd.s32 v7, v9;
	v13 =	vld [tilespmem:s11+$0x10];
	[tilespmem:v57+s24+$0x0] =	vst.idx.msk $0xffff, v58  }
0x378: {  	v59 =	vadd.s32 v7, v12;
	v60 =	vld [tilespmem:s0+$0x10]  }
0x379: {  	v17 =	vadd.f32 v17, v8;
	v61 =	vadd.s32 v7, v14  }
0x37a: {  	v62 =	vadd.s32 v7, v15;
	v18 =	vadd.f32 v18, v8  }
0x37b: {  	[tilespmem:v16+s24+$0x0] =	vst.idx.msk $0xffff, v17;
	v11 =	vadd.f32 v11, v8  }
0x37c: {  	[tilespmem:v9+s24+$0x0] =	vst.idx.msk $0xffff, v18;
	v63 =	vadd.f32 v13, v8  }
0x37d: {  	[tilespmem:v59+s24+$0x0] =	vst.idx.msk $0xffff, v11;
	v8 =	vadd.f32 v60, v8  }
0x37e: {  	[tilespmem:v61+s24+$0x0] =	vst.idx.msk $0xffff, v63  }
0x37f: {  	[tilespmem:v62+s24+$0x0] =	vst.idx.msk $0xffff, v8  }
0x380: {  	s12 =	simm.s32 $0x12400;
	s11 =	rddreg [dreg:$0x6]  }
0x381: {  	[hbm4b:s11+s4] =	stream.linear.scatter [tilespmem:s12], [sflag:$0x7], $0x80, $0x38;
	[tilespmem:$0x1DA00] =	vst v63  }
0x382: {  	s13 =	simm.s32 $0x12488;
	s17 =	sadd.s32 $0x10, s11  }
0x383: {  	[hbm4b:s17+s4] =	stream.linear.scatter [tilespmem:s13], [sflag:$0x7], $0x80, $0x38;
	[tilespmem:$0x1DA00] =	vst v63  }
0x384: {  	s19 =	simm.s32 $0x12510;
	s8 =	simm.s32 $0x12598;
	s21 =	sadd.s32 $0x20, s11  }
0x385: {  	[hbm4b:s21+s4] =	stream.linear.scatter [tilespmem:s19], [sflag:$0x7], $0x80, $0x38;
	[tilespmem:$0x1DA00] =	vst v63  }
0x386: {  	s10 =	simm.s32 $0x12620;
	s0 =	simm.s32 $0x440;
	s9 =	sadd.s32 $0x30, s11  }
0x387: {  	[hbm4b:s9+s4] =	stream.linear.scatter [tilespmem:s8], [sflag:$0x7], $0x80, $0x38;
	[tilespmem:$0x1DA00] =	vst v63  }
0x388: {  	s12 =	sadd.s32 $0x40, s11;
	s7 =	sadd.s32 $0x1000, s11;
	s13 =	simm.s32 $0x126A8  }
0x389: {  	[hbm4b:s12+s4] =	stream.linear.scatter [tilespmem:s10], [sflag:$0x7], $0x80, $0x38;
	[tilespmem:$0x1DA00] =	vst v63  }
0x38a: {  	s17 =	sadd.s32 $0x50, s11;
	s19 =	simm.s32 $0x12730;
	s21 =	sadd.s32 $0x60, s11  }
0x38b: {  	[hbm4b:s17+s4] =	stream.linear.scatter [tilespmem:s13], [sflag:$0x7], $0x80, $0x38;
	[tilespmem:$0x1DA00] =	vst v63  }
0x38c: {  	s8 =	simm.s32 $0x2200;
	s9 =	simm.s32 $0x127B8;
	s10 =	sadd.s32 $0x70, s11  }
0x38d: {  	[hbm4b:s21+s4] =	stream.linear.scatter [tilespmem:s19], [sflag:$0x7], $0x80, $0x38;
	[tilespmem:$0x1DA00] =	vst v63  }
.LBB2_42:
0x38e: {  	[hbm4b:s10+s4] =	stream.linear.scatter [tilespmem:s9], [sflag:$0x7], $0x80, $0x38;
	[tilespmem:$0x1DA00] =	vst v63  }
0x38f: {  	s9 =	smov.u32 s0;
	s0 =	smov.u32 s8  }
0x390: {  	s11 =	sadd.s32 $0x1100, s8;
	s0 =	sshra.s32 s0, $0x2;
	s10 =	sadd.s32 $0x12400, s9  }
0x391: {  	[hbm4b:s7+s4] =	stream.linear.scatter [tilespmem:s10], [sflag:$0x7], $0x80, $0x38;
	[tilespmem:$0x1DA00] =	vst v63  }
0x392: {  	p0 =	sne.s32 s8, $0x7700;
	s8 =	sadd.s32 $0x12488, s9;
	s10 =	sadd.s32 $0x10, s7  }
0x393: {  	[hbm4b:s10+s4] =	stream.linear.scatter [tilespmem:s8], [sflag:$0x7], $0x80, $0x38;
	[tilespmem:$0x1DA00] =	vst v63  }
0x394: {  	s8 =	sadd.s32 $0x12510, s9;
	s10 =	sadd.s32 $0x20, s7  }
0x395: {  	[hbm4b:s10+s4] =	stream.linear.scatter [tilespmem:s8], [sflag:$0x7], $0x80, $0x38;
	[tilespmem:$0x1DA00] =	vst v63  }
0x396: {  	s8 =	sadd.s32 $0x12598, s9;
	s10 =	sadd.s32 $0x30, s7  }
0x397: {  	[hbm4b:s10+s4] =	stream.linear.scatter [tilespmem:s8], [sflag:$0x7], $0x80, $0x38;
	[tilespmem:$0x1DA00] =	vst v63  }
0x398: {  	s8 =	sadd.s32 $0x12620, s9;
	s10 =	sadd.s32 $0x40, s7  }
0x399: {  	[hbm4b:s10+s4] =	stream.linear.scatter [tilespmem:s8], [sflag:$0x7], $0x80, $0x38;
	[tilespmem:$0x1DA00] =	vst v63  }
.Ltmp26:
0x39a: {  	s8 =	sadd.s32 $0x126A8, s9;
	s10 =	sadd.s32 $0x50, s7;
	(pc) =	sbr.rel @p0 .LBB2_42-.Ltmp26, $4  }
0x39b: {  	[hbm4b:s10+s4] =	stream.linear.scatter [tilespmem:s8], [sflag:$0x7], $0x80, $0x38;
	[tilespmem:$0x1DA00] =	vst v63  }
0x39c: {  	s8 =	sadd.s32 $0x12730, s9;
	s10 =	sadd.s32 $0x60, s7;
	s9 =	sadd.s32 $0x127B8, s9  }
0x39d: {  	[hbm4b:s10+s4] =	stream.linear.scatter [tilespmem:s8], [sflag:$0x7], $0x80, $0x38;
	[tilespmem:$0x1DA00] =	vst v63  }
0x39e: {  	s10 =	sadd.s32 $0x70, s7;
	s7 =	sadd.s32 $0x1000, s7;
	s8 =	smov.u32 s11  }
0x39f: {  	[hbm4b:s10+s4] =	stream.linear.scatter [tilespmem:s9], [sflag:$0x7], $0x80, $0x38;
	[tilespmem:$0x1DA00] =	vst v63  }
0x3a0: {  	s8 =	sadd.s32 $0x12400, s0  }
0x3a1: {  	[hbm4b:s7+s4] =	stream.linear.scatter [tilespmem:s8], [sflag:$0x7], $0x80, $0x38;
	[tilespmem:$0x1DA00] =	vst v63  }
0x3a2: {  	s13 =	sadd.s32 $0x12488, s0;
	s17 =	sadd.s32 $0x10, s7  }
0x3a3: {  	[hbm4b:s17+s4] =	stream.linear.scatter [tilespmem:s13], [sflag:$0x7], $0x80, $0x38;
	[tilespmem:$0x1DA00] =	vst v63  }
0x3a4: {  	s19 =	sadd.s32 $0x12510, s0;
	s21 =	sadd.s32 $0x20, s7  }
0x3a5: {  	[hbm4b:s21+s4] =	stream.linear.scatter [tilespmem:s19], [sflag:$0x7], $0x80, $0x38;
	[tilespmem:$0x1DA00] =	vst v63  }
0x3a6: {  	s9 =	sadd.s32 $0x12598, s0;
	s10 =	sadd.s32 $0x30, s7  }
0x3a7: {  	[hbm4b:s10+s4] =	stream.linear.scatter [tilespmem:s9], [sflag:$0x7], $0x80, $0x38;
	[tilespmem:$0x1DA00] =	vst v63  }
0x3a8: {  	s11 =	sadd.s32 $0x12620, s0;
	s12 =	sadd.s32 $0x40, s7  }
0x3a9: {  	[hbm4b:s12+s4] =	stream.linear.scatter [tilespmem:s11], [sflag:$0x7], $0x80, $0x38;
	[tilespmem:$0x1DA00] =	vst v63  }
0x3aa: {  	s13 =	sadd.s32 $0x126A8, s0;
	s17 =	sadd.s32 $0x50, s7  }
0x3ab: {  	[hbm4b:s17+s4] =	stream.linear.scatter [tilespmem:s13], [sflag:$0x7], $0x80, $0x38;
	[tilespmem:$0x1DA00] =	vst v63  }
0x3ac: {  	s19 =	sadd.s32 $0x12730, s0;
	s21 =	sadd.s32 $0x60, s7  }
0x3ad: {  	[hbm4b:s21+s4] =	stream.linear.scatter [tilespmem:s19], [sflag:$0x7], $0x80, $0x38;
	[tilespmem:$0x1DA00] =	vst v63  }
0x3ae: {  	s9 =	sadd.s32 $0x127B8, s0;
	s10 =	sadd.s32 $0x70, s7  }
0x3af: {  	[hbm4b:s10+s4] =	stream.linear.scatter [tilespmem:s9], [sflag:$0x7], $0x80, $0x38;
	[tilespmem:$0x1DA00] =	vst v63  }
0x3b0: {  	_ =	swait.ge [sflag:s25], $0x2000  }
0x3b1: {  	[sflag:s25] =	ssyncset.done $0x0  }
0x3b2: {  	[sflag:s25] =	ssyncadd.s32 $0xFFFFE000  }
0x3b3: {  	_ =	swait.ge [sflag:s31], $0x2000  }
0x3b4: {  	[sflag:s31] =	ssyncset.done $0x0  }
0x3b5: {  	[sflag:s31] =	ssyncadd.s32 $0xFFFFE000  }
0x3b6: {  	s11 =	simm.s32 $0x0;
	s12 =	simm.s32 $0x8420;
	v11 =	vld [tilespmem:$0x1D9C0]  }
0x3b7: {  	v8 =	vmov s11;
	v9 =	vld [tilespmem:s12+$0xFFFFFFE0]  }
0x3b8: {  	v16 =	vand.u32 $0x7F, v8  }
0x3b9: {  	v12 =	vadd.s32 v1, v16;
	_ =	sdelay $0x1  }
0x3ba: {  	s7 =	simm.s32 $0x8460;
	s13 =	simm.s32 $0x1;
	v13 =	vld [tilespmem:$0x1D9D0]  }
0x3bb: {  	v8 =	vmov s13;
	v14 =	vld [tilespmem:s7+$0xFFFFFFE0];
	v15 =	vadd.f32 v9, v11  }
0x3bc: {  	v10 =	vld [tilespmem:$0x1D9E0];
	v9 =	vand.u32 $0x7F, v8  }
0x3bd: {  	v8 =	vld [tilespmem:$0x1D9F0];
	v17 =	vadd.s32 v1, v9;
	[tilespmem:v12+s26+$0x0] =	vst.idx.msk $0xffff, v15  }
0x3be: {  	v15 =	vld [tilespmem:s12+$0xFFFFFFF0];
	_ =	sdelay $0x1  }
0x3bf: {  	s17 =	simm.s32 $0x2;
	v18 =	vadd.s32 v5, v16;
	s10 =	simm.s32 $0x84A0;
	v14 =	vadd.f32 v14, v11  }
0x3c0: {  	v19 =	vld [tilespmem:s10+$0xFFFFFFE0];
	v12 =	vmov s17  }
0x3c1: {  	v12 =	vand.u32 $0x7F, v12;
	[tilespmem:v17+s26+$0x0] =	vst.idx.msk $0xffff, v14  }
0x3c2: {  	v14 =	vadd.s32 v1, v12;
	v17 =	vld [tilespmem:s7+$0xFFFFFFF0];
	v15 =	vadd.f32 v15, v13;
	_ =	sdelay $0x1  }
0x3c3: {  	[tilespmem:v18+s26+$0x0] =	vst.idx.msk $0xffff, v15  }
0x3c4: {  	s11 =	simm.s32 $0x84E0;
	s19 =	simm.s32 $0x3;
	v20 =	vadd.s32 v5, v9;
	v15 =	vadd.f32 v19, v11;
	v18 =	vld [tilespmem:s12+$0x0]  }
0x3c5: {  	v21 =	vld [tilespmem:s11+$0xFFFFFFE0];
	v19 =	vmov s19  }
0x3c6: {  	[tilespmem:v14+s26+$0x0] =	vst.idx.msk $0xffff, v15;
	v15 =	vadd.f32 v17, v13;
	v14 =	vand.u32 $0x7F, v19;
	v17 =	vadd.s32 v6, v16  }
0x3c7: {  	v22 =	vadd.s32 v1, v14  }
0x3c8: {  	v19 =	vld [tilespmem:s10+$0xFFFFFFF0]  }
0x3c9: {  	[tilespmem:v20+s26+$0x0] =	vst.idx.msk $0xffff, v15;
	v15 =	vadd.f32 v18, v10  }
0x3ca: {  	s0 =	simm.s32 $0x8520;
	s21 =	simm.s32 $0x4;
	v23 =	vadd.s32 v5, v12;
	v24 =	vld [tilespmem:s7+$0x0];
	v18 =	vadd.f32 v21, v11  }
0x3cb: {  	v25 =	vld [tilespmem:s0+$0xFFFFFFE0];
	v20 =	vmov s21;
	[tilespmem:v17+s26+$0x0] =	vst.idx.msk $0xffff, v15  }
0x3cc: {  	v15 =	vand.u32 $0x7F, v20;
	[tilespmem:v22+s26+$0x0] =	vst.idx.msk $0xffff, v18;
	v18 =	vadd.s32 v6, v9;
	v17 =	vld [tilespmem:s12+$0x10]  }
0x3cd: {  	v19 =	vadd.f32 v19, v13;
	v20 =	vadd.s32 v1, v15  }
0x3ce: {  	v16 =	vadd.s32 v7, v16;
	v21 =	vld [tilespmem:s11+$0xFFFFFFF0]  }
0x3cf: {  	[tilespmem:v23+s26+$0x0] =	vst.idx.msk $0xffff, v19;
	v23 =	vadd.f32 v24, v10  }
0x3d0: {  	s8 =	simm.s32 $0x5;
	s9 =	simm.s32 $0x8560;
	v22 =	vadd.s32 v5, v14;
	v24 =	vadd.f32 v25, v11;
	v19 =	vld [tilespmem:s10+$0x0]  }
.LBB2_44:
0x3d1: {  	v25 =	vmov s8;
	v26 =	vld [tilespmem:s9+$0xFFFFFFE0];
	[tilespmem:v18+s26+$0x0] =	vst.idx.msk $0xffff, v23;
	v23 =	vadd.f32 v17, v8;
	p0 =	sne.s32 s8, $0x7F  }
.Ltmp27:
0x3d2: {  	s8 =	sadd.s32 $0x1, s8;
	v18 =	vadd.s32 v6, v12;
	v25 =	vand.u32 $0x7F, v25;
	[tilespmem:v20+s26+$0x0] =	vst.idx.msk $0xffff, v24;
	v17 =	vld [tilespmem:s7+$0x10];
	(pc) =	sbr.rel @p0 .LBB2_44-.Ltmp27, $4  }
0x3d3: {  	s7 =	smov.u32 s10;
	s10 =	smov.u32 s11;
	s11 =	smov.u32 s0;
	v20 =	vadd.s32 v1, v25;
	v24 =	vadd.f32 v21, v13;
	[tilespmem:v16+s26+$0x0] =	vst.idx.msk $0xffff, v23  }
0x3d4: {  	s0 =	smov.u32 s9;
	v16 =	vadd.s32 v7, v9;
	v9 =	vmovc v12;
	v12 =	vmovc v14;
	v14 =	vmov v15;
	v15 =	vmov v25;
	v21 =	vld [tilespmem:s11+$0xFFFFFFF0]  }
0x3d5: {  	[tilespmem:v22+s26+$0x0] =	vst.idx.msk $0xffff, v24;
	v23 =	vadd.f32 v19, v10  }
0x3d6: {  	s9 =	sadd.s32 $0x40, s9;
	v22 =	vadd.s32 v5, v14;
	v24 =	vadd.f32 v26, v11;
	v19 =	vld [tilespmem:s10+$0x0]  }
0x3d7: {  	_ =	sdelay $0x3  }
0x3d8: {  	[tilespmem:v20+s26+$0x0] =	vst.idx.msk $0xffff, v24  }
0x3d9: {  	v11 =	vld [tilespmem:s0+$0xFFFFFFF0];
	_ =	sdelay $0x1  }
0x3da: {  	v53 =	vadd.s32 v5, v15;
	_ =	sdelay $0x1  }
0x3db: {  	v21 =	vadd.f32 v21, v13  }
0x3dc: {  	v11 =	vadd.f32 v11, v13  }
0x3dd: {  	[tilespmem:v22+s26+$0x0] =	vst.idx.msk $0xffff, v21  }
0x3de: {  	v54 =	vld [tilespmem:s11+$0x0];
	[tilespmem:v53+s26+$0x0] =	vst.idx.msk $0xffff, v11  }
0x3df: {  	v55 =	vadd.s32 v6, v12;
	v20 =	vld [tilespmem:s0+$0x0]  }
0x3e0: {  	v56 =	vadd.s32 v6, v14  }
0x3e1: {  	v57 =	vadd.s32 v6, v15  }
0x3e2: {  	v19 =	vadd.f32 v19, v10  }
0x3e3: {  	[tilespmem:v18+s26+$0x0] =	vst.idx.msk $0xffff, v23;
	v13 =	vadd.f32 v54, v10  }
0x3e4: {  	v18 =	vld [tilespmem:s7+$0x10];
	[tilespmem:v55+s26+$0x0] =	vst.idx.msk $0xffff, v19;
	v58 =	vadd.f32 v20, v10  }
0x3e5: {  	v11 =	vld [tilespmem:s10+$0x10];
	[tilespmem:v56+s26+$0x0] =	vst.idx.msk $0xffff, v13  }
0x3e6: {  	v9 =	vadd.s32 v7, v9;
	v13 =	vld [tilespmem:s11+$0x10];
	[tilespmem:v57+s26+$0x0] =	vst.idx.msk $0xffff, v58  }
0x3e7: {  	v59 =	vadd.s32 v7, v12;
	v60 =	vld [tilespmem:s0+$0x10]  }
0x3e8: {  	v17 =	vadd.f32 v17, v8;
	v61 =	vadd.s32 v7, v14  }
0x3e9: {  	v62 =	vadd.s32 v7, v15;
	v18 =	vadd.f32 v18, v8  }
0x3ea: {  	[tilespmem:v16+s26+$0x0] =	vst.idx.msk $0xffff, v17;
	v11 =	vadd.f32 v11, v8  }
0x3eb: {  	[tilespmem:v9+s26+$0x0] =	vst.idx.msk $0xffff, v18;
	v63 =	vadd.f32 v13, v8  }
0x3ec: {  	[tilespmem:v59+s26+$0x0] =	vst.idx.msk $0xffff, v11;
	v8 =	vadd.f32 v60, v8  }
0x3ed: {  	[tilespmem:v61+s26+$0x0] =	vst.idx.msk $0xffff, v63  }
0x3ee: {  	[tilespmem:v62+s26+$0x0] =	vst.idx.msk $0xffff, v8  }
0x3ef: {  	s12 =	simm.s32 $0x14600;
	s11 =	rddreg [dreg:$0x7]  }
0x3f0: {  	[hbm4b:s11+s4] =	stream.linear.scatter [tilespmem:s12], [sflag:$0x8], $0x80, $0x38;
	[tilespmem:$0x1DA00] =	vst v63  }
0x3f1: {  	s13 =	simm.s32 $0x14688;
	s17 =	sadd.s32 $0x10, s11  }
0x3f2: {  	[hbm4b:s17+s4] =	stream.linear.scatter [tilespmem:s13], [sflag:$0x8], $0x80, $0x38;
	[tilespmem:$0x1DA00] =	vst v63  }
0x3f3: {  	s19 =	simm.s32 $0x14710;
	s8 =	simm.s32 $0x14798;
	s21 =	sadd.s32 $0x20, s11  }
0x3f4: {  	[hbm4b:s21+s4] =	stream.linear.scatter [tilespmem:s19], [sflag:$0x8], $0x80, $0x38;
	[tilespmem:$0x1DA00] =	vst v63  }
0x3f5: {  	s10 =	simm.s32 $0x14820;
	s0 =	simm.s32 $0x440;
	s9 =	sadd.s32 $0x30, s11  }
0x3f6: {  	[hbm4b:s9+s4] =	stream.linear.scatter [tilespmem:s8], [sflag:$0x8], $0x80, $0x38;
	[tilespmem:$0x1DA00] =	vst v63  }
0x3f7: {  	s12 =	sadd.s32 $0x40, s11;
	s7 =	sadd.s32 $0x1000, s11;
	s13 =	simm.s32 $0x148A8  }
0x3f8: {  	[hbm4b:s12+s4] =	stream.linear.scatter [tilespmem:s10], [sflag:$0x8], $0x80, $0x38;
	[tilespmem:$0x1DA00] =	vst v63  }
0x3f9: {  	s17 =	sadd.s32 $0x50, s11;
	s19 =	simm.s32 $0x14930;
	s21 =	sadd.s32 $0x60, s11  }
0x3fa: {  	[hbm4b:s17+s4] =	stream.linear.scatter [tilespmem:s13], [sflag:$0x8], $0x80, $0x38;
	[tilespmem:$0x1DA00] =	vst v63  }
0x3fb: {  	s8 =	simm.s32 $0x2200;
	s9 =	simm.s32 $0x149B8;
	s10 =	sadd.s32 $0x70, s11  }
0x3fc: {  	[hbm4b:s21+s4] =	stream.linear.scatter [tilespmem:s19], [sflag:$0x8], $0x80, $0x38;
	[tilespmem:$0x1DA00] =	vst v63  }
.LBB2_46:
0x3fd: {  	[hbm4b:s10+s4] =	stream.linear.scatter [tilespmem:s9], [sflag:$0x8], $0x80, $0x38;
	[tilespmem:$0x1DA00] =	vst v63  }
0x3fe: {  	s9 =	smov.u32 s0;
	s0 =	smov.u32 s8  }
0x3ff: {  	s11 =	sadd.s32 $0x1100, s8;
	s0 =	sshra.s32 s0, $0x2;
	s10 =	sadd.s32 $0x14600, s9  }
0x400: {  	[hbm4b:s7+s4] =	stream.linear.scatter [tilespmem:s10], [sflag:$0x8], $0x80, $0x38;
	[tilespmem:$0x1DA00] =	vst v63  }
0x401: {  	p0 =	sne.s32 s8, $0x7700;
	s8 =	sadd.s32 $0x14688, s9;
	s10 =	sadd.s32 $0x10, s7  }
0x402: {  	[hbm4b:s10+s4] =	stream.linear.scatter [tilespmem:s8], [sflag:$0x8], $0x80, $0x38;
	[tilespmem:$0x1DA00] =	vst v63  }
0x403: {  	s8 =	sadd.s32 $0x14710, s9;
	s10 =	sadd.s32 $0x20, s7  }
0x404: {  	[hbm4b:s10+s4] =	stream.linear.scatter [tilespmem:s8], [sflag:$0x8], $0x80, $0x38;
	[tilespmem:$0x1DA00] =	vst v63  }
0x405: {  	s8 =	sadd.s32 $0x14798, s9;
	s10 =	sadd.s32 $0x30, s7  }
0x406: {  	[hbm4b:s10+s4] =	stream.linear.scatter [tilespmem:s8], [sflag:$0x8], $0x80, $0x38;
	[tilespmem:$0x1DA00] =	vst v63  }
0x407: {  	s8 =	sadd.s32 $0x14820, s9;
	s10 =	sadd.s32 $0x40, s7  }
0x408: {  	[hbm4b:s10+s4] =	stream.linear.scatter [tilespmem:s8], [sflag:$0x8], $0x80, $0x38;
	[tilespmem:$0x1DA00] =	vst v63  }
.Ltmp28:
0x409: {  	s8 =	sadd.s32 $0x148A8, s9;
	s10 =	sadd.s32 $0x50, s7;
	(pc) =	sbr.rel @p0 .LBB2_46-.Ltmp28, $4  }
0x40a: {  	[hbm4b:s10+s4] =	stream.linear.scatter [tilespmem:s8], [sflag:$0x8], $0x80, $0x38;
	[tilespmem:$0x1DA00] =	vst v63  }
0x40b: {  	s8 =	sadd.s32 $0x14930, s9;
	s10 =	sadd.s32 $0x60, s7;
	s9 =	sadd.s32 $0x149B8, s9  }
0x40c: {  	[hbm4b:s10+s4] =	stream.linear.scatter [tilespmem:s8], [sflag:$0x8], $0x80, $0x38;
	[tilespmem:$0x1DA00] =	vst v63  }
0x40d: {  	s10 =	sadd.s32 $0x70, s7;
	s7 =	sadd.s32 $0x1000, s7;
	s8 =	smov.u32 s11  }
0x40e: {  	[hbm4b:s10+s4] =	stream.linear.scatter [tilespmem:s9], [sflag:$0x8], $0x80, $0x38;
	[tilespmem:$0x1DA00] =	vst v63  }
0x40f: {  	s8 =	sadd.s32 $0x14600, s0  }
0x410: {  	[hbm4b:s7+s4] =	stream.linear.scatter [tilespmem:s8], [sflag:$0x8], $0x80, $0x38;
	[tilespmem:$0x1DA00] =	vst v63  }
0x411: {  	s9 =	sadd.s32 $0x14688, s0;
	s10 =	sadd.s32 $0x10, s7  }
0x412: {  	[hbm4b:s10+s4] =	stream.linear.scatter [tilespmem:s9], [sflag:$0x8], $0x80, $0x38;
	[tilespmem:$0x1DA00] =	vst v63  }
0x413: {  	s11 =	sadd.s32 $0x14710, s0;
	s12 =	sadd.s32 $0x20, s7  }
0x414: {  	[hbm4b:s12+s4] =	stream.linear.scatter [tilespmem:s11], [sflag:$0x8], $0x80, $0x38;
	[tilespmem:$0x1DA00] =	vst v63  }
0x415: {  	s13 =	sadd.s32 $0x14798, s0;
	s17 =	sadd.s32 $0x30, s7  }
0x416: {  	[hbm4b:s17+s4] =	stream.linear.scatter [tilespmem:s13], [sflag:$0x8], $0x80, $0x38;
	[tilespmem:$0x1DA00] =	vst v63  }
0x417: {  	s19 =	sadd.s32 $0x14820, s0;
	s21 =	sadd.s32 $0x40, s7  }
0x418: {  	[hbm4b:s21+s4] =	stream.linear.scatter [tilespmem:s19], [sflag:$0x8], $0x80, $0x38;
	[tilespmem:$0x1DA00] =	vst v63  }
0x419: {  	s9 =	sadd.s32 $0x148A8, s0;
	s10 =	sadd.s32 $0x50, s7  }
0x41a: {  	[hbm4b:s10+s4] =	stream.linear.scatter [tilespmem:s9], [sflag:$0x8], $0x80, $0x38;
	[tilespmem:$0x1DA00] =	vst v63  }
0x41b: {  	s11 =	sadd.s32 $0x14930, s0;
	s12 =	sadd.s32 $0x60, s7  }
0x41c: {  	[hbm4b:s12+s4] =	stream.linear.scatter [tilespmem:s11], [sflag:$0x8], $0x80, $0x38;
	[tilespmem:$0x1DA00] =	vst v63  }
0x41d: {  	s13 =	sadd.s32 $0x149B8, s0;
	s17 =	sadd.s32 $0x70, s7  }
0x41e: {  	[hbm4b:s17+s4] =	stream.linear.scatter [tilespmem:s13], [sflag:$0x8], $0x80, $0x38;
	[tilespmem:$0x1DA00] =	vst v63  }
0x41f: {  	_ =	swait.ge [sflag:s29], $0x2000  }
0x420: {  	[sflag:s29] =	ssyncset.done $0x0  }
0x421: {  	[sflag:s29] =	ssyncadd.s32 $0xFFFFE000  }
0x422: {  	_ =	swait.ge [sflag:s31], $0x2000  }
0x423: {  	s19 =	rddreg [dreg:$0x9]  }
0x424: {  	s21 =	rddreg [dreg:$0x8];
	s7 =	sadd.s32 $0x1, s19  }
0x425: {  	p0 =	sne.s32 s7, s21  }
.Ltmp29:
0x426: {  	_ = 	snop;
	(pc) =	sbr.rel @p0 .LBB2_1-.Ltmp29, $3  }
0x427: {  	_ =	sdelay $0x1  }
0x428: {  	[sflag:s31] =	ssyncset.done $0x0  }
0x429: {  	[sflag:s31] =	ssyncadd.s32 $0xFFFFE000  }
0x42a: {  	_ =	sfence.sel $0x180000  }
0x42b: {  	[bflag:$0x0] =	sbarrier.arrive $0xFFFF  }
0x42c: {  	_ =	strace $0x90000047  }
0x42d: {  	s0 =	stileid.u32;
	[bflag:$0x2] =	sbarrier.arrive $0xFFFF  }
0x42e: {  	p0 =	sne.s32 s0, $0x0;
	s0 =	rddreg [dreg:$0x4]  }
0x42f: {  	s0 =	sadd.s32 @!p0 $0x100000, s0  }
0x430: {  	[sflag:s0] =	ssyncadd.tile.s32 @!p0 $0x1;
	_ =	shalt  }
.Lfunc_end2:
_tile_overlayer_lowered:
.L_overlay_start_2:
0x431: {  	(tag) =	ssettag $0x2  }
0x432: {  	s0 =	rddreg [dreg:$0x0];
	s2 =	stileid.u32  }
0x433: {  	s1 =	rddreg [dreg:$0x1];
	p0 =	sne.s32 s2, $0x0  }
0x434: {  	s3 =	rddreg [dreg:$0x2];
	[bflag:$0x3] =	sbarrier.arrive $0xFFFF;
	s2 =	simm.s32 @!p0 $0x1C09  }
0x435: {  	[timem:s3], [sflag:s2] =	dma.local @!p0 [hbm:s0], s1  }
0x436: {  	s0 =	simm.s32 @!p0 $0x9  }
0x437: {  	_ =	swait.ge @!p0 [sflag:s0], s1  }
0x438: {  	s1 =	ssub.s32 @!p0 $0x0, s1;
	[sflag:s0] =	ssyncset.done @!p0 $0x0  }
0x439: {  	[sflag:s0] =	ssyncadd.s32 @!p0 s1  }
0x43a: {  	[bflag:$0x3] =	sbarrier.arrive $0xFFFF  }
0x43b: {  	_ =	shalt  }

</sc_bundles>
